<compile_context>
chip_gen: v7x
topology: tpu7x:2x2x1
jax: 0.10.2.dev20260603
libtpu: 0.0.44.dev20260713+nightly
codegen_flags: <defaults>
</compile_context>

<pallas_src>
import functools

import numpy as np

import jax
import jax.numpy as jnp
from jax import lax
from jax.experimental import pallas as pl
from jax.experimental.pallas import tpu as pltpu
from jax.experimental.pallas import tpu_sc as plsc

MAX_LEN = 200
VOCAB = 1000000
DIM = 64
BATCH = 4096

_INFO = plsc.get_sparse_core_info()
NC = _INFO.num_cores
NS = _INFO.num_subcores
LANES = _INFO.num_lanes
NW = NC * NS

NBB = 8
BB = BATCH // NBB
NLG = NW // NBB
LPG = MAX_LEN // NLG
QT = 128
NQ = BB // QT
DBLKS = DIM // LANES
PDIM = 2 * DIM


def _pos_encoding() -> np.ndarray:
    pos = np.arange(MAX_LEN, dtype=np.float64)[:, None]
    i = np.arange(0, DIM, 2, dtype=np.float64)[None, :]
    angle = pos / (10000.0 ** (2.0 * i / DIM))
    enc = np.zeros((MAX_LEN, DIM), dtype=np.float64)
    enc[:, 0::2] = np.sin(angle)
    enc[:, 1::2] = np.cos(angle)
    return enc.astype(np.float32)


def _make_sc_kernel():
    mesh = plsc.VectorSubcoreMesh(core_axis_name="c", subcore_axis_name="s")

    @functools.partial(
        pl.kernel,
        mesh=mesh,
        compiler_params=pltpu.CompilerParams(
            use_tc_tiling_on_sc=False, needs_layout_passes=False
        ),
        out_type=jax.ShapeDtypeStruct((MAX_LEN, DIM, BATCH), jnp.float32),
        scratch_types=[
            pltpu.VMEM((LPG, BB), jnp.int32),
            pltpu.VMEM((QT, PDIM), jnp.float32),
            pltpu.VMEM((QT, PDIM), jnp.float32),
            pltpu.VMEM((DIM, BB + 1), jnp.float32),
            pltpu.VMEM((DIM, BB + 1), jnp.float32),
            pltpu.VMEM((LPG * DIM,), jnp.float32),
            pltpu.SemaphoreType.DMA,
            pltpu.SemaphoreType.DMA,
            pltpu.SemaphoreType.DMA,
            pltpu.SemaphoreType.DMA,
        ],
    )
    def k(idx_hbm, table_hbm, pe_hbm, out_hbm,
          idx_v, g0, g1, t0, t1, pe_v, gs0, gs1, os0, os1):
        gbufs, tbufs = (g0, g1), (t0, t1)
        gss, oss = (gs0, gs1), (os0, os1)
        w = lax.axis_index("s") * NC + lax.axis_index("c")
        grp = w // NBB
        b0 = (w % NBB) * BB
        pltpu.sync_copy(idx_hbm.at[w], idx_v)
        pltpu.sync_copy(pe_hbm.at[grp], pe_v)

        def g_start(li, q, qb):
            pltpu.async_copy(
                table_hbm.at[idx_v.at[li, pl.ds(q * QT, QT)]],
                gbufs[qb], gss[qb],
            )

        def g_wait(li, q, qb):
            pltpu.make_async_copy(
                table_hbm.at[idx_v.at[li, pl.ds(q * QT, QT)]],
                gbufs[qb], gss[qb],
            ).wait()

        g_start(0, 0, 0)
        g_start(0, 1, 1)
        d_iota = lax.iota(jnp.int32, LANES)
        zeros16 = jnp.zeros((LANES,), jnp.int32)
        d_rows = [d_iota + db * LANES for db in range(DBLKS)]

        def pair(p, carry):
            for j in range(2):
                li = 2 * p + j
                l = grp * LPG + li

                @pl.when(li >= 2)
                def _():
                    pltpu.make_async_copy(
                        tbufs[j].at[:, pl.ds(0, BB)],
                        out_hbm.at[l - 2, :, pl.ds(b0, BB)], oss[j]
                    ).wait()

                pe_vecs = [
                    pe_v[pl.ds(li * DIM + db * LANES, LANES)]
                    for db in range(DBLKS)
                ]

                for q in range(NQ):
                    qb = q % 2
                    g_wait(li, q, qb)

                    @plsc.parallel_loop(0, QT, unroll=8)
                    def _tr(r, j=j, q=q, qb=qb, pe_vecs=pe_vecs):
                        cols = zeros16 + (q * QT + r)
                        for db in range(DBLKS):
                            v = (gbufs[qb][r, pl.ds(db * LANES, LANES)]
                                 + pe_vecs[db])
                            plsc.store_scatter(
                                tbufs[j], [d_rows[db], cols], v
                            )

                    if q < 2:
                        g_start(li, q + 2, qb)
                    else:
                        @pl.when(li + 1 < LPG)
                        def _(li=li, q=q, qb=qb):
                            g_start(li + 1, q - 2, qb)

                pltpu.async_copy(
                    tbufs[j].at[:, pl.ds(0, BB)],
                    out_hbm.at[l, :, pl.ds(b0, BB)], oss[j]
                )
            return carry

        lax.fori_loop(0, LPG // 2, pair, 0)

        last = grp * LPG + LPG
        pltpu.make_async_copy(
            t0.at[:, pl.ds(0, BB)], out_hbm.at[last - 2, :, pl.ds(b0, BB)], os0
        ).wait()
        pltpu.make_async_copy(
            t1.at[:, pl.ds(0, BB)], out_hbm.at[last - 1, :, pl.ds(b0, BB)], os1
        ).wait()

    return k


_SC_KERNEL = _make_sc_kernel()


def kernel(batch, table):
    idx4 = (
        jnp.transpose(batch.astype(jnp.int32), (1, 0))
        .reshape(NLG, LPG, NBB, BB)
        .transpose(0, 2, 1, 3)
        .reshape(NW, LPG, BB)
    )
    table_p = jnp.pad(table, ((0, 0), (0, PDIM - DIM)))
    pe = jnp.asarray(_pos_encoding()).reshape(NLG, LPG * DIM)
    out_t = _SC_KERNEL(idx4, table_p, pe)
    return jnp.transpose(out_t, (2, 0, 1))

# --- scband reference (transcript-rebuilt; emitter-appended) ---
"""Pipeline reference for scband-input-35124242546992 (READ-ONLY COPY).

The authoritative reference and input builder live on the scoring server;
editing this copy changes nothing except your own understanding.
"""

import jax, jax.numpy as jnp
import numpy as np

MAX_LEN = 200
VOCAB = 1000000
DIM = 64
BATCH = 4096


def positional_encoding():
    # Faithful to the original loop:
    # encoding[pos, i]   = sin(pos / 10000**(2*i/dim))  for i in 0,2,4,...
    # encoding[pos, i+1] = cos(pos / 10000**(2*i/dim))
    pos = np.arange(MAX_LEN, dtype=np.float64)[:, None]
    i = np.arange(0, DIM, 2, dtype=np.float64)[None, :]
    angle = pos / (10000.0 ** (2.0 * i / DIM))
    enc = np.zeros((MAX_LEN, DIM), dtype=np.float64)
    enc[:, 0::2] = np.sin(angle)
    enc[:, 1::2] = np.cos(angle)
    return jnp.asarray(enc, dtype=jnp.float32)


def setup_inputs(seed: int = 0) -> dict:
    key = jax.random.key(seed)
    k1, k2 = jax.random.split(key)
    batch = jax.random.randint(k1, (BATCH, MAX_LEN), 0, VOCAB)
    table = jax.random.normal(k2, (VOCAB, DIM), dtype=jnp.float32)
    return {"batch": batch, "table": table}


def reference(batch, table):
    embeddings = jnp.take(table, batch, axis=0)  # [B, L, D] gather (embedding lookup)
    pos_enc = positional_encoding()              # [L, D]
    return embeddings + pos_enc

if __name__ == "__main__":
    import jax
    _d = setup_inputs()
    print(jax.jit(kernel)(*tuple(_d.values())))

</pallas_src>

<mosaic_0001>
#map = affine_map<(d0, d1) -> (0, 0, 0)>
#map1 = affine_map<(d0, d1) -> (0, 0)>
module attributes {stable_mosaic.version = 14 : i64} {
  func.func @k(%arg0: i32, %arg1: i32, %arg2: memref<32x50x512xi32, #tpu.memory_space<hbm>>, %arg3: memref<1000000x128xf32, #tpu.memory_space<hbm>>, %arg4: memref<4x3200xf32, #tpu.memory_space<hbm>>, %arg5: memref<200x64x4096xf32, #tpu.memory_space<hbm>>, %arg6: memref<50x512xi32, #tpu.memory_space<vmem>>, %arg7: memref<128x128xf32, #tpu.memory_space<vmem>>, %arg8: memref<128x128xf32, #tpu.memory_space<vmem>>, %arg9: memref<64x513xf32, #tpu.memory_space<vmem>>, %arg10: memref<64x513xf32, #tpu.memory_space<vmem>>, %arg11: memref<3200xf32, #tpu.memory_space<vmem>>, %arg12: memref<!tpu.dma_semaphore, #tpu.memory_space<semaphore_mem>>, %arg13: memref<!tpu.dma_semaphore, #tpu.memory_space<semaphore_mem>>, %arg14: memref<!tpu.dma_semaphore, #tpu.memory_space<semaphore_mem>>, %arg15: memref<!tpu.dma_semaphore, #tpu.memory_space<semaphore_mem>>) attributes {dimension_semantics = [#tpu.dimension_semantics<core_parallel>, #tpu.dimension_semantics<subcore_parallel>], iteration_bounds = array<i64: 2, 16>, scalar_prefetch = 0 : i64, scratch_operands = 10 : i64, tpu.core_type = #tpu.core_type<sc_vector_subcore>, window_params = [{transform_indices = #map}, {transform_indices = #map1}, {transform_indices = #map1}, {transform_indices = #map}]} {
    %mul3A = arith.constant 2 : i32
    %mul3A_0 = arith.muli %arg1, %mul3A : i32
    %add3A = arith.addi %mul3A_0, %arg0 : i32
    %jit3A = arith.constant 8 : i32
    %div3A = arith.divsi %add3A, %jit3A : i32
    %sign3A = arith.constant 0 : i32
    %sign3A_1 = arith.cmpi sgt, %add3A, %sign3A : i32
    %sign3A_2 = arith.extui %sign3A_1 : i1 to i32
    %sign3A_3 = arith.constant 0 : i32
    %sign3A_4 = arith.cmpi slt, %add3A, %sign3A_3 : i32
    %sign3A_5 = arith.extui %sign3A_4 : i1 to i32
    %sign3A_6 = arith.subi %sign3A_2, %sign3A_5 : i32
    %sign3A_7 = arith.constant 0 : i32
    %sign3A_8 = arith.cmpi sgt, %jit3A, %sign3A_7 : i32
    %sign3A_9 = arith.extui %sign3A_8 : i1 to i32
    %sign3A_10 = arith.constant 0 : i32
    %sign3A_11 = arith.cmpi slt, %jit3A, %sign3A_10 : i32
    %sign3A_12 = arith.extui %sign3A_11 : i1 to i32
    %sign3A_13 = arith.subi %sign3A_9, %sign3A_12 : i32
    %ne3A = arith.cmpi ne, %sign3A_6, %sign3A_13 : i32
    %rem3A = arith.remsi %add3A, %jit3A : i32
    %ne3A_14 = arith.constant 0 : i32
    %ne3A_15 = arith.cmpi ne, %rem3A, %ne3A_14 : i32
    %and3A = arith.andi %ne3A, %ne3A_15 : i1
    %sub3A = arith.constant 1 : i32
    %sub3A_16 = arith.subi %div3A, %sub3A : i32
    %select_n3A = arith.select %and3A, %sub3A_16, %div3A : i32
    %jit3A_17 = arith.constant 8 : i32
    %eq3A = arith.constant 0 : i32
    %eq3A_18 = arith.cmpi eq, %jit3A_17, %eq3A : i32
    %jit3A_19 = arith.constant 1 : i32
    %select_n3A_20 = arith.select %eq3A_18, %jit3A_19, %jit3A_17 : i32
    %rem3A_21 = arith.remsi %add3A, %select_n3A_20 : i32
    %ne3A_22 = arith.constant 0 : i32
    %ne3A_23 = arith.cmpi ne, %rem3A_21, %ne3A_22 : i32
    %lt3A = arith.constant 0 : i32
    %lt3A_24 = arith.cmpi slt, %rem3A_21, %lt3A : i32
    %lt3A_25 = arith.constant 0 : i32
    %lt3A_26 = arith.cmpi slt, %select_n3A_20, %lt3A_25 : i32
    %ne3A_27 = arith.xori %lt3A_24, %lt3A_26 : i1
    %and3A_28 = arith.andi %ne3A_27, %ne3A_23 : i1
    %add3A_29 = arith.addi %rem3A_21, %select_n3A_20 : i32
    %select_n3A_30 = arith.select %and3A_28, %add3A_29, %rem3A_21 : i32
    %mul3A_31 = arith.constant 512 : i32
    %mul3A_32 = arith.muli %select_n3A_30, %mul3A_31 : i32
    "tpu.region"() ({
      %run_scoped3A = tpu.sem_alloc : memref<!tpu.dma_semaphore, #tpu.memory_space<semaphore_mem>>
      %dma_start3A_95 = arith.constant 0 : i32
      %dma_start3A_96 = arith.constant 0 : i32
      %dma_start3A_97 = tpu.memref_slice %arg2[%add3A, %dma_start3A_95, %dma_start3A_96] : memref<32x50x512xi32, #tpu.memory_space<hbm>> -> memref<1x50x512xi32, #tpu.memory_space<hbm>>
      %dma_start3A_98 = tpu.memref_squeeze %dma_start3A_97 : memref<1x50x512xi32, #tpu.memory_space<hbm>> -> memref<50x512xi32, #tpu.memory_space<hbm>>
      %dma_start3A_99 = arith.constant 0 : i32
      %dma_start3A_100 = arith.constant 0 : i32
      %dma_start3A_101 = tpu.memref_slice %arg2[%add3A, %dma_start3A_99, %dma_start3A_100] : memref<32x50x512xi32, #tpu.memory_space<hbm>> -> memref<1x50x512xi32, #tpu.memory_space<hbm>>
      %dma_start3A_102 = tpu.memref_squeeze %dma_start3A_101 : memref<1x50x512xi32, #tpu.memory_space<hbm>> -> memref<50x512xi32, #tpu.memory_space<hbm>>
      tpu.enqueue_dma source(%dma_start3A_102 : memref<50x512xi32, #tpu.memory_space<hbm>>) target(%arg6 : memref<50x512xi32, #tpu.memory_space<vmem>>) target_semaphore(%run_scoped3A : memref<!tpu.dma_semaphore, #tpu.memory_space<semaphore_mem>>)
      %dma_wait3A_103 = arith.constant 0 : i32
      %dma_wait3A_104 = arith.constant 0 : i32
      %dma_wait3A_105 = tpu.memref_slice %arg2[%add3A, %dma_wait3A_103, %dma_wait3A_104] : memref<32x50x512xi32, #tpu.memory_space<hbm>> -> memref<1x50x512xi32, #tpu.memory_space<hbm>>
      %dma_wait3A_106 = tpu.memref_squeeze %dma_wait3A_105 : memref<1x50x512xi32, #tpu.memory_space<hbm>> -> memref<50x512xi32, #tpu.memory_space<hbm>>
      %dma_wait3A_107 = arith.constant 0 : i32
      %dma_wait3A_108 = arith.constant 0 : i32
      %dma_wait3A_109 = tpu.memref_slice %arg2[%add3A, %dma_wait3A_107, %dma_wait3A_108] : memref<32x50x512xi32, #tpu.memory_space<hbm>> -> memref<1x50x512xi32, #tpu.memory_space<hbm>>
      %dma_wait3A_110 = tpu.memref_squeeze %dma_wait3A_109 : memref<1x50x512xi32, #tpu.memory_space<hbm>> -> memref<50x512xi32, #tpu.memory_space<hbm>>
      tpu.wait_dma2 semaphore(%run_scoped3A : memref<!tpu.dma_semaphore, #tpu.memory_space<semaphore_mem>>) src(%dma_wait3A_110 : memref<50x512xi32, #tpu.memory_space<hbm>>) dst(%arg6 : memref<50x512xi32, #tpu.memory_space<vmem>>)
      tpu.yield
    }) : () -> ()
    "tpu.region"() ({
      %run_scoped3A = tpu.sem_alloc : memref<!tpu.dma_semaphore, #tpu.memory_space<semaphore_mem>>
      %dma_start3A_95 = arith.constant 0 : i32
      %dma_start3A_96 = tpu.memref_slice %arg4[%select_n3A, %dma_start3A_95] : memref<4x3200xf32, #tpu.memory_space<hbm>> -> memref<1x3200xf32, #tpu.memory_space<hbm>>
      %dma_start3A_97 = tpu.memref_squeeze %dma_start3A_96 : memref<1x3200xf32, #tpu.memory_space<hbm>> -> memref<3200xf32, #tpu.memory_space<hbm>>
      %dma_start3A_98 = arith.constant 0 : i32
      %dma_start3A_99 = tpu.memref_slice %arg4[%select_n3A, %dma_start3A_98] : memref<4x3200xf32, #tpu.memory_space<hbm>> -> memref<1x3200xf32, #tpu.memory_space<hbm>>
      %dma_start3A_100 = tpu.memref_squeeze %dma_start3A_99 : memref<1x3200xf32, #tpu.memory_space<hbm>> -> memref<3200xf32, #tpu.memory_space<hbm>>
      tpu.enqueue_dma source(%dma_start3A_100 : memref<3200xf32, #tpu.memory_space<hbm>>) target(%arg11 : memref<3200xf32, #tpu.memory_space<vmem>>) target_semaphore(%run_scoped3A : memref<!tpu.dma_semaphore, #tpu.memory_space<semaphore_mem>>)
      %dma_wait3A_101 = arith.constant 0 : i32
      %dma_wait3A_102 = tpu.memref_slice %arg4[%select_n3A, %dma_wait3A_101] : memref<4x3200xf32, #tpu.memory_space<hbm>> -> memref<1x3200xf32, #tpu.memory_space<hbm>>
      %dma_wait3A_103 = tpu.memref_squeeze %dma_wait3A_102 : memref<1x3200xf32, #tpu.memory_space<hbm>> -> memref<3200xf32, #tpu.memory_space<hbm>>
      %dma_wait3A_104 = arith.constant 0 : i32
      %dma_wait3A_105 = tpu.memref_slice %arg4[%select_n3A, %dma_wait3A_104] : memref<4x3200xf32, #tpu.memory_space<hbm>> -> memref<1x3200xf32, #tpu.memory_space<hbm>>
      %dma_wait3A_106 = tpu.memref_squeeze %dma_wait3A_105 : memref<1x3200xf32, #tpu.memory_space<hbm>> -> memref<3200xf32, #tpu.memory_space<hbm>>
      tpu.wait_dma2 semaphore(%run_scoped3A : memref<!tpu.dma_semaphore, #tpu.memory_space<semaphore_mem>>) src(%dma_wait3A_106 : memref<3200xf32, #tpu.memory_space<hbm>>) dst(%arg11 : memref<3200xf32, #tpu.memory_space<vmem>>)
      tpu.yield
    }) : () -> ()
    %dma_start3A = arith.constant 0 : i32
    %dma_start3A_33 = arith.constant 0 : i32
    %dma_start3A_34 = tpu.memref_slice %arg6[%dma_start3A, %dma_start3A_33] : memref<50x512xi32, #tpu.memory_space<vmem>> -> memref<1x128xi32, #tpu.memory_space<vmem>>
    %dma_start3A_35 = tpu.memref_squeeze %dma_start3A_34 : memref<1x128xi32, #tpu.memory_space<vmem>> -> memref<128xi32, #tpu.memory_space<vmem>>
    %dma_start3A_36 = arith.constant 0 : i32
    %dma_start3A_37 = arith.constant 0 : i32
    %dma_start3A_38 = tpu.memref_slice %arg3[%dma_start3A_36, %dma_start3A_37] : memref<1000000x128xf32, #tpu.memory_space<hbm>> -> memref<1000000x128xf32, #tpu.memory_space<hbm>>
    tpu.enqueue_indirect_dma source(%dma_start3A_38 : memref<1000000x128xf32, #tpu.memory_space<hbm>>) target(%arg7 : memref<128x128xf32, #tpu.memory_space<vmem>>) offsets(%dma_start3A_35 : memref<128xi32, #tpu.memory_space<vmem>>) semaphore(%arg12 : memref<!tpu.dma_semaphore, #tpu.memory_space<semaphore_mem>>)
    %dma_start3A_39 = arith.constant 0 : i32
    %dma_start3A_40 = arith.constant 128 : i32
    %dma_start3A_41 = tpu.memref_slice %arg6[%dma_start3A_39, %dma_start3A_40] : memref<50x512xi32, #tpu.memory_space<vmem>> -> memref<1x128xi32, #tpu.memory_space<vmem>>
    %dma_start3A_42 = tpu.memref_squeeze %dma_start3A_41 : memref<1x128xi32, #tpu.memory_space<vmem>> -> memref<128xi32, #tpu.memory_space<vmem>>
    %dma_start3A_43 = arith.constant 0 : i32
    %dma_start3A_44 = arith.constant 0 : i32
    %dma_start3A_45 = tpu.memref_slice %arg3[%dma_start3A_43, %dma_start3A_44] : memref<1000000x128xf32, #tpu.memory_space<hbm>> -> memref<1000000x128xf32, #tpu.memory_space<hbm>>
    tpu.enqueue_indirect_dma source(%dma_start3A_45 : memref<1000000x128xf32, #tpu.memory_space<hbm>>) target(%arg8 : memref<128x128xf32, #tpu.memory_space<vmem>>) offsets(%dma_start3A_42 : memref<128xi32, #tpu.memory_space<vmem>>) semaphore(%arg13 : memref<!tpu.dma_semaphore, #tpu.memory_space<semaphore_mem>>)
    %iota3A = tpu.iota {dimensions = array<i32: 0>} : vector<16xi32>
    %broadcast_in_dim3A = arith.constant 0 : i32
    %broadcast_in_dim3A_46 = vector.broadcast %broadcast_in_dim3A : i32 to vector<16xi32>
    %add3A_47 = arith.constant 0 : i32
    %add3A_48 = vector.broadcast %add3A_47 : i32 to vector<16xi32>
    %add3A_49 = arith.addi %iota3A, %add3A_48 : vector<16xi32>
    %add3A_50 = arith.constant 16 : i32
    %add3A_51 = vector.broadcast %add3A_50 : i32 to vector<16xi32>
    %add3A_52 = arith.addi %iota3A, %add3A_51 : vector<16xi32>
    %add3A_53 = arith.constant 32 : i32
    %add3A_54 = vector.broadcast %add3A_53 : i32 to vector<16xi32>
    %add3A_55 = arith.addi %iota3A, %add3A_54 : vector<16xi32>
    %add3A_56 = arith.constant 48 : i32
    %add3A_57 = vector.broadcast %add3A_56 : i32 to vector<16xi32>
    %add3A_58 = arith.addi %iota3A, %add3A_57 : vector<16xi32>
    %scan3A = arith.constant 0 : i32
    %scan3A_59 = arith.constant 0 : i32
    %scan3A_60 = arith.constant 25 : i32
    %scan3A_61 = arith.addi %scan3A_59, %scan3A_60 : i32
    %scan3A_62 = arith.constant 1 : i32
    scf.for %scan3A_95 = %scan3A_59 to %scan3A_61 step %scan3A_62  : i32 {
      %mul3A_96 = arith.constant 2 : i32
      %mul3A_97 = arith.muli %mul3A_96, %scan3A_95 : i32
      %add3A_98 = arith.constant 0 : i32
      %add3A_99 = arith.addi %mul3A_97, %add3A_98 : i32
      %mul3A_100 = arith.constant 50 : i32
      %mul3A_101 = arith.muli %select_n3A, %mul3A_100 : i32
      %add3A_102 = arith.addi %mul3A_101, %add3A_99 : i32
      %ge3A = arith.constant 2 : i32
      %ge3A_103 = arith.cmpi sge, %add3A_99, %ge3A : i32
      %convert_element_type3A = arith.extui %ge3A_103 : i1 to i32
      %cond3A = arith.constant 0 : i32
      %cond3A_104 = arith.cmpi ne, %convert_element_type3A, %cond3A : i32
      scf.if %cond3A_104 {
        %sub3A_311 = arith.constant 2 : i32
        %sub3A_312 = arith.subi %add3A_102, %sub3A_311 : i32
        %dma_wait3A_313 = arith.constant 0 : i32
        %dma_wait3A_314 = arith.constant 0 : i32
        %dma_wait3A_315 = tpu.memref_slice %arg9[%dma_wait3A_313, %dma_wait3A_314] : memref<64x513xf32, #tpu.memory_space<vmem>> -> memref<64x512xf32, #tpu.memory_space<vmem>>
        %dma_wait3A_316 = arith.constant 0 : i32
        %dma_wait3A_317 = tpu.memref_slice %arg5[%sub3A_312, %dma_wait3A_316, %mul3A_32] : memref<200x64x4096xf32, #tpu.memory_space<hbm>> -> memref<1x64x512xf32, #tpu.memory_space<hbm>>
        %dma_wait3A_318 = tpu.memref_squeeze %dma_wait3A_317 : memref<1x64x512xf32, #tpu.memory_space<hbm>> -> memref<64x512xf32, #tpu.memory_space<hbm>>
        %dma_wait3A_319 = arith.constant 0 : i32
        %dma_wait3A_320 = tpu.memref_slice %arg5[%sub3A_312, %dma_wait3A_319, %mul3A_32] : memref<200x64x4096xf32, #tpu.memory_space<hbm>> -> memref<1x64x512xf32, #tpu.memory_space<hbm>>
        %dma_wait3A_321 = tpu.memref_squeeze %dma_wait3A_320 : memref<1x64x512xf32, #tpu.memory_space<hbm>> -> memref<64x512xf32, #tpu.memory_space<hbm>>
        %dma_wait3A_322 = arith.constant 0 : i32
        %dma_wait3A_323 = arith.constant 0 : i32
        %dma_wait3A_324 = tpu.memref_slice %arg9[%dma_wait3A_322, %dma_wait3A_323] : memref<64x513xf32, #tpu.memory_space<vmem>> -> memref<64x512xf32, #tpu.memory_space<vmem>>
        tpu.wait_dma2 semaphore(%arg14 : memref<!tpu.dma_semaphore, #tpu.memory_space<semaphore_mem>>) src(%dma_wait3A_324 : memref<64x512xf32, #tpu.memory_space<vmem>>) dst(%dma_wait3A_321 : memref<64x512xf32, #tpu.memory_space<hbm>>)
      } else {
      }
      %mul3A_105 = arith.constant 64 : i32
      %mul3A_106 = arith.muli %add3A_99, %mul3A_105 : i32
      %add3A_107 = arith.constant 0 : i32
      %add3A_108 = arith.addi %mul3A_106, %add3A_107 : i32
      %get3A = arith.index_cast %add3A_108 : i32 to index
      %get3A_109 = tpu.vector_load %arg11[%get3A] {strides = array<i32>} : memref<3200xf32, #tpu.memory_space<vmem>>, vector<16xf32>,
      %mul3A_110 = arith.constant 64 : i32
      %mul3A_111 = arith.muli %add3A_99, %mul3A_110 : i32
      %add3A_112 = arith.constant 16 : i32
      %add3A_113 = arith.addi %mul3A_111, %add3A_112 : i32
      %get3A_114 = arith.index_cast %add3A_113 : i32 to index
      %get3A_115 = tpu.vector_load %arg11[%get3A_114] {strides = array<i32>} : memref<3200xf32, #tpu.memory_space<vmem>>, vector<16xf32>,
      %mul3A_116 = arith.constant 64 : i32
      %mul3A_117 = arith.muli %add3A_99, %mul3A_116 : i32
      %add3A_118 = arith.constant 32 : i32
      %add3A_119 = arith.addi %mul3A_117, %add3A_118 : i32
      %get3A_120 = arith.index_cast %add3A_119 : i32 to index
      %get3A_121 = tpu.vector_load %arg11[%get3A_120] {strides = array<i32>} : memref<3200xf32, #tpu.memory_space<vmem>>, vector<16xf32>,
      %mul3A_122 = arith.constant 64 : i32
      %mul3A_123 = arith.muli %add3A_99, %mul3A_122 : i32
      %add3A_124 = arith.constant 48 : i32
      %add3A_125 = arith.addi %mul3A_123, %add3A_124 : i32
      %get3A_126 = arith.index_cast %add3A_125 : i32 to index
      %get3A_127 = tpu.vector_load %arg11[%get3A_126] {strides = array<i32>} : memref<3200xf32, #tpu.memory_space<vmem>>, vector<16xf32>,
      %dma_wait3A_128 = arith.constant 0 : i32
      %dma_wait3A_129 = tpu.memref_slice %arg6[%add3A_99, %dma_wait3A_128] : memref<50x512xi32, #tpu.memory_space<vmem>> -> memref<1x128xi32, #tpu.memory_space<vmem>>
      %dma_wait3A_130 = tpu.memref_squeeze %dma_wait3A_129 : memref<1x128xi32, #tpu.memory_space<vmem>> -> memref<128xi32, #tpu.memory_space<vmem>>
      %dma_wait3A_131 = arith.constant 0 : i32
      %dma_wait3A_132 = arith.constant 0 : i32
      %dma_wait3A_133 = tpu.memref_slice %arg3[%dma_wait3A_131, %dma_wait3A_132] : memref<1000000x128xf32, #tpu.memory_space<hbm>> -> memref<1000000x128xf32, #tpu.memory_space<hbm>>
      tpu.wait_indirect_dma semaphore(%arg12 : memref<!tpu.dma_semaphore, #tpu.memory_space<semaphore_mem>>) src(%dma_wait3A_133 : memref<1000000x128xf32, #tpu.memory_space<hbm>>) dst(%arg7 : memref<128x128xf32, #tpu.memory_space<vmem>>)
      %parallel_loop3A = arith.constant 0 : i32
      %parallel_loop3A_134 = arith.constant 128 : i32
      %parallel_loop3A_135 = arith.constant 1 : i32
      scf.for %parallel_loop3A_311 = %parallel_loop3A to %parallel_loop3A_134 step %parallel_loop3A_135  : i32 {
        %parallel_loop3A_312 = arith.constant 0 : i32
        %parallel_loop3A_313 = arith.addi %parallel_loop3A_312, %parallel_loop3A_311 : i32
        %parallel_loop3A_314 = vector.broadcast %parallel_loop3A_313 : i32 to vector<16xi32>
        %parallel_loop3A_315 = arith.addi %broadcast_in_dim3A_46, %parallel_loop3A_314 : vector<16xi32>
        %parallel_loop3A_316 = arith.index_cast %parallel_loop3A_311 : i32 to index
        %parallel_loop3A_317 = arith.constant 0 : index
        %parallel_loop3A_318 = tpu.vector_load %arg7[%parallel_loop3A_316, %parallel_loop3A_317] {strides = array<i32>} : memref<128x128xf32, #tpu.memory_space<vmem>>, vector<16xf32>,
        %parallel_loop3A_319 = arith.addf %parallel_loop3A_318, %get3A_109 : vector<16xf32>
        tpu.vector_store_idx %arg9[%add3A_49, %parallel_loop3A_315], %parallel_loop3A_319 : memref<64x513xf32, #tpu.memory_space<vmem>>[vector<16xi32>, vector<16xi32>], vector<16xf32>,
        %parallel_loop3A_320 = arith.index_cast %parallel_loop3A_311 : i32 to index
        %parallel_loop3A_321 = arith.constant 16 : index
        %parallel_loop3A_322 = tpu.vector_load %arg7[%parallel_loop3A_320, %parallel_loop3A_321] {strides = array<i32>} : memref<128x128xf32, #tpu.memory_space<vmem>>, vector<16xf32>,
        %parallel_loop3A_323 = arith.addf %parallel_loop3A_322, %get3A_115 : vector<16xf32>
        tpu.vector_store_idx %arg9[%add3A_52, %parallel_loop3A_315], %parallel_loop3A_323 : memref<64x513xf32, #tpu.memory_space<vmem>>[vector<16xi32>, vector<16xi32>], vector<16xf32>,
        %parallel_loop3A_324 = arith.index_cast %parallel_loop3A_311 : i32 to index
        %parallel_loop3A_325 = arith.constant 32 : index
        %parallel_loop3A_326 = tpu.vector_load %arg7[%parallel_loop3A_324, %parallel_loop3A_325] {strides = array<i32>} : memref<128x128xf32, #tpu.memory_space<vmem>>, vector<16xf32>,
        %parallel_loop3A_327 = arith.addf %parallel_loop3A_326, %get3A_121 : vector<16xf32>
        tpu.vector_store_idx %arg9[%add3A_55, %parallel_loop3A_315], %parallel_loop3A_327 : memref<64x513xf32, #tpu.memory_space<vmem>>[vector<16xi32>, vector<16xi32>], vector<16xf32>,
        %parallel_loop3A_328 = arith.index_cast %parallel_loop3A_311 : i32 to index
        %parallel_loop3A_329 = arith.constant 48 : index
        %parallel_loop3A_330 = tpu.vector_load %arg7[%parallel_loop3A_328, %parallel_loop3A_329] {strides = array<i32>} : memref<128x128xf32, #tpu.memory_space<vmem>>, vector<16xf32>,
        %parallel_loop3A_331 = arith.addf %parallel_loop3A_330, %get3A_127 : vector<16xf32>
        tpu.vector_store_idx %arg9[%add3A_58, %parallel_loop3A_315], %parallel_loop3A_331 : memref<64x513xf32, #tpu.memory_space<vmem>>[vector<16xi32>, vector<16xi32>], vector<16xf32>,
      } {sc.loop_unroll_factor = 8 : i64, sc.parallel_access}
      %dma_start3A_136 = arith.constant 256 : i32
      %dma_start3A_137 = tpu.memref_slice %arg6[%add3A_99, %dma_start3A_136] : memref<50x512xi32, #tpu.memory_space<vmem>> -> memref<1x128xi32, #tpu.memory_space<vmem>>
      %dma_start3A_138 = tpu.memref_squeeze %dma_start3A_137 : memref<1x128xi32, #tpu.memory_space<vmem>> -> memref<128xi32, #tpu.memory_space<vmem>>
      %dma_start3A_139 = arith.constant 0 : i32
      %dma_start3A_140 = arith.constant 0 : i32
      %dma_start3A_141 = tpu.memref_slice %arg3[%dma_start3A_139, %dma_start3A_140] : memref<1000000x128xf32, #tpu.memory_space<hbm>> -> memref<1000000x128xf32, #tpu.memory_space<hbm>>
      tpu.enqueue_indirect_dma source(%dma_start3A_141 : memref<1000000x128xf32, #tpu.memory_space<hbm>>) target(%arg7 : memref<128x128xf32, #tpu.memory_space<vmem>>) offsets(%dma_start3A_138 : memref<128xi32, #tpu.memory_space<vmem>>) semaphore(%arg12 : memref<!tpu.dma_semaphore, #tpu.memory_space<semaphore_mem>>)
      %dma_wait3A_142 = arith.constant 128 : i32
      %dma_wait3A_143 = tpu.memref_slice %arg6[%add3A_99, %dma_wait3A_142] : memref<50x512xi32, #tpu.memory_space<vmem>> -> memref<1x128xi32, #tpu.memory_space<vmem>>
      %dma_wait3A_144 = tpu.memref_squeeze %dma_wait3A_143 : memref<1x128xi32, #tpu.memory_space<vmem>> -> memref<128xi32, #tpu.memory_space<vmem>>
      %dma_wait3A_145 = arith.constant 0 : i32
      %dma_wait3A_146 = arith.constant 0 : i32
      %dma_wait3A_147 = tpu.memref_slice %arg3[%dma_wait3A_145, %dma_wait3A_146] : memref<1000000x128xf32, #tpu.memory_space<hbm>> -> memref<1000000x128xf32, #tpu.memory_space<hbm>>
      tpu.wait_indirect_dma semaphore(%arg13 : memref<!tpu.dma_semaphore, #tpu.memory_space<semaphore_mem>>) src(%dma_wait3A_147 : memref<1000000x128xf32, #tpu.memory_space<hbm>>) dst(%arg8 : memref<128x128xf32, #tpu.memory_space<vmem>>)
      %parallel_loop3A_148 = arith.constant 0 : i32
      %parallel_loop3A_149 = arith.constant 128 : i32
      %parallel_loop3A_150 = arith.constant 1 : i32
      scf.for %parallel_loop3A_311 = %parallel_loop3A_148 to %parallel_loop3A_149 step %parallel_loop3A_150  : i32 {
        %parallel_loop3A_312 = arith.constant 128 : i32
        %parallel_loop3A_313 = arith.addi %parallel_loop3A_312, %parallel_loop3A_311 : i32
        %parallel_loop3A_314 = vector.broadcast %parallel_loop3A_313 : i32 to vector<16xi32>
        %parallel_loop3A_315 = arith.addi %broadcast_in_dim3A_46, %parallel_loop3A_314 : vector<16xi32>
        %parallel_loop3A_316 = arith.index_cast %parallel_loop3A_311 : i32 to index
        %parallel_loop3A_317 = arith.constant 0 : index
        %parallel_loop3A_318 = tpu.vector_load %arg8[%parallel_loop3A_316, %parallel_loop3A_317] {strides = array<i32>} : memref<128x128xf32, #tpu.memory_space<vmem>>, vector<16xf32>,
        %parallel_loop3A_319 = arith.addf %parallel_loop3A_318, %get3A_109 : vector<16xf32>
        tpu.vector_store_idx %arg9[%add3A_49, %parallel_loop3A_315], %parallel_loop3A_319 : memref<64x513xf32, #tpu.memory_space<vmem>>[vector<16xi32>, vector<16xi32>], vector<16xf32>,
        %parallel_loop3A_320 = arith.index_cast %parallel_loop3A_311 : i32 to index
        %parallel_loop3A_321 = arith.constant 16 : index
        %parallel_loop3A_322 = tpu.vector_load %arg8[%parallel_loop3A_320, %parallel_loop3A_321] {strides = array<i32>} : memref<128x128xf32, #tpu.memory_space<vmem>>, vector<16xf32>,
        %parallel_loop3A_323 = arith.addf %parallel_loop3A_322, %get3A_115 : vector<16xf32>
        tpu.vector_store_idx %arg9[%add3A_52, %parallel_loop3A_315], %parallel_loop3A_323 : memref<64x513xf32, #tpu.memory_space<vmem>>[vector<16xi32>, vector<16xi32>], vector<16xf32>,
        %parallel_loop3A_324 = arith.index_cast %parallel_loop3A_311 : i32 to index
        %parallel_loop3A_325 = arith.constant 32 : index
        %parallel_loop3A_326 = tpu.vector_load %arg8[%parallel_loop3A_324, %parallel_loop3A_325] {strides = array<i32>} : memref<128x128xf32, #tpu.memory_space<vmem>>, vector<16xf32>,
        %parallel_loop3A_327 = arith.addf %parallel_loop3A_326, %get3A_121 : vector<16xf32>
        tpu.vector_store_idx %arg9[%add3A_55, %parallel_loop3A_315], %parallel_loop3A_327 : memref<64x513xf32, #tpu.memory_space<vmem>>[vector<16xi32>, vector<16xi32>], vector<16xf32>,
        %parallel_loop3A_328 = arith.index_cast %parallel_loop3A_311 : i32 to index
        %parallel_loop3A_329 = arith.constant 48 : index
        %parallel_loop3A_330 = tpu.vector_load %arg8[%parallel_loop3A_328, %parallel_loop3A_329] {strides = array<i32>} : memref<128x128xf32, #tpu.memory_space<vmem>>, vector<16xf32>,
        %parallel_loop3A_331 = arith.addf %parallel_loop3A_330, %get3A_127 : vector<16xf32>
        tpu.vector_store_idx %arg9[%add3A_58, %parallel_loop3A_315], %parallel_loop3A_331 : memref<64x513xf32, #tpu.memory_space<vmem>>[vector<16xi32>, vector<16xi32>], vector<16xf32>,
      } {sc.loop_unroll_factor = 8 : i64, sc.parallel_access}
      %dma_start3A_151 = arith.constant 384 : i32
      %dma_start3A_152 = tpu.memref_slice %arg6[%add3A_99, %dma_start3A_151] : memref<50x512xi32, #tpu.memory_space<vmem>> -> memref<1x128xi32, #tpu.memory_space<vmem>>
      %dma_start3A_153 = tpu.memref_squeeze %dma_start3A_152 : memref<1x128xi32, #tpu.memory_space<vmem>> -> memref<128xi32, #tpu.memory_space<vmem>>
      %dma_start3A_154 = arith.constant 0 : i32
      %dma_start3A_155 = arith.constant 0 : i32
      %dma_start3A_156 = tpu.memref_slice %arg3[%dma_start3A_154, %dma_start3A_155] : memref<1000000x128xf32, #tpu.memory_space<hbm>> -> memref<1000000x128xf32, #tpu.memory_space<hbm>>
      tpu.enqueue_indirect_dma source(%dma_start3A_156 : memref<1000000x128xf32, #tpu.memory_space<hbm>>) target(%arg8 : memref<128x128xf32, #tpu.memory_space<vmem>>) offsets(%dma_start3A_153 : memref<128xi32, #tpu.memory_space<vmem>>) semaphore(%arg13 : memref<!tpu.dma_semaphore, #tpu.memory_space<semaphore_mem>>)
      %dma_wait3A_157 = arith.constant 256 : i32
      %dma_wait3A_158 = tpu.memref_slice %arg6[%add3A_99, %dma_wait3A_157] : memref<50x512xi32, #tpu.memory_space<vmem>> -> memref<1x128xi32, #tpu.memory_space<vmem>>
      %dma_wait3A_159 = tpu.memref_squeeze %dma_wait3A_158 : memref<1x128xi32, #tpu.memory_space<vmem>> -> memref<128xi32, #tpu.memory_space<vmem>>
      %dma_wait3A_160 = arith.constant 0 : i32
      %dma_wait3A_161 = arith.constant 0 : i32
      %dma_wait3A_162 = tpu.memref_slice %arg3[%dma_wait3A_160, %dma_wait3A_161] : memref<1000000x128xf32, #tpu.memory_space<hbm>> -> memref<1000000x128xf32, #tpu.memory_space<hbm>>
      tpu.wait_indirect_dma semaphore(%arg12 : memref<!tpu.dma_semaphore, #tpu.memory_space<semaphore_mem>>) src(%dma_wait3A_162 : memref<1000000x128xf32, #tpu.memory_space<hbm>>) dst(%arg7 : memref<128x128xf32, #tpu.memory_space<vmem>>)
      %parallel_loop3A_163 = arith.constant 0 : i32
      %parallel_loop3A_164 = arith.constant 128 : i32
      %parallel_loop3A_165 = arith.constant 1 : i32
      scf.for %parallel_loop3A_311 = %parallel_loop3A_163 to %parallel_loop3A_164 step %parallel_loop3A_165  : i32 {
        %parallel_loop3A_312 = arith.constant 256 : i32
        %parallel_loop3A_313 = arith.addi %parallel_loop3A_312, %parallel_loop3A_311 : i32
        %parallel_loop3A_314 = vector.broadcast %parallel_loop3A_313 : i32 to vector<16xi32>
        %parallel_loop3A_315 = arith.addi %broadcast_in_dim3A_46, %parallel_loop3A_314 : vector<16xi32>
        %parallel_loop3A_316 = arith.index_cast %parallel_loop3A_311 : i32 to index
        %parallel_loop3A_317 = arith.constant 0 : index
        %parallel_loop3A_318 = tpu.vector_load %arg7[%parallel_loop3A_316, %parallel_loop3A_317] {strides = array<i32>} : memref<128x128xf32, #tpu.memory_space<vmem>>, vector<16xf32>,
        %parallel_loop3A_319 = arith.addf %parallel_loop3A_318, %get3A_109 : vector<16xf32>
        tpu.vector_store_idx %arg9[%add3A_49, %parallel_loop3A_315], %parallel_loop3A_319 : memref<64x513xf32, #tpu.memory_space<vmem>>[vector<16xi32>, vector<16xi32>], vector<16xf32>,
        %parallel_loop3A_320 = arith.index_cast %parallel_loop3A_311 : i32 to index
        %parallel_loop3A_321 = arith.constant 16 : index
        %parallel_loop3A_322 = tpu.vector_load %arg7[%parallel_loop3A_320, %parallel_loop3A_321] {strides = array<i32>} : memref<128x128xf32, #tpu.memory_space<vmem>>, vector<16xf32>,
        %parallel_loop3A_323 = arith.addf %parallel_loop3A_322, %get3A_115 : vector<16xf32>
        tpu.vector_store_idx %arg9[%add3A_52, %parallel_loop3A_315], %parallel_loop3A_323 : memref<64x513xf32, #tpu.memory_space<vmem>>[vector<16xi32>, vector<16xi32>], vector<16xf32>,
        %parallel_loop3A_324 = arith.index_cast %parallel_loop3A_311 : i32 to index
        %parallel_loop3A_325 = arith.constant 32 : index
        %parallel_loop3A_326 = tpu.vector_load %arg7[%parallel_loop3A_324, %parallel_loop3A_325] {strides = array<i32>} : memref<128x128xf32, #tpu.memory_space<vmem>>, vector<16xf32>,
        %parallel_loop3A_327 = arith.addf %parallel_loop3A_326, %get3A_121 : vector<16xf32>
        tpu.vector_store_idx %arg9[%add3A_55, %parallel_loop3A_315], %parallel_loop3A_327 : memref<64x513xf32, #tpu.memory_space<vmem>>[vector<16xi32>, vector<16xi32>], vector<16xf32>,
        %parallel_loop3A_328 = arith.index_cast %parallel_loop3A_311 : i32 to index
        %parallel_loop3A_329 = arith.constant 48 : index
        %parallel_loop3A_330 = tpu.vector_load %arg7[%parallel_loop3A_328, %parallel_loop3A_329] {strides = array<i32>} : memref<128x128xf32, #tpu.memory_space<vmem>>, vector<16xf32>,
        %parallel_loop3A_331 = arith.addf %parallel_loop3A_330, %get3A_127 : vector<16xf32>
        tpu.vector_store_idx %arg9[%add3A_58, %parallel_loop3A_315], %parallel_loop3A_331 : memref<64x513xf32, #tpu.memory_space<vmem>>[vector<16xi32>, vector<16xi32>], vector<16xf32>,
      } {sc.loop_unroll_factor = 8 : i64, sc.parallel_access}
      %add3A_166 = arith.constant 1 : i32
      %add3A_167 = arith.addi %add3A_99, %add3A_166 : i32
      %lt3A_168 = arith.constant 50 : i32
      %lt3A_169 = arith.cmpi slt, %add3A_167, %lt3A_168 : i32
      %convert_element_type3A_170 = arith.extui %lt3A_169 : i1 to i32
      %cond3A_171 = arith.constant 0 : i32
      %cond3A_172 = arith.cmpi ne, %convert_element_type3A_170, %cond3A_171 : i32
      scf.if %cond3A_172 {
        %add3A_311 = arith.constant 1 : i32
        %add3A_312 = arith.addi %add3A_99, %add3A_311 : i32
        %dma_start3A_313 = arith.constant 0 : i32
        %dma_start3A_314 = tpu.memref_slice %arg6[%add3A_312, %dma_start3A_313] : memref<50x512xi32, #tpu.memory_space<vmem>> -> memref<1x128xi32, #tpu.memory_space<vmem>>
        %dma_start3A_315 = tpu.memref_squeeze %dma_start3A_314 : memref<1x128xi32, #tpu.memory_space<vmem>> -> memref<128xi32, #tpu.memory_space<vmem>>
        %dma_start3A_316 = arith.constant 0 : i32
        %dma_start3A_317 = arith.constant 0 : i32
        %dma_start3A_318 = tpu.memref_slice %arg3[%dma_start3A_316, %dma_start3A_317] : memref<1000000x128xf32, #tpu.memory_space<hbm>> -> memref<1000000x128xf32, #tpu.memory_space<hbm>>
        tpu.enqueue_indirect_dma source(%dma_start3A_318 : memref<1000000x128xf32, #tpu.memory_space<hbm>>) target(%arg7 : memref<128x128xf32, #tpu.memory_space<vmem>>) offsets(%dma_start3A_315 : memref<128xi32, #tpu.memory_space<vmem>>) semaphore(%arg12 : memref<!tpu.dma_semaphore, #tpu.memory_space<semaphore_mem>>)
      } else {
      }
      %dma_wait3A_173 = arith.constant 384 : i32
      %dma_wait3A_174 = tpu.memref_slice %arg6[%add3A_99, %dma_wait3A_173] : memref<50x512xi32, #tpu.memory_space<vmem>> -> memref<1x128xi32, #tpu.memory_space<vmem>>
      %dma_wait3A_175 = tpu.memref_squeeze %dma_wait3A_174 : memref<1x128xi32, #tpu.memory_space<vmem>> -> memref<128xi32, #tpu.memory_space<vmem>>
      %dma_wait3A_176 = arith.constant 0 : i32
      %dma_wait3A_177 = arith.constant 0 : i32
      %dma_wait3A_178 = tpu.memref_slice %arg3[%dma_wait3A_176, %dma_wait3A_177] : memref<1000000x128xf32, #tpu.memory_space<hbm>> -> memref<1000000x128xf32, #tpu.memory_space<hbm>>
      tpu.wait_indirect_dma semaphore(%arg13 : memref<!tpu.dma_semaphore, #tpu.memory_space<semaphore_mem>>) src(%dma_wait3A_178 : memref<1000000x128xf32, #tpu.memory_space<hbm>>) dst(%arg8 : memref<128x128xf32, #tpu.memory_space<vmem>>)
      %parallel_loop3A_179 = arith.constant 0 : i32
      %parallel_loop3A_180 = arith.constant 128 : i32
      %parallel_loop3A_181 = arith.constant 1 : i32
      scf.for %parallel_loop3A_311 = %parallel_loop3A_179 to %parallel_loop3A_180 step %parallel_loop3A_181  : i32 {
        %parallel_loop3A_312 = arith.constant 384 : i32
        %parallel_loop3A_313 = arith.addi %parallel_loop3A_312, %parallel_loop3A_311 : i32
        %parallel_loop3A_314 = vector.broadcast %parallel_loop3A_313 : i32 to vector<16xi32>
        %parallel_loop3A_315 = arith.addi %broadcast_in_dim3A_46, %parallel_loop3A_314 : vector<16xi32>
        %parallel_loop3A_316 = arith.index_cast %parallel_loop3A_311 : i32 to index
        %parallel_loop3A_317 = arith.constant 0 : index
        %parallel_loop3A_318 = tpu.vector_load %arg8[%parallel_loop3A_316, %parallel_loop3A_317] {strides = array<i32>} : memref<128x128xf32, #tpu.memory_space<vmem>>, vector<16xf32>,
        %parallel_loop3A_319 = arith.addf %parallel_loop3A_318, %get3A_109 : vector<16xf32>
        tpu.vector_store_idx %arg9[%add3A_49, %parallel_loop3A_315], %parallel_loop3A_319 : memref<64x513xf32, #tpu.memory_space<vmem>>[vector<16xi32>, vector<16xi32>], vector<16xf32>,
        %parallel_loop3A_320 = arith.index_cast %parallel_loop3A_311 : i32 to index
        %parallel_loop3A_321 = arith.constant 16 : index
        %parallel_loop3A_322 = tpu.vector_load %arg8[%parallel_loop3A_320, %parallel_loop3A_321] {strides = array<i32>} : memref<128x128xf32, #tpu.memory_space<vmem>>, vector<16xf32>,
        %parallel_loop3A_323 = arith.addf %parallel_loop3A_322, %get3A_115 : vector<16xf32>
        tpu.vector_store_idx %arg9[%add3A_52, %parallel_loop3A_315], %parallel_loop3A_323 : memref<64x513xf32, #tpu.memory_space<vmem>>[vector<16xi32>, vector<16xi32>], vector<16xf32>,
        %parallel_loop3A_324 = arith.index_cast %parallel_loop3A_311 : i32 to index
        %parallel_loop3A_325 = arith.constant 32 : index
        %parallel_loop3A_326 = tpu.vector_load %arg8[%parallel_loop3A_324, %parallel_loop3A_325] {strides = array<i32>} : memref<128x128xf32, #tpu.memory_space<vmem>>, vector<16xf32>,
        %parallel_loop3A_327 = arith.addf %parallel_loop3A_326, %get3A_121 : vector<16xf32>
        tpu.vector_store_idx %arg9[%add3A_55, %parallel_loop3A_315], %parallel_loop3A_327 : memref<64x513xf32, #tpu.memory_space<vmem>>[vector<16xi32>, vector<16xi32>], vector<16xf32>,
        %parallel_loop3A_328 = arith.index_cast %parallel_loop3A_311 : i32 to index
        %parallel_loop3A_329 = arith.constant 48 : index
        %parallel_loop3A_330 = tpu.vector_load %arg8[%parallel_loop3A_328, %parallel_loop3A_329] {strides = array<i32>} : memref<128x128xf32, #tpu.memory_space<vmem>>, vector<16xf32>,
        %parallel_loop3A_331 = arith.addf %parallel_loop3A_330, %get3A_127 : vector<16xf32>
        tpu.vector_store_idx %arg9[%add3A_58, %parallel_loop3A_315], %parallel_loop3A_331 : memref<64x513xf32, #tpu.memory_space<vmem>>[vector<16xi32>, vector<16xi32>], vector<16xf32>,
      } {sc.loop_unroll_factor = 8 : i64, sc.parallel_access}
      %add3A_182 = arith.constant 1 : i32
      %add3A_183 = arith.addi %add3A_99, %add3A_182 : i32
      %lt3A_184 = arith.constant 50 : i32
      %lt3A_185 = arith.cmpi slt, %add3A_183, %lt3A_184 : i32
      %convert_element_type3A_186 = arith.extui %lt3A_185 : i1 to i32
      %cond3A_187 = arith.constant 0 : i32
      %cond3A_188 = arith.cmpi ne, %convert_element_type3A_186, %cond3A_187 : i32
      scf.if %cond3A_188 {
        %add3A_311 = arith.constant 1 : i32
        %add3A_312 = arith.addi %add3A_99, %add3A_311 : i32
        %dma_start3A_313 = arith.constant 128 : i32
        %dma_start3A_314 = tpu.memref_slice %arg6[%add3A_312, %dma_start3A_313] : memref<50x512xi32, #tpu.memory_space<vmem>> -> memref<1x128xi32, #tpu.memory_space<vmem>>
        %dma_start3A_315 = tpu.memref_squeeze %dma_start3A_314 : memref<1x128xi32, #tpu.memory_space<vmem>> -> memref<128xi32, #tpu.memory_space<vmem>>
        %dma_start3A_316 = arith.constant 0 : i32
        %dma_start3A_317 = arith.constant 0 : i32
        %dma_start3A_318 = tpu.memref_slice %arg3[%dma_start3A_316, %dma_start3A_317] : memref<1000000x128xf32, #tpu.memory_space<hbm>> -> memref<1000000x128xf32, #tpu.memory_space<hbm>>
        tpu.enqueue_indirect_dma source(%dma_start3A_318 : memref<1000000x128xf32, #tpu.memory_space<hbm>>) target(%arg8 : memref<128x128xf32, #tpu.memory_space<vmem>>) offsets(%dma_start3A_315 : memref<128xi32, #tpu.memory_space<vmem>>) semaphore(%arg13 : memref<!tpu.dma_semaphore, #tpu.memory_space<semaphore_mem>>)
      } else {
      }
      %dma_start3A_189 = arith.constant 0 : i32
      %dma_start3A_190 = arith.constant 0 : i32
      %dma_start3A_191 = tpu.memref_slice %arg9[%dma_start3A_189, %dma_start3A_190] : memref<64x513xf32, #tpu.memory_space<vmem>> -> memref<64x512xf32, #tpu.memory_space<vmem>>
      %dma_start3A_192 = arith.constant 0 : i32
      %dma_start3A_193 = tpu.memref_slice %arg5[%add3A_102, %dma_start3A_192, %mul3A_32] : memref<200x64x4096xf32, #tpu.memory_space<hbm>> -> memref<1x64x512xf32, #tpu.memory_space<hbm>>
      %dma_start3A_194 = tpu.memref_squeeze %dma_start3A_193 : memref<1x64x512xf32, #tpu.memory_space<hbm>> -> memref<64x512xf32, #tpu.memory_space<hbm>>
      %dma_start3A_195 = arith.constant 0 : i32
      %dma_start3A_196 = tpu.memref_slice %arg5[%add3A_102, %dma_start3A_195, %mul3A_32] : memref<200x64x4096xf32, #tpu.memory_space<hbm>> -> memref<1x64x512xf32, #tpu.memory_space<hbm>>
      %dma_start3A_197 = tpu.memref_squeeze %dma_start3A_196 : memref<1x64x512xf32, #tpu.memory_space<hbm>> -> memref<64x512xf32, #tpu.memory_space<hbm>>
      %dma_start3A_198 = arith.constant 0 : i32
      %dma_start3A_199 = arith.constant 0 : i32
      %dma_start3A_200 = tpu.memref_slice %arg9[%dma_start3A_198, %dma_start3A_199] : memref<64x513xf32, #tpu.memory_space<vmem>> -> memref<64x512xf32, #tpu.memory_space<vmem>>
      tpu.enqueue_dma source(%dma_start3A_200 : memref<64x512xf32, #tpu.memory_space<vmem>>) target(%dma_start3A_197 : memref<64x512xf32, #tpu.memory_space<hbm>>) target_semaphore(%arg14 : memref<!tpu.dma_semaphore, #tpu.memory_space<semaphore_mem>>)
      %mul3A_201 = arith.constant 2 : i32
      %mul3A_202 = arith.muli %mul3A_201, %scan3A_95 : i32
      %add3A_203 = arith.constant 1 : i32
      %add3A_204 = arith.addi %mul3A_202, %add3A_203 : i32
      %mul3A_205 = arith.constant 50 : i32
      %mul3A_206 = arith.muli %select_n3A, %mul3A_205 : i32
      %add3A_207 = arith.addi %mul3A_206, %add3A_204 : i32
      %ge3A_208 = arith.constant 2 : i32
      %ge3A_209 = arith.cmpi sge, %add3A_204, %ge3A_208 : i32
      %convert_element_type3A_210 = arith.extui %ge3A_209 : i1 to i32
      %cond3A_211 = arith.constant 0 : i32
      %cond3A_212 = arith.cmpi ne, %convert_element_type3A_210, %cond3A_211 : i32
      scf.if %cond3A_212 {
        %sub3A_311 = arith.constant 2 : i32
        %sub3A_312 = arith.subi %add3A_207, %sub3A_311 : i32
        %dma_wait3A_313 = arith.constant 0 : i32
        %dma_wait3A_314 = arith.constant 0 : i32
        %dma_wait3A_315 = tpu.memref_slice %arg10[%dma_wait3A_313, %dma_wait3A_314] : memref<64x513xf32, #tpu.memory_space<vmem>> -> memref<64x512xf32, #tpu.memory_space<vmem>>
        %dma_wait3A_316 = arith.constant 0 : i32
        %dma_wait3A_317 = tpu.memref_slice %arg5[%sub3A_312, %dma_wait3A_316, %mul3A_32] : memref<200x64x4096xf32, #tpu.memory_space<hbm>> -> memref<1x64x512xf32, #tpu.memory_space<hbm>>
        %dma_wait3A_318 = tpu.memref_squeeze %dma_wait3A_317 : memref<1x64x512xf32, #tpu.memory_space<hbm>> -> memref<64x512xf32, #tpu.memory_space<hbm>>
        %dma_wait3A_319 = arith.constant 0 : i32
        %dma_wait3A_320 = tpu.memref_slice %arg5[%sub3A_312, %dma_wait3A_319, %mul3A_32] : memref<200x64x4096xf32, #tpu.memory_space<hbm>> -> memref<1x64x512xf32, #tpu.memory_space<hbm>>
        %dma_wait3A_321 = tpu.memref_squeeze %dma_wait3A_320 : memref<1x64x512xf32, #tpu.memory_space<hbm>> -> memref<64x512xf32, #tpu.memory_space<hbm>>
        %dma_wait3A_322 = arith.constant 0 : i32
        %dma_wait3A_323 = arith.constant 0 : i32
        %dma_wait3A_324 = tpu.memref_slice %arg10[%dma_wait3A_322, %dma_wait3A_323] : memref<64x513xf32, #tpu.memory_space<vmem>> -> memref<64x512xf32, #tpu.memory_space<vmem>>
        tpu.wait_dma2 semaphore(%arg15 : memref<!tpu.dma_semaphore, #tpu.memory_space<semaphore_mem>>) src(%dma_wait3A_324 : memref<64x512xf32, #tpu.memory_space<vmem>>) dst(%dma_wait3A_321 : memref<64x512xf32, #tpu.memory_space<hbm>>)
      } else {
      }
      %mul3A_213 = arith.constant 64 : i32
      %mul3A_214 = arith.muli %add3A_204, %mul3A_213 : i32
      %add3A_215 = arith.constant 0 : i32
      %add3A_216 = arith.addi %mul3A_214, %add3A_215 : i32
      %get3A_217 = arith.index_cast %add3A_216 : i32 to index
      %get3A_218 = tpu.vector_load %arg11[%get3A_217] {strides = array<i32>} : memref<3200xf32, #tpu.memory_space<vmem>>, vector<16xf32>,
      %mul3A_219 = arith.constant 64 : i32
      %mul3A_220 = arith.muli %add3A_204, %mul3A_219 : i32
      %add3A_221 = arith.constant 16 : i32
      %add3A_222 = arith.addi %mul3A_220, %add3A_221 : i32
      %get3A_223 = arith.index_cast %add3A_222 : i32 to index
      %get3A_224 = tpu.vector_load %arg11[%get3A_223] {strides = array<i32>} : memref<3200xf32, #tpu.memory_space<vmem>>, vector<16xf32>,
      %mul3A_225 = arith.constant 64 : i32
      %mul3A_226 = arith.muli %add3A_204, %mul3A_225 : i32
      %add3A_227 = arith.constant 32 : i32
      %add3A_228 = arith.addi %mul3A_226, %add3A_227 : i32
      %get3A_229 = arith.index_cast %add3A_228 : i32 to index
      %get3A_230 = tpu.vector_load %arg11[%get3A_229] {strides = array<i32>} : memref<3200xf32, #tpu.memory_space<vmem>>, vector<16xf32>,
      %mul3A_231 = arith.constant 64 : i32
      %mul3A_232 = arith.muli %add3A_204, %mul3A_231 : i32
      %add3A_233 = arith.constant 48 : i32
      %add3A_234 = arith.addi %mul3A_232, %add3A_233 : i32
      %get3A_235 = arith.index_cast %add3A_234 : i32 to index
      %get3A_236 = tpu.vector_load %arg11[%get3A_235] {strides = array<i32>} : memref<3200xf32, #tpu.memory_space<vmem>>, vector<16xf32>,
      %dma_wait3A_237 = arith.constant 0 : i32
      %dma_wait3A_238 = tpu.memref_slice %arg6[%add3A_204, %dma_wait3A_237] : memref<50x512xi32, #tpu.memory_space<vmem>> -> memref<1x128xi32, #tpu.memory_space<vmem>>
      %dma_wait3A_239 = tpu.memref_squeeze %dma_wait3A_238 : memref<1x128xi32, #tpu.memory_space<vmem>> -> memref<128xi32, #tpu.memory_space<vmem>>
      %dma_wait3A_240 = arith.constant 0 : i32
      %dma_wait3A_241 = arith.constant 0 : i32
      %dma_wait3A_242 = tpu.memref_slice %arg3[%dma_wait3A_240, %dma_wait3A_241] : memref<1000000x128xf32, #tpu.memory_space<hbm>> -> memref<1000000x128xf32, #tpu.memory_space<hbm>>
      tpu.wait_indirect_dma semaphore(%arg12 : memref<!tpu.dma_semaphore, #tpu.memory_space<semaphore_mem>>) src(%dma_wait3A_242 : memref<1000000x128xf32, #tpu.memory_space<hbm>>) dst(%arg7 : memref<128x128xf32, #tpu.memory_space<vmem>>)
      %parallel_loop3A_243 = arith.constant 0 : i32
      %parallel_loop3A_244 = arith.constant 128 : i32
      %parallel_loop3A_245 = arith.constant 1 : i32
      scf.for %parallel_loop3A_311 = %parallel_loop3A_243 to %parallel_loop3A_244 step %parallel_loop3A_245  : i32 {
        %parallel_loop3A_312 = arith.constant 0 : i32
        %parallel_loop3A_313 = arith.addi %parallel_loop3A_312, %parallel_loop3A_311 : i32
        %parallel_loop3A_314 = vector.broadcast %parallel_loop3A_313 : i32 to vector<16xi32>
        %parallel_loop3A_315 = arith.addi %broadcast_in_dim3A_46, %parallel_loop3A_314 : vector<16xi32>
        %parallel_loop3A_316 = arith.index_cast %parallel_loop3A_311 : i32 to index
        %parallel_loop3A_317 = arith.constant 0 : index
        %parallel_loop3A_318 = tpu.vector_load %arg7[%parallel_loop3A_316, %parallel_loop3A_317] {strides = array<i32>} : memref<128x128xf32, #tpu.memory_space<vmem>>, vector<16xf32>,
        %parallel_loop3A_319 = arith.addf %parallel_loop3A_318, %get3A_218 : vector<16xf32>
        tpu.vector_store_idx %arg10[%add3A_49, %parallel_loop3A_315], %parallel_loop3A_319 : memref<64x513xf32, #tpu.memory_space<vmem>>[vector<16xi32>, vector<16xi32>], vector<16xf32>,
        %parallel_loop3A_320 = arith.index_cast %parallel_loop3A_311 : i32 to index
        %parallel_loop3A_321 = arith.constant 16 : index
        %parallel_loop3A_322 = tpu.vector_load %arg7[%parallel_loop3A_320, %parallel_loop3A_321] {strides = array<i32>} : memref<128x128xf32, #tpu.memory_space<vmem>>, vector<16xf32>,
        %parallel_loop3A_323 = arith.addf %parallel_loop3A_322, %get3A_224 : vector<16xf32>
        tpu.vector_store_idx %arg10[%add3A_52, %parallel_loop3A_315], %parallel_loop3A_323 : memref<64x513xf32, #tpu.memory_space<vmem>>[vector<16xi32>, vector<16xi32>], vector<16xf32>,
        %parallel_loop3A_324 = arith.index_cast %parallel_loop3A_311 : i32 to index
        %parallel_loop3A_325 = arith.constant 32 : index
        %parallel_loop3A_326 = tpu.vector_load %arg7[%parallel_loop3A_324, %parallel_loop3A_325] {strides = array<i32>} : memref<128x128xf32, #tpu.memory_space<vmem>>, vector<16xf32>,
        %parallel_loop3A_327 = arith.addf %parallel_loop3A_326, %get3A_230 : vector<16xf32>
        tpu.vector_store_idx %arg10[%add3A_55, %parallel_loop3A_315], %parallel_loop3A_327 : memref<64x513xf32, #tpu.memory_space<vmem>>[vector<16xi32>, vector<16xi32>], vector<16xf32>,
        %parallel_loop3A_328 = arith.index_cast %parallel_loop3A_311 : i32 to index
        %parallel_loop3A_329 = arith.constant 48 : index
        %parallel_loop3A_330 = tpu.vector_load %arg7[%parallel_loop3A_328, %parallel_loop3A_329] {strides = array<i32>} : memref<128x128xf32, #tpu.memory_space<vmem>>, vector<16xf32>,
        %parallel_loop3A_331 = arith.addf %parallel_loop3A_330, %get3A_236 : vector<16xf32>
        tpu.vector_store_idx %arg10[%add3A_58, %parallel_loop3A_315], %parallel_loop3A_331 : memref<64x513xf32, #tpu.memory_space<vmem>>[vector<16xi32>, vector<16xi32>], vector<16xf32>,
      } {sc.loop_unroll_factor = 8 : i64, sc.parallel_access}
      %dma_start3A_246 = arith.constant 256 : i32
      %dma_start3A_247 = tpu.memref_slice %arg6[%add3A_204, %dma_start3A_246] : memref<50x512xi32, #tpu.memory_space<vmem>> -> memref<1x128xi32, #tpu.memory_space<vmem>>
      %dma_start3A_248 = tpu.memref_squeeze %dma_start3A_247 : memref<1x128xi32, #tpu.memory_space<vmem>> -> memref<128xi32, #tpu.memory_space<vmem>>
      %dma_start3A_249 = arith.constant 0 : i32
      %dma_start3A_250 = arith.constant 0 : i32
      %dma_start3A_251 = tpu.memref_slice %arg3[%dma_start3A_249, %dma_start3A_250] : memref<1000000x128xf32, #tpu.memory_space<hbm>> -> memref<1000000x128xf32, #tpu.memory_space<hbm>>
      tpu.enqueue_indirect_dma source(%dma_start3A_251 : memref<1000000x128xf32, #tpu.memory_space<hbm>>) target(%arg7 : memref<128x128xf32, #tpu.memory_space<vmem>>) offsets(%dma_start3A_248 : memref<128xi32, #tpu.memory_space<vmem>>) semaphore(%arg12 : memref<!tpu.dma_semaphore, #tpu.memory_space<semaphore_mem>>)
      %dma_wait3A_252 = arith.constant 128 : i32
      %dma_wait3A_253 = tpu.memref_slice %arg6[%add3A_204, %dma_wait3A_252] : memref<50x512xi32, #tpu.memory_space<vmem>> -> memref<1x128xi32, #tpu.memory_space<vmem>>
      %dma_wait3A_254 = tpu.memref_squeeze %dma_wait3A_253 : memref<1x128xi32, #tpu.memory_space<vmem>> -> memref<128xi32, #tpu.memory_space<vmem>>
      %dma_wait3A_255 = arith.constant 0 : i32
      %dma_wait3A_256 = arith.constant 0 : i32
      %dma_wait3A_257 = tpu.memref_slice %arg3[%dma_wait3A_255, %dma_wait3A_256] : memref<1000000x128xf32, #tpu.memory_space<hbm>> -> memref<1000000x128xf32, #tpu.memory_space<hbm>>
      tpu.wait_indirect_dma semaphore(%arg13 : memref<!tpu.dma_semaphore, #tpu.memory_space<semaphore_mem>>) src(%dma_wait3A_257 : memref<1000000x128xf32, #tpu.memory_space<hbm>>) dst(%arg8 : memref<128x128xf32, #tpu.memory_space<vmem>>)
      %parallel_loop3A_258 = arith.constant 0 : i32
      %parallel_loop3A_259 = arith.constant 128 : i32
      %parallel_loop3A_260 = arith.constant 1 : i32
      scf.for %parallel_loop3A_311 = %parallel_loop3A_258 to %parallel_loop3A_259 step %parallel_loop3A_260  : i32 {
        %parallel_loop3A_312 = arith.constant 128 : i32
        %parallel_loop3A_313 = arith.addi %parallel_loop3A_312, %parallel_loop3A_311 : i32
        %parallel_loop3A_314 = vector.broadcast %parallel_loop3A_313 : i32 to vector<16xi32>
        %parallel_loop3A_315 = arith.addi %broadcast_in_dim3A_46, %parallel_loop3A_314 : vector<16xi32>
        %parallel_loop3A_316 = arith.index_cast %parallel_loop3A_311 : i32 to index
        %parallel_loop3A_317 = arith.constant 0 : index
        %parallel_loop3A_318 = tpu.vector_load %arg8[%parallel_loop3A_316, %parallel_loop3A_317] {strides = array<i32>} : memref<128x128xf32, #tpu.memory_space<vmem>>, vector<16xf32>,
        %parallel_loop3A_319 = arith.addf %parallel_loop3A_318, %get3A_218 : vector<16xf32>
        tpu.vector_store_idx %arg10[%add3A_49, %parallel_loop3A_315], %parallel_loop3A_319 : memref<64x513xf32, #tpu.memory_space<vmem>>[vector<16xi32>, vector<16xi32>], vector<16xf32>,
        %parallel_loop3A_320 = arith.index_cast %parallel_loop3A_311 : i32 to index
        %parallel_loop3A_321 = arith.constant 16 : index
        %parallel_loop3A_322 = tpu.vector_load %arg8[%parallel_loop3A_320, %parallel_loop3A_321] {strides = array<i32>} : memref<128x128xf32, #tpu.memory_space<vmem>>, vector<16xf32>,
        %parallel_loop3A_323 = arith.addf %parallel_loop3A_322, %get3A_224 : vector<16xf32>
        tpu.vector_store_idx %arg10[%add3A_52, %parallel_loop3A_315], %parallel_loop3A_323 : memref<64x513xf32, #tpu.memory_space<vmem>>[vector<16xi32>, vector<16xi32>], vector<16xf32>,
        %parallel_loop3A_324 = arith.index_cast %parallel_loop3A_311 : i32 to index
        %parallel_loop3A_325 = arith.constant 32 : index
        %parallel_loop3A_326 = tpu.vector_load %arg8[%parallel_loop3A_324, %parallel_loop3A_325] {strides = array<i32>} : memref<128x128xf32, #tpu.memory_space<vmem>>, vector<16xf32>,
        %parallel_loop3A_327 = arith.addf %parallel_loop3A_326, %get3A_230 : vector<16xf32>
        tpu.vector_store_idx %arg10[%add3A_55, %parallel_loop3A_315], %parallel_loop3A_327 : memref<64x513xf32, #tpu.memory_space<vmem>>[vector<16xi32>, vector<16xi32>], vector<16xf32>,
        %parallel_loop3A_328 = arith.index_cast %parallel_loop3A_311 : i32 to index
        %parallel_loop3A_329 = arith.constant 48 : index
        %parallel_loop3A_330 = tpu.vector_load %arg8[%parallel_loop3A_328, %parallel_loop3A_329] {strides = array<i32>} : memref<128x128xf32, #tpu.memory_space<vmem>>, vector<16xf32>,
        %parallel_loop3A_331 = arith.addf %parallel_loop3A_330, %get3A_236 : vector<16xf32>
        tpu.vector_store_idx %arg10[%add3A_58, %parallel_loop3A_315], %parallel_loop3A_331 : memref<64x513xf32, #tpu.memory_space<vmem>>[vector<16xi32>, vector<16xi32>], vector<16xf32>,
      } {sc.loop_unroll_factor = 8 : i64, sc.parallel_access}
      %dma_start3A_261 = arith.constant 384 : i32
      %dma_start3A_262 = tpu.memref_slice %arg6[%add3A_204, %dma_start3A_261] : memref<50x512xi32, #tpu.memory_space<vmem>> -> memref<1x128xi32, #tpu.memory_space<vmem>>
      %dma_start3A_263 = tpu.memref_squeeze %dma_start3A_262 : memref<1x128xi32, #tpu.memory_space<vmem>> -> memref<128xi32, #tpu.memory_space<vmem>>
      %dma_start3A_264 = arith.constant 0 : i32
      %dma_start3A_265 = arith.constant 0 : i32
      %dma_start3A_266 = tpu.memref_slice %arg3[%dma_start3A_264, %dma_start3A_265] : memref<1000000x128xf32, #tpu.memory_space<hbm>> -> memref<1000000x128xf32, #tpu.memory_space<hbm>>
      tpu.enqueue_indirect_dma source(%dma_start3A_266 : memref<1000000x128xf32, #tpu.memory_space<hbm>>) target(%arg8 : memref<128x128xf32, #tpu.memory_space<vmem>>) offsets(%dma_start3A_263 : memref<128xi32, #tpu.memory_space<vmem>>) semaphore(%arg13 : memref<!tpu.dma_semaphore, #tpu.memory_space<semaphore_mem>>)
      %dma_wait3A_267 = arith.constant 256 : i32
      %dma_wait3A_268 = tpu.memref_slice %arg6[%add3A_204, %dma_wait3A_267] : memref<50x512xi32, #tpu.memory_space<vmem>> -> memref<1x128xi32, #tpu.memory_space<vmem>>
      %dma_wait3A_269 = tpu.memref_squeeze %dma_wait3A_268 : memref<1x128xi32, #tpu.memory_space<vmem>> -> memref<128xi32, #tpu.memory_space<vmem>>
      %dma_wait3A_270 = arith.constant 0 : i32
      %dma_wait3A_271 = arith.constant 0 : i32
      %dma_wait3A_272 = tpu.memref_slice %arg3[%dma_wait3A_270, %dma_wait3A_271] : memref<1000000x128xf32, #tpu.memory_space<hbm>> -> memref<1000000x128xf32, #tpu.memory_space<hbm>>
      tpu.wait_indirect_dma semaphore(%arg12 : memref<!tpu.dma_semaphore, #tpu.memory_space<semaphore_mem>>) src(%dma_wait3A_272 : memref<1000000x128xf32, #tpu.memory_space<hbm>>) dst(%arg7 : memref<128x128xf32, #tpu.memory_space<vmem>>)
      %parallel_loop3A_273 = arith.constant 0 : i32
      %parallel_loop3A_274 = arith.constant 128 : i32
      %parallel_loop3A_275 = arith.constant 1 : i32
      scf.for %parallel_loop3A_311 = %parallel_loop3A_273 to %parallel_loop3A_274 step %parallel_loop3A_275  : i32 {
        %parallel_loop3A_312 = arith.constant 256 : i32
        %parallel_loop3A_313 = arith.addi %parallel_loop3A_312, %parallel_loop3A_311 : i32
        %parallel_loop3A_314 = vector.broadcast %parallel_loop3A_313 : i32 to vector<16xi32>
        %parallel_loop3A_315 = arith.addi %broadcast_in_dim3A_46, %parallel_loop3A_314 : vector<16xi32>
        %parallel_loop3A_316 = arith.index_cast %parallel_loop3A_311 : i32 to index
        %parallel_loop3A_317 = arith.constant 0 : index
        %parallel_loop3A_318 = tpu.vector_load %arg7[%parallel_loop3A_316, %parallel_loop3A_317] {strides = array<i32>} : memref<128x128xf32, #tpu.memory_space<vmem>>, vector<16xf32>,
        %parallel_loop3A_319 = arith.addf %parallel_loop3A_318, %get3A_218 : vector<16xf32>
        tpu.vector_store_idx %arg10[%add3A_49, %parallel_loop3A_315], %parallel_loop3A_319 : memref<64x513xf32, #tpu.memory_space<vmem>>[vector<16xi32>, vector<16xi32>], vector<16xf32>,
        %parallel_loop3A_320 = arith.index_cast %parallel_loop3A_311 : i32 to index
        %parallel_loop3A_321 = arith.constant 16 : index
        %parallel_loop3A_322 = tpu.vector_load %arg7[%parallel_loop3A_320, %parallel_loop3A_321] {strides = array<i32>} : memref<128x128xf32, #tpu.memory_space<vmem>>, vector<16xf32>,
        %parallel_loop3A_323 = arith.addf %parallel_loop3A_322, %get3A_224 : vector<16xf32>
        tpu.vector_store_idx %arg10[%add3A_52, %parallel_loop3A_315], %parallel_loop3A_323 : memref<64x513xf32, #tpu.memory_space<vmem>>[vector<16xi32>, vector<16xi32>], vector<16xf32>,
        %parallel_loop3A_324 = arith.index_cast %parallel_loop3A_311 : i32 to index
        %parallel_loop3A_325 = arith.constant 32 : index
        %parallel_loop3A_326 = tpu.vector_load %arg7[%parallel_loop3A_324, %parallel_loop3A_325] {strides = array<i32>} : memref<128x128xf32, #tpu.memory_space<vmem>>, vector<16xf32>,
        %parallel_loop3A_327 = arith.addf %parallel_loop3A_326, %get3A_230 : vector<16xf32>
        tpu.vector_store_idx %arg10[%add3A_55, %parallel_loop3A_315], %parallel_loop3A_327 : memref<64x513xf32, #tpu.memory_space<vmem>>[vector<16xi32>, vector<16xi32>], vector<16xf32>,
        %parallel_loop3A_328 = arith.index_cast %parallel_loop3A_311 : i32 to index
        %parallel_loop3A_329 = arith.constant 48 : index
        %parallel_loop3A_330 = tpu.vector_load %arg7[%parallel_loop3A_328, %parallel_loop3A_329] {strides = array<i32>} : memref<128x128xf32, #tpu.memory_space<vmem>>, vector<16xf32>,
        %parallel_loop3A_331 = arith.addf %parallel_loop3A_330, %get3A_236 : vector<16xf32>
        tpu.vector_store_idx %arg10[%add3A_58, %parallel_loop3A_315], %parallel_loop3A_331 : memref<64x513xf32, #tpu.memory_space<vmem>>[vector<16xi32>, vector<16xi32>], vector<16xf32>,
      } {sc.loop_unroll_factor = 8 : i64, sc.parallel_access}
      %add3A_276 = arith.constant 1 : i32
      %add3A_277 = arith.addi %add3A_204, %add3A_276 : i32
      %lt3A_278 = arith.constant 50 : i32
      %lt3A_279 = arith.cmpi slt, %add3A_277, %lt3A_278 : i32
      %convert_element_type3A_280 = arith.extui %lt3A_279 : i1 to i32
      %cond3A_281 = arith.constant 0 : i32
      %cond3A_282 = arith.cmpi ne, %convert_element_type3A_280, %cond3A_281 : i32
      scf.if %cond3A_282 {
        %add3A_311 = arith.constant 1 : i32
        %add3A_312 = arith.addi %add3A_204, %add3A_311 : i32
        %dma_start3A_313 = arith.constant 0 : i32
        %dma_start3A_314 = tpu.memref_slice %arg6[%add3A_312, %dma_start3A_313] : memref<50x512xi32, #tpu.memory_space<vmem>> -> memref<1x128xi32, #tpu.memory_space<vmem>>
        %dma_start3A_315 = tpu.memref_squeeze %dma_start3A_314 : memref<1x128xi32, #tpu.memory_space<vmem>> -> memref<128xi32, #tpu.memory_space<vmem>>
        %dma_start3A_316 = arith.constant 0 : i32
        %dma_start3A_317 = arith.constant 0 : i32
        %dma_start3A_318 = tpu.memref_slice %arg3[%dma_start3A_316, %dma_start3A_317] : memref<1000000x128xf32, #tpu.memory_space<hbm>> -> memref<1000000x128xf32, #tpu.memory_space<hbm>>
        tpu.enqueue_indirect_dma source(%dma_start3A_318 : memref<1000000x128xf32, #tpu.memory_space<hbm>>) target(%arg7 : memref<128x128xf32, #tpu.memory_space<vmem>>) offsets(%dma_start3A_315 : memref<128xi32, #tpu.memory_space<vmem>>) semaphore(%arg12 : memref<!tpu.dma_semaphore, #tpu.memory_space<semaphore_mem>>)
      } else {
      }
      %dma_wait3A_283 = arith.constant 384 : i32
      %dma_wait3A_284 = tpu.memref_slice %arg6[%add3A_204, %dma_wait3A_283] : memref<50x512xi32, #tpu.memory_space<vmem>> -> memref<1x128xi32, #tpu.memory_space<vmem>>
      %dma_wait3A_285 = tpu.memref_squeeze %dma_wait3A_284 : memref<1x128xi32, #tpu.memory_space<vmem>> -> memref<128xi32, #tpu.memory_space<vmem>>
      %dma_wait3A_286 = arith.constant 0 : i32
      %dma_wait3A_287 = arith.constant 0 : i32
      %dma_wait3A_288 = tpu.memref_slice %arg3[%dma_wait3A_286, %dma_wait3A_287] : memref<1000000x128xf32, #tpu.memory_space<hbm>> -> memref<1000000x128xf32, #tpu.memory_space<hbm>>
      tpu.wait_indirect_dma semaphore(%arg13 : memref<!tpu.dma_semaphore, #tpu.memory_space<semaphore_mem>>) src(%dma_wait3A_288 : memref<1000000x128xf32, #tpu.memory_space<hbm>>) dst(%arg8 : memref<128x128xf32, #tpu.memory_space<vmem>>)
      %parallel_loop3A_289 = arith.constant 0 : i32
      %parallel_loop3A_290 = arith.constant 128 : i32
      %parallel_loop3A_291 = arith.constant 1 : i32
      scf.for %parallel_loop3A_311 = %parallel_loop3A_289 to %parallel_loop3A_290 step %parallel_loop3A_291  : i32 {
        %parallel_loop3A_312 = arith.constant 384 : i32
        %parallel_loop3A_313 = arith.addi %parallel_loop3A_312, %parallel_loop3A_311 : i32
        %parallel_loop3A_314 = vector.broadcast %parallel_loop3A_313 : i32 to vector<16xi32>
        %parallel_loop3A_315 = arith.addi %broadcast_in_dim3A_46, %parallel_loop3A_314 : vector<16xi32>
        %parallel_loop3A_316 = arith.index_cast %parallel_loop3A_311 : i32 to index
        %parallel_loop3A_317 = arith.constant 0 : index
        %parallel_loop3A_318 = tpu.vector_load %arg8[%parallel_loop3A_316, %parallel_loop3A_317] {strides = array<i32>} : memref<128x128xf32, #tpu.memory_space<vmem>>, vector<16xf32>,
        %parallel_loop3A_319 = arith.addf %parallel_loop3A_318, %get3A_218 : vector<16xf32>
        tpu.vector_store_idx %arg10[%add3A_49, %parallel_loop3A_315], %parallel_loop3A_319 : memref<64x513xf32, #tpu.memory_space<vmem>>[vector<16xi32>, vector<16xi32>], vector<16xf32>,
        %parallel_loop3A_320 = arith.index_cast %parallel_loop3A_311 : i32 to index
        %parallel_loop3A_321 = arith.constant 16 : index
        %parallel_loop3A_322 = tpu.vector_load %arg8[%parallel_loop3A_320, %parallel_loop3A_321] {strides = array<i32>} : memref<128x128xf32, #tpu.memory_space<vmem>>, vector<16xf32>,
        %parallel_loop3A_323 = arith.addf %parallel_loop3A_322, %get3A_224 : vector<16xf32>
        tpu.vector_store_idx %arg10[%add3A_52, %parallel_loop3A_315], %parallel_loop3A_323 : memref<64x513xf32, #tpu.memory_space<vmem>>[vector<16xi32>, vector<16xi32>], vector<16xf32>,
        %parallel_loop3A_324 = arith.index_cast %parallel_loop3A_311 : i32 to index
        %parallel_loop3A_325 = arith.constant 32 : index
        %parallel_loop3A_326 = tpu.vector_load %arg8[%parallel_loop3A_324, %parallel_loop3A_325] {strides = array<i32>} : memref<128x128xf32, #tpu.memory_space<vmem>>, vector<16xf32>,
        %parallel_loop3A_327 = arith.addf %parallel_loop3A_326, %get3A_230 : vector<16xf32>
        tpu.vector_store_idx %arg10[%add3A_55, %parallel_loop3A_315], %parallel_loop3A_327 : memref<64x513xf32, #tpu.memory_space<vmem>>[vector<16xi32>, vector<16xi32>], vector<16xf32>,
        %parallel_loop3A_328 = arith.index_cast %parallel_loop3A_311 : i32 to index
        %parallel_loop3A_329 = arith.constant 48 : index
        %parallel_loop3A_330 = tpu.vector_load %arg8[%parallel_loop3A_328, %parallel_loop3A_329] {strides = array<i32>} : memref<128x128xf32, #tpu.memory_space<vmem>>, vector<16xf32>,
        %parallel_loop3A_331 = arith.addf %parallel_loop3A_330, %get3A_236 : vector<16xf32>
        tpu.vector_store_idx %arg10[%add3A_58, %parallel_loop3A_315], %parallel_loop3A_331 : memref<64x513xf32, #tpu.memory_space<vmem>>[vector<16xi32>, vector<16xi32>], vector<16xf32>,
      } {sc.loop_unroll_factor = 8 : i64, sc.parallel_access}
      %add3A_292 = arith.constant 1 : i32
      %add3A_293 = arith.addi %add3A_204, %add3A_292 : i32
      %lt3A_294 = arith.constant 50 : i32
      %lt3A_295 = arith.cmpi slt, %add3A_293, %lt3A_294 : i32
      %convert_element_type3A_296 = arith.extui %lt3A_295 : i1 to i32
      %cond3A_297 = arith.constant 0 : i32
      %cond3A_298 = arith.cmpi ne, %convert_element_type3A_296, %cond3A_297 : i32
      scf.if %cond3A_298 {
        %add3A_311 = arith.constant 1 : i32
        %add3A_312 = arith.addi %add3A_204, %add3A_311 : i32
        %dma_start3A_313 = arith.constant 128 : i32
        %dma_start3A_314 = tpu.memref_slice %arg6[%add3A_312, %dma_start3A_313] : memref<50x512xi32, #tpu.memory_space<vmem>> -> memref<1x128xi32, #tpu.memory_space<vmem>>
        %dma_start3A_315 = tpu.memref_squeeze %dma_start3A_314 : memref<1x128xi32, #tpu.memory_space<vmem>> -> memref<128xi32, #tpu.memory_space<vmem>>
        %dma_start3A_316 = arith.constant 0 : i32
        %dma_start3A_317 = arith.constant 0 : i32
        %dma_start3A_318 = tpu.memref_slice %arg3[%dma_start3A_316, %dma_start3A_317] : memref<1000000x128xf32, #tpu.memory_space<hbm>> -> memref<1000000x128xf32, #tpu.memory_space<hbm>>
        tpu.enqueue_indirect_dma source(%dma_start3A_318 : memref<1000000x128xf32, #tpu.memory_space<hbm>>) target(%arg8 : memref<128x128xf32, #tpu.memory_space<vmem>>) offsets(%dma_start3A_315 : memref<128xi32, #tpu.memory_space<vmem>>) semaphore(%arg13 : memref<!tpu.dma_semaphore, #tpu.memory_space<semaphore_mem>>)
      } else {
      }
      %dma_start3A_299 = arith.constant 0 : i32
      %dma_start3A_300 = arith.constant 0 : i32
      %dma_start3A_301 = tpu.memref_slice %arg10[%dma_start3A_299, %dma_start3A_300] : memref<64x513xf32, #tpu.memory_space<vmem>> -> memref<64x512xf32, #tpu.memory_space<vmem>>
      %dma_start3A_302 = arith.constant 0 : i32
      %dma_start3A_303 = tpu.memref_slice %arg5[%add3A_207, %dma_start3A_302, %mul3A_32] : memref<200x64x4096xf32, #tpu.memory_space<hbm>> -> memref<1x64x512xf32, #tpu.memory_space<hbm>>
      %dma_start3A_304 = tpu.memref_squeeze %dma_start3A_303 : memref<1x64x512xf32, #tpu.memory_space<hbm>> -> memref<64x512xf32, #tpu.memory_space<hbm>>
      %dma_start3A_305 = arith.constant 0 : i32
      %dma_start3A_306 = tpu.memref_slice %arg5[%add3A_207, %dma_start3A_305, %mul3A_32] : memref<200x64x4096xf32, #tpu.memory_space<hbm>> -> memref<1x64x512xf32, #tpu.memory_space<hbm>>
      %dma_start3A_307 = tpu.memref_squeeze %dma_start3A_306 : memref<1x64x512xf32, #tpu.memory_space<hbm>> -> memref<64x512xf32, #tpu.memory_space<hbm>>
      %dma_start3A_308 = arith.constant 0 : i32
      %dma_start3A_309 = arith.constant 0 : i32
      %dma_start3A_310 = tpu.memref_slice %arg10[%dma_start3A_308, %dma_start3A_309] : memref<64x513xf32, #tpu.memory_space<vmem>> -> memref<64x512xf32, #tpu.memory_space<vmem>>
      tpu.enqueue_dma source(%dma_start3A_310 : memref<64x512xf32, #tpu.memory_space<vmem>>) target(%dma_start3A_307 : memref<64x512xf32, #tpu.memory_space<hbm>>) target_semaphore(%arg15 : memref<!tpu.dma_semaphore, #tpu.memory_space<semaphore_mem>>)
    }
    %scan3A_63 = arith.constant 25 : i32
    %mul3A_64 = arith.constant 50 : i32
    %mul3A_65 = arith.muli %select_n3A, %mul3A_64 : i32
    %add3A_66 = arith.constant 50 : i32
    %add3A_67 = arith.addi %mul3A_65, %add3A_66 : i32
    %sub3A_68 = arith.constant 2 : i32
    %sub3A_69 = arith.subi %add3A_67, %sub3A_68 : i32
    %dma_wait3A = arith.constant 0 : i32
    %dma_wait3A_70 = arith.constant 0 : i32
    %dma_wait3A_71 = tpu.memref_slice %arg9[%dma_wait3A, %dma_wait3A_70] : memref<64x513xf32, #tpu.memory_space<vmem>> -> memref<64x512xf32, #tpu.memory_space<vmem>>
    %dma_wait3A_72 = arith.constant 0 : i32
    %dma_wait3A_73 = tpu.memref_slice %arg5[%sub3A_69, %dma_wait3A_72, %mul3A_32] : memref<200x64x4096xf32, #tpu.memory_space<hbm>> -> memref<1x64x512xf32, #tpu.memory_space<hbm>>
    %dma_wait3A_74 = tpu.memref_squeeze %dma_wait3A_73 : memref<1x64x512xf32, #tpu.memory_space<hbm>> -> memref<64x512xf32, #tpu.memory_space<hbm>>
    %dma_wait3A_75 = arith.constant 0 : i32
    %dma_wait3A_76 = tpu.memref_slice %arg5[%sub3A_69, %dma_wait3A_75, %mul3A_32] : memref<200x64x4096xf32, #tpu.memory_space<hbm>> -> memref<1x64x512xf32, #tpu.memory_space<hbm>>
    %dma_wait3A_77 = tpu.memref_squeeze %dma_wait3A_76 : memref<1x64x512xf32, #tpu.memory_space<hbm>> -> memref<64x512xf32, #tpu.memory_space<hbm>>
    %dma_wait3A_78 = arith.constant 0 : i32
    %dma_wait3A_79 = arith.constant 0 : i32
    %dma_wait3A_80 = tpu.memref_slice %arg9[%dma_wait3A_78, %dma_wait3A_79] : memref<64x513xf32, #tpu.memory_space<vmem>> -> memref<64x512xf32, #tpu.memory_space<vmem>>
    tpu.wait_dma2 semaphore(%arg14 : memref<!tpu.dma_semaphore, #tpu.memory_space<semaphore_mem>>) src(%dma_wait3A_80 : memref<64x512xf32, #tpu.memory_space<vmem>>) dst(%dma_wait3A_77 : memref<64x512xf32, #tpu.memory_space<hbm>>)
    %sub3A_81 = arith.constant 1 : i32
    %sub3A_82 = arith.subi %add3A_67, %sub3A_81 : i32
    %dma_wait3A_83 = arith.constant 0 : i32
    %dma_wait3A_84 = arith.constant 0 : i32
    %dma_wait3A_85 = tpu.memref_slice %arg10[%dma_wait3A_83, %dma_wait3A_84] : memref<64x513xf32, #tpu.memory_space<vmem>> -> memref<64x512xf32, #tpu.memory_space<vmem>>
    %dma_wait3A_86 = arith.constant 0 : i32
    %dma_wait3A_87 = tpu.memref_slice %arg5[%sub3A_82, %dma_wait3A_86, %mul3A_32] : memref<200x64x4096xf32, #tpu.memory_space<hbm>> -> memref<1x64x512xf32, #tpu.memory_space<hbm>>
    %dma_wait3A_88 = tpu.memref_squeeze %dma_wait3A_87 : memref<1x64x512xf32, #tpu.memory_space<hbm>> -> memref<64x512xf32, #tpu.memory_space<hbm>>
    %dma_wait3A_89 = arith.constant 0 : i32
    %dma_wait3A_90 = tpu.memref_slice %arg5[%sub3A_82, %dma_wait3A_89, %mul3A_32] : memref<200x64x4096xf32, #tpu.memory_space<hbm>> -> memref<1x64x512xf32, #tpu.memory_space<hbm>>
    %dma_wait3A_91 = tpu.memref_squeeze %dma_wait3A_90 : memref<1x64x512xf32, #tpu.memory_space<hbm>> -> memref<64x512xf32, #tpu.memory_space<hbm>>
    %dma_wait3A_92 = arith.constant 0 : i32
    %dma_wait3A_93 = arith.constant 0 : i32
    %dma_wait3A_94 = tpu.memref_slice %arg10[%dma_wait3A_92, %dma_wait3A_93] : memref<64x513xf32, #tpu.memory_space<vmem>> -> memref<64x512xf32, #tpu.memory_space<vmem>>
    tpu.wait_dma2 semaphore(%arg15 : memref<!tpu.dma_semaphore, #tpu.memory_space<semaphore_mem>>) src(%dma_wait3A_94 : memref<64x512xf32, #tpu.memory_space<vmem>>) dst(%dma_wait3A_91 : memref<64x512xf32, #tpu.memory_space<hbm>>)
    return
  }
}

</mosaic_0001>

<sc_bundles>
// kernel: kernel.3.cloned.1.call-start
scs
__scs_entry_jumppad:
0x0: {  	(pc) =	sbr.rel $0x88, $3  }
0x1: {  	(tag) =	ssettag $0x0;
	lr =	simm.s32 $0x1  }
0x2: {  	[smem:$0x3F9F] =	sst lr;
	_ =	strace $0xD0000000  }
0x3: {  	_ = 	snop  }
0x4: {  	_ = 	snop  }
0x5: {  	_ = 	snop  }
0x6: {  	_ = 	snop  }
0x7: {  	_ = 	snop  }
__scs_overlays_trampoline_lowered:
0x8: {  	[smem:$0x3FAE] =	sst s0  }
0x9: {  	[smem:$0x3FAF] =	sst s1  }
0xa: {  	[smem:$0x3FB0] =	sst s2  }
0xb: {  	[smem:$0x3FB1] =	sst s3  }
0xc: {  	[smem:$0x3FB2] =	sst s4  }
0xd: {  	[smem:$0x3FB3] =	sst s5  }
0xe: {  	[smem:$0x3FB4] =	sst s6  }
0xf: {  	[smem:$0x3FB5] =	sst s7  }
0x10: {  	[smem:$0x3FB6] =	sst s8  }
0x11: {  	[smem:$0x3FB7] =	sst s9;
	s0 =	simm.s32 @!p0 $0x0  }
0x12: {  	s1 =	sld [smem:$0x3F9D];
	s0 =	simm.s32 @p0 $0x1  }
0x13: {  	[smem:$0x3FB8] =	sst s0;
	s0 =	simm.s32 @!p1 $0x0  }
0x14: {  	s2 =	sld [smem:$0x3F9C];
	s0 =	simm.s32 @p1 $0x1  }
0x15: {  	[smem:$0x3FB9] =	sst s0;
	s0 =	simm.s32 @!p2 $0x0  }
0x16: {  	s3 =	sld [smem:$0x3FDB];
	s0 =	simm.s32 @p2 $0x1  }
0x17: {  	s4 =	simm.s32 $0x1BF5;
	[smem:$0x3FBB] =	sst s0  }
0x18: {  	s0 =	sld [smem:$0x3F9E];
	_ =	swait.ge [sflag:s4], $0x0  }
0x19: {  	s7 =	sld [smem:$0x3F9F]  }
0x1a: {  	s8 =	sadd.s32 $0xFFFFE003, lr  }
0x1b: {  	s9 =	sadd.s32 $0xFFFFFEF7, lr;
	s5 =	simm.s32 $0xFFFFFFFF;
	p2 =	slt.u32 s8, $0xFFFFF086  }
0x1c: {  	p1 =	slt.u32 s9, $0xF7A;
	s5 =	simm.s32 @!p2 $0x0  }
0x1d: {  	s5 =	simm.s32 @p1 $0x1;
	p0 =	seq.s32 s7, s2  }
0x1e: {  	s7 =	smul.u32 @!p0 $0xF7A, s2;
	p2 =	seq.s32 @!p0 s5, $0x0  }
0x1f: {  	s9 =	smul.u32 $0xF7A, s1;
	s8 =	simm.s32 @!p0 $0x1BF5;
	p2 =	por !p2, p0  }
0x20: {  	[sflag:s8] =	ssyncset.s32 @!p0 $0xFFFFF086;
	s6 =	sadd.s32 @!p0 s3, s7;
	s7 =	simm.s32 @!p0 $0x108  }
0x21: {  	s3 =	sadd.s32 s3, s9;
	s6 =	sadd.s32 @!p0 $0x88, s6;
	s7 =	simm.s32 @p2 $0x1082  }
0x22: {  	[simem:s7], [sflag:s8] =	dma.local @!p0 [hbm:s6], $0xF7A  }
0x23: {  	s9 =	sor.u32 $0xD0000000, s2;
	s6 =	simm.s32 $0x108;
	_ =	swait.ge @!p0 [sflag:s8], $0x0  }
0x24: {  	s3 =	sadd.s32 $0x88, s3;
	s6 =	simm.s32 @!p1 $0x1082;
	[sflag:s4] =	ssyncset.s32 $0xFFFFF086  }
0x25: {  	[simem:s6], [sflag:s4] =	dma.local [hbm:s3], $0xF7A  }
0x26: {  	[smem:$0x3F9F] =	sst s1;
	(tag) =	ssettag s2;
	_ =	strace s9  }
0x27: {  	s1 =	sld [smem:$0x3FAF]  }
0x28: {  	s2 =	sld [smem:$0x3FB0]  }
0x29: {  	s4 =	sld [smem:$0x3FB2]  }
0x2a: {  	p0 =	seq.s32 s5, $0x0;
	s5 =	sld [smem:$0x3FB3]  }
0x2b: {  	s6 =	sld [smem:$0x3FB4]  }
0x2c: {  	s7 =	sld [smem:$0x3FB5]  }
0x2d: {  	s3 =	simm.s32 $0x108;
	s8 =	sld [smem:$0x3FB6]  }
0x2e: {  	s3 =	simm.s32 @!p0 $0x1082;
	s9 =	sld [smem:$0x3FB7]  }
0x2f: {  	lr =	sadd.s32 s0, s3;
	s0 =	sld [smem:$0x3FAE]  }
0x30: {  	s3 =	sld [smem:$0x3FB1]  }
0x31: {  	[smem:$0x3FBA] =	sst s10  }
0x32: {  	s10 =	sld [smem:$0x3FB8];
	_ =	sdelay $0x3  }
0x33: {  	p0 =	seq.s32 s10, $0x1;
	s10 =	sld [smem:$0x3FBA];
	_ =	sdelay $0x3  }
0x34: {  	[smem:$0x3FBA] =	sst s10  }
0x35: {  	s10 =	sld [smem:$0x3FB9];
	_ =	sdelay $0x3  }
0x36: {  	p1 =	seq.s32 s10, $0x1;
	s10 =	sld [smem:$0x3FBA];
	_ =	sdelay $0x3  }
0x37: {  	[smem:$0x3FBA] =	sst s10  }
0x38: {  	s10 =	sld [smem:$0x3FBB]  }
0x39: {  	_ = 	snop;
	(pc) =	sbr.ind lr, $3  }
0x3a: {  	_ = 	snop  }
0x3b: {  	_ = 	snop  }
0x3c: {  	p2 =	seq.s32 s10, $0x1;
	s10 =	sld [smem:$0x3FBA]  }
0x3d: {  	_ =	shalt  }
0x3e: {  	_ =	shalt  }
0x3f: {  	_ =	shalt  }
0x40: {  	_ =	shalt  }
0x41: {  	_ =	shalt  }
0x42: {  	_ =	shalt  }
0x43: {  	_ =	shalt  }
0x44: {  	_ =	shalt  }
0x45: {  	_ =	shalt  }
0x46: {  	_ =	shalt  }
0x47: {  	_ =	shalt  }
0x48: {  	_ =	shalt  }
0x49: {  	_ =	shalt  }
0x4a: {  	_ =	shalt  }
0x4b: {  	_ =	shalt  }
0x4c: {  	_ =	shalt  }
0x4d: {  	_ =	shalt  }
0x4e: {  	_ =	shalt  }
0x4f: {  	_ =	shalt  }
0x50: {  	_ =	shalt  }
0x51: {  	_ =	shalt  }
0x52: {  	_ =	shalt  }
0x53: {  	_ =	shalt  }
0x54: {  	_ =	shalt  }
0x55: {  	_ =	shalt  }
0x56: {  	_ =	shalt  }
0x57: {  	_ =	shalt  }
0x58: {  	_ =	shalt  }
0x59: {  	_ =	shalt  }
0x5a: {  	_ =	shalt  }
0x5b: {  	_ =	shalt  }
0x5c: {  	_ =	shalt  }
0x5d: {  	_ =	shalt  }
0x5e: {  	_ =	shalt  }
0x5f: {  	_ =	shalt  }
0x60: {  	_ =	shalt  }
0x61: {  	_ =	shalt  }
0x62: {  	_ =	shalt  }
0x63: {  	_ =	shalt  }
0x64: {  	_ =	shalt  }
0x65: {  	_ =	shalt  }
0x66: {  	_ =	shalt  }
0x67: {  	_ =	shalt  }
0x68: {  	_ =	shalt  }
0x69: {  	_ =	shalt  }
0x6a: {  	_ =	shalt  }
0x6b: {  	_ =	shalt  }
0x6c: {  	_ =	shalt  }
0x6d: {  	_ =	shalt  }
0x6e: {  	_ =	shalt  }
0x6f: {  	_ =	shalt  }
0x70: {  	_ =	shalt  }
0x71: {  	_ =	shalt  }
0x72: {  	_ =	shalt  }
0x73: {  	_ =	shalt  }
0x74: {  	_ =	shalt  }
0x75: {  	_ =	shalt  }
0x76: {  	_ =	shalt  }
0x77: {  	_ =	shalt  }
0x78: {  	_ =	shalt  }
0x79: {  	_ =	shalt  }
0x7a: {  	_ =	shalt  }
0x7b: {  	_ =	shalt  }
0x7c: {  	_ =	shalt  }
0x7d: {  	_ =	shalt  }
0x7e: {  	_ =	shalt  }
0x7f: {  	_ =	shalt  }
0x80: {  	_ =	shalt  }
0x81: {  	_ =	shalt  }
0x82: {  	_ =	shalt  }
0x83: {  	_ =	shalt  }
0x84: {  	_ =	shalt  }
0x85: {  	_ =	shalt  }
0x86: {  	_ =	shalt  }
0x87: {  	_ =	shalt  }
.Lfunc_end0:
.L_simem_size_0:
called_computation_lowered:
.L_overlay_start_0:
0x88: {  	s2 =	sld [smem:$0x3FD9]  }
0x89: {  	s3 =	sld [smem:$0x3FFE];
	_ =	sdelay $0x1  }
0x8a: {  	s1 =	srdreg.scid  }
0x8b: {  	s0 =	sand.u32 $0x1, s1  }
0x8c: {  	s17 =	sshll.u32 s0, $0xA;
	s2 =	sadd.s32 s3, s2  }
0x8d: {  	s2 =	sadd.s32 s2, s17  }
0x8e: {  	[smem:$0x3FC6] =	sst s2  }
0x8f: {  	_ = 	snop  }
0x90: {  	s2 =	sld [smem:$0x3FD0];
	(tm) =	ssettm $0x1  }
0x91: {  	s18 =	sld [smem:$0x3FFB];
	_ =	sdelay $0x3  }
0x92: {  	_ =	strace s18  }
0x93: {  	s3 =	sld [smem:$0x3FFC];
	_ =	sdelay $0x3  }
0x94: {  	_ =	strace s3  }
0x95: {  	s3 =	sld [smem:$0x3FFD];
	_ =	sdelay $0x3  }
0x96: {  	_ =	strace s3  }
0x97: {  	_ =	strace $0x8FFFFFFF  }
0x98: {  	s19 =	sld [smem:$0x3FDB];
	_ =	sdelay $0x1  }
0x99: {  	s4 =	simm.s32 $_scs_section_size  }
0x9a: {  	s5 =	simm.s32 $_size__tile_overlayer_lowered;
	s6 =	simm.s32 $_tile_overlayer_lowered  }
0x9b: {  	s22 =	simm.s32 $0x1BFF;
	s21 =	sshll.u32 s6, $0x1;
	s3 =	sadd.s32 s4, s19  }
0x9c: {  	s7 =	simm.s32 $0x0;
	s20 =	sshll.u32 s5, $0x1;
	s5 =	sadd.s32 s21, s3  }
0x9d: {  	[timem:s7], [sflag:s22] =	dma.local [hbm:s5], s20  }
0x9e: {  	_ =	swait.ge [sflag:s22], s20  }
0x9f: {  	s4 =	ssub.s32 $0x0, s20;
	[sflag:s22] =	ssyncset.done $0x0  }
0xa0: {  	[sflag:s22] =	ssyncadd.s32 s4;
	_ =	sdelay $0x1  }
0xa1: {  	s23 =	simm.s32 $0x1B8B  }
0xa2: {  	_ =	swait.ge [sflag:s23], $0x1  }
0xa3: {  	[sflag:s23] =	ssyncset.done $0x0  }
0xa4: {  	s25 =	simm.s32 $0x1B8E;
	s24 =	sld [smem:$0x3FFE];
	[sflag:s23] =	ssyncadd.s32 $0xFFFFFFFF  }
0xa5: {  	s26 =	simm.s32 $execute0_lowered;
	[smem:$0x3FD2] =	sst s25  }
0xa6: {  	s5 =	sshll.u32 s26, $0x1;
	_ =	strace $0x80000046;
	[dreg:$0x1] =	wrdreg $0xFFFFFFFF  }
0xa7: {  	s28 =	simm.s32 $_size_execute0_lowered;
	s3 =	sadd.s32 s3, s5;
	[dreg:$0x0] =	wrdreg $0x0  }
0xa8: {  	s5 =	sshll.u32 s28, $0x1;
	[dreg:$0x2] =	wrdreg s3  }
0xa9: {  	[dreg:$0x3] =	wrdreg s5  }
0xaa: {  	[dreg:$0x4] =	wrdreg $0xC0  }
0xab: {  	_ =	task [dreg:s7], $0x5FFFF  }
0xac: {  	[dreg:$0x1] =	wrdreg $0xFFFFFFFF  }
0xad: {  	[dreg:$0x0] =	wrdreg $0x60  }
0xae: {  	[dreg:$0x2] =	wrdreg s2  }
0xaf: {  	[dreg:$0x3] =	wrdreg s24  }
0xb0: {  	[dreg:$0x4] =	wrdreg $0x9  }
0xb1: {  	_ =	task.clear_ibuf [dreg:s7], $0x5FFFF;
	_ =	strace $0x90000046  }
0xb2: {  	s29 =	simm.s32 $0x9;
	_ =	strace $0x80000048  }
0xb3: {  	_ =	swait.ge [sflag:s29], $0x1  }
0xb4: {  	[sflag:s29] =	ssyncadd.s32 $0xFFFFFFFF  }
0xb5: {  	_ =	strace $0x90000048  }
0xb6: {  	_ =	sfence  }
0xb7: {  	s30 =	sld [smem:$0x0];
	_ =	sdelay $0x2  }
0xb8: {  	s31 =	sshll.u32 s1, $0xD;
	s1 =	sshrl.u32 s1, $0x2  }
0xb9: {  	s3 =	sand.u32 $0x4000, s31;
	s1 =	sadd.s32 s1, s30  }
0xba: {  	s0 =	sor.u32 s3, s0;
	s1 =	sshll.u32 s1, $0x11  }
0xbb: {  	s0 =	sor.u32 s1, s0  }
0xbc: {  	s0 =	sadd.s32 $0x8F2B, s0  }
0xbd: {  	[sflag:s0] =	ssyncadd.remote.s32 $0x1  }
0xbe: {  	_ =	sfence.sel $0xFFFF  }
0xbf: {  	[dreg:$0x0] =	wrdreg $0xFFFFFFFF;
	(pc) =	sbr.abs _section_cstart, $3  }
0xc0: {  	[dreg:$0x1] =	wrdreg $0xFFFFFFFF  }
0xc1: {  	_ =	task.clear_ibuf [dreg:s7], $0x2FFFF;
	_ =	strace $0x9FFFFFFF  }
0xc2: {  	(tm) =	ssettm $0x7FFFFFFF  }
0xc3: {  	_ =	shalt  }
tec
execute0_lowered:
.L_overlay_start_1:
0x0: {  	(tag) =	ssettag $0x1  }
0x1: {  	v0 =	vlaneseq.u32  }
0x2: {  	s5 =	rddreg [dreg:$0x0];
	s1 =	simm.s32 $0x0;
	v25 =	vmul.u32 $0x208, v0  }
0x3: {  	vm0 =	vcmask $0x300;
	[smem:$0x7FF] =	sst s1;
	v0 =	vimm.s32 $0x0  }
0x4: {  	s4 =	rddreg [dreg:$0x1];
	_ =	strace $0x80000047;
	v1 =	vsel vm0, $0x3, v0;
	v0 =	vadd.s32 $0x6180, v25;
	[tilespmem:$0x1FFE0] =	vst v25  }
0x5: {  	v24 =	vadd.s32 $0x2080, v25;
	[tilespmem:$0x1FE00] =	vst v0  }
0x6: {  	v40 =	vadd.s32 $0x4100, v25;
	[tilespmem:$0x1FED0] =	vst v24  }
0x7: {  	v2 =	vadd.s32 $0x6181, v25;
	[tilespmem:$0x1FEE0] =	vst v40  }
0x8: {  	v57 =	vadd.s32 $0x2081, v25;
	[tilespmem:$0x1FEF0] =	vst v2  }
0x9: {  	v28 =	vadd.s32 $0x2084, v25;
	[tilespmem:$0x1FF00] =	vst v57  }
0xa: {  	v27 =	vor.u32 $0x1, v25;
	[tilespmem:$0x1FF10] =	vst v28  }
0xb: {  	v22 =	vadd.s32 $0x4105, v25;
	[tilespmem:$0x1FF20] =	vst v27  }
0xc: {  	v58 =	vor.u32 $0x4, v25;
	[tilespmem:$0x1FF30] =	vst v22  }
0xd: {  	v23 =	vor.u32 $0x2, v25;
	[tilespmem:$0x1FF40] =	vst v58  }
0xe: {  	v61 =	vadd.s32 $0x2082, v25;
	[tilespmem:$0x1FF50] =	vst v23  }
0xf: {  	v30 =	vor.u32 $0x7, v25;
	[tilespmem:$0x1FF60] =	vst v61  }
0x10: {  	v47 =	vadd.s32 $0x2086, v25;
	[tilespmem:$0x1FF70] =	vst v30  }
0x11: {  	v59 =	vadd.s32 $0x4106, v25;
	[tilespmem:$0x1FF80] =	vst v47  }
0x12: {  	v53 =	vor.u32 $0x6, v25;
	[tilespmem:$0x1FF90] =	vst v59  }
0x13: {  	v19 =	vadd.s32 $0x2083, v25;
	[tilespmem:$0x1FFA0] =	vst v53  }
0x14: {  	v21 =	vadd.s32 $0x4103, v25;
	[tilespmem:$0x1FFB0] =	vst v19  }
0x15: {  	v51 =	vadd.s32 $0x2085, v25;
	[tilespmem:$0x1FFC0] =	vst v21  }
0x16: {  	v31 =	vor.u32 $0x3, v25;
	[tilespmem:$0x1FFD0] =	vst v51  }
0x17: {  	v0 =	vadd.s32 $0x4101, v25;
	[tilespmem:$0x1FFF0] =	vst v31  }
0x18: {  	[tilespmem:$0x1FE10] =	vst v0;
	v0 =	vadd.s32 $0x4102, v25  }
0x19: {  	s0 =	stileid.u32;
	s3 =	srdreg.scid;
	[tilespmem:$0x1FE20] =	vst v0;
	v0 =	vadd.s32 $0x6182, v25  }
0x1a: {  	s12 =	simm.s32 $0x80;
	s13 =	simm.s32 $0x6400;
	s14 =	simm.s32 $0xA400;
	[tilespmem:$0x1FE30] =	vst v0;
	v0 =	vadd.s32 $0x6183, v25  }
0x1b: {  	s15 =	simm.s32 $0x1;
	s16 =	simm.s32 $0xE400;
	s17 =	simm.s32 $0x2;
	[tilespmem:$0x1FE40] =	vst v0;
	v0 =	vadd.s32 $0x4104, v25  }
0x1c: {  	s18 =	simm.s32 $0x16600;
	s19 =	simm.s32 $0x3;
	s20 =	simm.s32 $0x4;
	[tilespmem:$0x1FE50] =	vst v0;
	v0 =	vadd.s32 $0x6184, v25  }
0x1d: {  	s21 =	simm.s32 $0x0;
	s7 =	sshrl.u32 s0, $0x2;
	s3 =	sand.u32 $0x1, s3;
	[tilespmem:$0x1FE60] =	vst v0;
	v0 =	vor.u32 $0x5, v25  }
0x1e: {  	s6 =	sshll.u32 s0, $0x1;
	s8 =	smul.u32 $0x190, s7;
	s9 =	ssub.s32 $0x2, s3;
	[tilespmem:$0x1FE70] =	vst v0;
	v0 =	vadd.s32 $0x6185, v25  }
0x1f: {  	s10 =	sor.u32 s3, s6;
	s3 =	sadd.s32 $0xF43400, s4;
	s7 =	smul.u32 $0x32, s7;
	[tilespmem:$0x1FE80] =	vst v0;
	v0 =	vadd.s32 $0x6186, v25  }
0x20: {  	s29 =	sshrl.u32 s9, $0x1;
	s11 =	smul.u32 $0xC80, s10;
	s31 =	sshll.u32 s10, $0x9;
	[tilespmem:$0x1FE90] =	vst v0;
	v0 =	vadd.s32 $0x2087, v25  }
0x21: {  	s10 =	simm.s32 $0x5;
	s8 =	sadd.s32 s8, s4;
	s4 =	sadd.s32 $0x800, s4;
	[tilespmem:$0x1FEA0] =	vst v0;
	v0 =	vadd.s32 $0x4107, v25  }
0x22: {  	s9 =	ssub.s32 s9, s29;
	s30 =	sadd.s32 s5, s11;
	s6 =	sadd.s32 $0xF42C00, s8;
	[tilespmem:$0x1FEB0] =	vst v0;
	v0 =	vadd.s32 $0x6187, v25  }
0x23: {  	s8 =	sand.u32 $0xE00, s31;
	s9 =	smax.u32 s9, $0x1;
	[dreg:$0x3] =	wrdreg s30;
	[tilespmem:$0x1FEC0] =	vst v0  }
.LBB2_1:
0x24: {  	s0 =	rddreg [dreg:$0x3]  }
0x25: {  	[tilespmem:s1], [sflag:$0x5] =	stream.linear.gather [hbm4b:s0+s1], $0x6400, $0x38;
	[tilespmem:$0x1F480] =	vst v63  }
0x26: {  	_ =	swait.ge [sflag:s10], $0x6400  }
0x27: {  	[sflag:s10] =	ssyncset.done $0x0  }
0x28: {  	s31 =	simm.s32 $0x1E800;
	[sflag:s10] =	ssyncadd.s32 $0xFFFF9C00  }
0x29: {  	[tilespmem:s31], [sflag:$0x5] =	stream.linear.gather [hbm4b:s6+s1], $0xC80, $0x38;
	[tilespmem:$0x1F480] =	vst v63  }
0x2a: {  	_ =	swait.ge [sflag:s10], $0xC80  }
0x2b: {  	[sflag:s10] =	ssyncset.done $0x0  }
0x2c: {  	[sflag:s10] =	ssyncadd.s32 $0xFFFFF380  }
0x2d: {  	[tilespmem:s13], [sflag:$0x1] =	stream.indirect.gather [hbm4b:s3+s12], $0x80, s1, s12, $0xb8;
	[tilespmem:$0x1F480] =	vst v63  }
0x2e: {  	s22 =	simm.s32 $0x0  }
0x2f: {  	[tilespmem:s14], [sflag:$0x2] =	stream.indirect.gather [hbm4b:s3+s12], $0x80, s12, s12, $0xb8;
	[tilespmem:$0x1F480] =	vst v63  }
.LBB2_2:
0x30: {  	p0 =	seq.s32 s22, $0x0  }
0x31: {  	s23 =	simm.s32 @!p0 $0x3  }
0x32: {  	_ =	swait.ge @!p0 [sflag:s23], $0x8000  }
0x33: {  	s24 =	sshll.u32 s22, $0x7;
	[sflag:s23] =	ssyncset.done @!p0 $0x0  }
0x34: {  	s31 =	sand.u32 $0x3FFFFF80, s24;
	[sflag:s23] =	ssyncadd.s32 @!p0 $0xFFFF8000  }
0x35: {  	v36 =	vld [tilespmem:s31+$0x1E800]  }
0x36: {  	s11 =	simm.s32 $0x1;
	v35 =	vld [tilespmem:s31+$0x1E810]  }
0x37: {  	s2 =	simm.s32 $0x4;
	v5 =	vmov s11;
	v34 =	vld [tilespmem:s31+$0x1E820]  }
0x38: {  	v3 =	vmov s2;
	v5 =	vshrl.u32 v5, $0x3;
	v33 =	vld [tilespmem:s31+$0x1E830];
	_ =	swait.ge [sflag:s15], $0x4000  }
0x39: {  	s26 =	simm.s32 $0x2;
	v3 =	vshrl.u32 v3, $0x3;
	v5 =	vshll.u32 v5, v1;
	[sflag:s15] =	ssyncset.done $0x0  }
0x3a: {  	s30 =	simm.s32 $0x3;
	v6 =	vmov s26;
	s26 =	simm.s32 $0x6600;
	v3 =	vshll.u32 v3, v1;
	v5 =	vbroadcast v5, $0x0;
	[sflag:s15] =	ssyncadd.s32 $0xFFFFC000  }
0x3b: {  	v63 =	vmovc v2;
	v6 =	vshrl.u32 v6, $0x3;
	v44 =	vbroadcast v3, $0x0;
	v3 =	vmov s30;
	v7 =	vld [tilespmem:s26+$0x0]  }
0x3c: {  	v6 =	vshll.u32 v6, v1;
	v3 =	vshrl.u32 v3, $0x3;
	v11 =	vadd.s32 v63, v5;
	v8 =	vld [tilespmem:s26+$0xFFFFFE80]  }
0x3d: {  	v37 =	vbroadcast v6, $0x0;
	v6 =	vadd.s32 v58, v44;
	v3 =	vshll.u32 v3, v1;
	v9 =	vld [tilespmem:s26+$0xFFFFFF00];
	[tilespmem:$0x1FD90] =	vst v11  }
0x3e: {  	s0 =	simm.s32 $0x0;
	v10 =	vadd.s32 v27, v5;
	v56 =	vbroadcast v3, $0x0;
	v11 =	vld [tilespmem:s26+$0xFFFFFF80]  }
0x3f: {  	v0 =	vmov s0;
	v12 =	vadd.s32 v23, v37;
	v3 =	vld [tilespmem:s26+$0xFFFFFE00]  }
0x40: {  	v0 =	vshrl.u32 v0, $0x3;
	s31 =	simm.s32 $0x6;
	v13 =	vld [tilespmem:s26+$0x180];
	v15 =	vadd.s32 v31, v56;
	v7 =	vadd.f32 v7, v36  }
0x41: {  	s25 =	simm.s32 $0x7;
	v17 =	vshll.u32 v0, v1;
	v14 =	vmov s31;
	v16 =	vld [tilespmem:s26+$0x100];
	v0 =	vadd.f32 v8, v36  }
0x42: {  	v2 =	vmov s25;
	v8 =	vshrl.u32 v14, $0x3;
	v14 =	vld [tilespmem:s26+$0x80];
	v9 =	vadd.f32 v9, v36;
	[tilespmem:v6+s16+$0x0] =	vst.idx.msk $0xffff, v7  }
0x43: {  	v2 =	vshrl.u32 v2, $0x3;
	v8 =	vshll.u32 v8, v1;
	[tilespmem:v10+s16+$0x0] =	vst.idx.msk $0xffff, v0;
	v7 =	vadd.f32 v11, v36;
	v6 =	vld [tilespmem:s26+$0x10]  }
0x44: {  	v2 =	vshll.u32 v2, v1;
	v52 =	vbroadcast v8, $0x0;
	[tilespmem:v12+s16+$0x0] =	vst.idx.msk $0xffff, v9;
	v8 =	vld [tilespmem:s26+$0xFFFFFE90]  }
0x45: {  	v50 =	vbroadcast v2, $0x0;
	v2 =	vld [tilespmem:s26+$0xFFFFFF10];
	[tilespmem:v15+s16+$0x0] =	vst.idx.msk $0xffff, v7  }
0x46: {  	s5 =	simm.s32 $0x5;
	v20 =	vadd.s32 v21, v56;
	v9 =	vadd.f32 v13, v36;
	v13 =	vld [tilespmem:s26+$0xFFFFFF90]  }
0x47: {  	v4 =	vmov s5;
	[tilespmem:$0x1FDB0] =	vst v20;
	v20 =	vld [tilespmem:$0x1FE70]  }
0x48: {  	v4 =	vshrl.u32 v4, $0x3  }
0x49: {  	v4 =	vshll.u32 v4, v1  }
0x4a: {  	v55 =	vbroadcast v4, $0x0;
	_ =	sdelay $0x1  }
0x4b: {  	v4 =	vmov v21;
	v21 =	vld [tilespmem:$0x1FE10];
	v39 =	vadd.s32 v20, v55;
	v20 =	vadd.s32 v22, v55  }
0x4c: {  	[tilespmem:$0x1FDD0] =	vst v20;
	v20 =	vld [tilespmem:$0x1FEB0];
	_ =	sdelay $0x1  }
0x4d: {  	v54 =	vbroadcast v17, $0x0;
	v17 =	vadd.s32 v61, v37;
	_ =	sdelay $0x1  }
0x4e: {  	v10 =	vadd.s32 v57, v5;
	v42 =	vadd.s32 v47, v52;
	v38 =	vadd.f32 v6, v35;
	v6 =	vmovc v47  }
0x4f: {  	v2 =	vadd.f32 v2, v35;
	v47 =	vadd.s32 v21, v5;
	v5 =	vmovc v22;
	v22 =	vadd.s32 v20, v50  }
0x50: {  	v7 =	vadd.s32 v53, v52;
	v32 =	vld [tilespmem:$0x1FEA0];
	[tilespmem:$0x1FDA0] =	vst v22  }
0x51: {  	v62 =	vmov v27;
	s25 =	simm.s32 $0x6A00;
	s2 =	simm.s32 $0xF;
	v41 =	vadd.s32 v25, v54;
	v26 =	vld [tilespmem:$0x1FE20];
	[tilespmem:v17+s16+$0x0] =	vst.idx.msk $0xffff, v2;
	v2 =	vadd.s32 v59, v52  }
0x52: {  	v27 =	vmovc v24;
	v46 =	vadd.s32 v24, v54;
	v24 =	vmovc v58;
	v58 =	vmov s2;
	v49 =	vld [tilespmem:s25+$0xFFFFFE80];
	[tilespmem:$0x1FDC0] =	vst v2;
	v2 =	vadd.s32 v40, v54  }
0x53: {  	s28 =	simm.s32 $0x9;
	v43 =	vadd.s32 v19, v56;
	v16 =	vadd.f32 v16, v36;
	v11 =	vadd.s32 v28, v44;
	v22 =	vld [tilespmem:$0x1FE50];
	[tilespmem:$0x1FDE0] =	vst v2  }
0x54: {  	s11 =	simm.s32 $0xA;
	v12 =	vadd.s32 v51, v55;
	v0 =	vmovc v51;
	v51 =	vmov s28;
	v8 =	vadd.f32 v8, v35;
	v60 =	vld [tilespmem:s25+$0xFFFFFF00]  }
0x55: {  	v14 =	vadd.f32 v14, v36;
	v59 =	vshrl.u32 v51, $0x3;
	[tilespmem:v7+s16+$0x0] =	vst.idx.msk $0xffff, v16;
	v16 =	vmov s11;
	v2 =	vmovc v40;
	v40 =	vld [tilespmem:s26+$0xFFFFFF20]  }
0x56: {  	s5 =	simm.s32 $0xC;
	v3 =	vadd.f32 v3, v36;
	[tilespmem:v10+s16+$0x0] =	vst.idx.msk $0xffff, v8;
	v10 =	vshrl.u32 v16, $0x3;
	v16 =	vshll.u32 v59, v1;
	v59 =	vld [tilespmem:s26+$0x110]  }
0x57: {  	v15 =	vadd.s32 v30, v50;
	v13 =	vadd.f32 v13, v35;
	v7 =	vmov s5;
	[tilespmem:v39+s16+$0x0] =	vst.idx.msk $0xffff, v14;
	v14 =	vld [tilespmem:s26+$0xFFFFFEA0]  }
0x58: {  	v48 =	vadd.s32 v26, v37;
	v29 =	vmovc v5;
	[tilespmem:v11+s16+$0x0] =	vst.idx.msk $0xffff, v38;
	v7 =	vshrl.u32 v7, $0x3;
	v11 =	vld [tilespmem:s26+$0x90];
	v51 =	vbroadcast v16, $0x0  }
0x59: {  	v10 =	vshll.u32 v10, v1;
	v7 =	vshll.u32 v7, v1;
	v5 =	vadd.s32 v22, v44;
	v22 =	vmovc v6;
	v6 =	vld [tilespmem:s25+$0x100]  }
0x5a: {  	[tilespmem:v41+s16+$0x0] =	vst.idx.msk $0xffff, v3;
	v16 =	vshrl.u32 v58, $0x3;
	v39 =	vbroadcast v10, $0x0;
	v58 =	vadd.s32 v62, v51;
	v62 =	vld [tilespmem:s25+$0x0]  }
0x5b: {  	v3 =	vadd.f32 v60, v36;
	v60 =	vld [tilespmem:s26+$0xFFFFFE10];
	v10 =	vadd.f32 v40, v34;
	v40 =	vbroadcast v7, $0x0  }
0x5c: {  	[tilespmem:v43+s16+$0x0] =	vst.idx.msk $0xffff, v13;
	v7 =	vld [tilespmem:s25+$0xFFFFFE00]  }
0x5d: {  	s0 =	simm.s32 $0x8;
	[tilespmem:v15+s16+$0x0] =	vst.idx.msk $0xffff, v9;
	v15 =	vadd.f32 v59, v35;
	v59 =	vld [tilespmem:s25+$0x180];
	v9 =	vadd.s32 v24, v40  }
0x5e: {  	v18 =	vmov v53;
	v53 =	vmov s0;
	v14 =	vadd.f32 v14, v34;
	[tilespmem:v48+s16+$0x0] =	vst.idx.msk $0xffff, v10;
	v10 =	vld [tilespmem:s25+$0x80]  }
0x5f: {  	s31 =	simm.s32 $0xE;
	s28 =	simm.s32 $0xD;
	v45 =	vadd.s32 v32, v50;
	v13 =	vshrl.u32 v53, $0x3;
	v53 =	vadd.s32 v23, v39;
	[tilespmem:v42+s16+$0x0] =	vst.idx.msk $0xffff, v15;
	v42 =	vld [tilespmem:s26+$0x190]  }
0x60: {  	v8 =	vmov s28;
	v15 =	vmov s31;
	[tilespmem:v47+s16+$0x0] =	vst.idx.msk $0xffff, v14;
	v14 =	vld [tilespmem:s26+$0x20];
	v47 =	vadd.f32 v62, v36  }
0x61: {  	s30 =	simm.s32 $0xB;
	v38 =	vadd.s32 v63, v51;
	v15 =	vshrl.u32 v15, $0x3;
	v62 =	vld [tilespmem:s25+$0xFFFFFF80];
	v48 =	vadd.f32 v7, v36  }
0x62: {  	v63 =	vmov s30;
	v24 =	vmovc v2;
	v2 =	vld [tilespmem:s26+$0xFFFFFF30];
	v7 =	vshll.u32 v15, v1;
	[tilespmem:v9+s16+$0x0] =	vst.idx.msk $0xffff, v47;
	v9 =	vadd.s32 v57, v51  }
0x63: {  	v43 =	vshrl.u32 v63, $0x3;
	v63 =	vadd.f32 v49, v36;
	v41 =	vbroadcast v7, $0x0;
	v7 =	vld [tilespmem:s26+$0xFFFFFEB0];
	[tilespmem:$0x1FDF0] =	vst v9  }
0x64: {  	v8 =	vshrl.u32 v8, $0x3;
	v11 =	vadd.f32 v11, v35;
	v15 =	vshll.u32 v43, v1;
	[tilespmem:v53+s16+$0x0] =	vst.idx.msk $0xffff, v3  }
0x65: {  	v8 =	vshll.u32 v8, v1;
	v43 =	vbroadcast v15, $0x0;
	v3 =	vadd.f32 v42, v35;
	[tilespmem:v58+s16+$0x0] =	vst.idx.msk $0xffff, v63  }
0x66: {  	v42 =	vbroadcast v8, $0x0;
	[tilespmem:v12+s16+$0x0] =	vst.idx.msk $0xffff, v11  }
0x67: {  	v8 =	vadd.s32 v31, v43;
	[tilespmem:v45+s16+$0x0] =	vst.idx.msk $0xffff, v3  }
0x68: {  	v12 =	vadd.f32 v60, v35;
	v47 =	vadd.s32 v0, v42;
	v0 =	vld [tilespmem:$0x1FE60]  }
0x69: {  	v3 =	vadd.f32 v14, v34  }
0x6a: {  	v14 =	vadd.f32 v62, v36;
	[tilespmem:v46+s16+$0x0] =	vst.idx.msk $0xffff, v12  }
0x6b: {  	[tilespmem:v5+s16+$0x0] =	vst.idx.msk $0xffff, v3  }
0x6c: {  	v17 =	vmov v18;
	[tilespmem:v8+s16+$0x0] =	vst.idx.msk $0xffff, v14  }
0x6d: {  	v49 =	vadd.f32 v59, v36;
	v59 =	vadd.s32 v17, v41;
	v17 =	vadd.s32 v0, v44;
	v0 =	vld [tilespmem:$0x1FE80];
	_ =	sdelay $0x4  }
0x6e: {  	v60 =	vadd.s32 v0, v55;
	v0 =	vld [tilespmem:$0x1FD90];
	_ =	sdelay $0x5  }
0x6f: {  	v7 =	vadd.f32 v7, v33;
	_ =	sdelay $0x1  }
0x70: {  	[tilespmem:v0+s16+$0x0] =	vst.idx.msk $0xffff, v7  }
0x71: {  	v0 =	vld [tilespmem:$0x1FDA0]  }
0x72: {  	v11 =	vld [tilespmem:s26+$0x1A0];
	_ =	sdelay $0x2  }
0x73: {  	v9 =	vld [tilespmem:s26+$0x120];
	_ =	sdelay $0x1  }
0x74: {  	v62 =	vadd.f32 v10, v36;
	v10 =	vadd.f32 v11, v34;
	_ =	sdelay $0x1  }
0x75: {  	[tilespmem:v0+s16+$0x0] =	vst.idx.msk $0xffff, v10  }
0x76: {  	v16 =	vshll.u32 v16, v1;
	v11 =	vadd.f32 v9, v34;
	v9 =	vld [tilespmem:$0x1FDB0]  }
0x77: {  	v45 =	vbroadcast v16, $0x0;
	v16 =	vld [tilespmem:s26+$0xFFFFFFA0];
	_ =	sdelay $0x4  }
0x78: {  	v3 =	vadd.s32 v61, v39;
	v61 =	vadd.f32 v2, v33;
	v2 =	vadd.f32 v16, v34;
	_ =	sdelay $0x1  }
0x79: {  	[tilespmem:v9+s16+$0x0] =	vst.idx.msk $0xffff, v2  }
0x7a: {  	v2 =	vld [tilespmem:$0x1FE40];
	_ =	sdelay $0x4  }
0x7b: {  	v9 =	vadd.s32 v2, v56;
	v2 =	vld [tilespmem:$0x1FDC0];
	_ =	sdelay $0x2  }
0x7c: {  	v12 =	vld [tilespmem:s26+$0xA0]  }
0x7d: {  	v8 =	vadd.f32 v6, v36;
	v6 =	vld [tilespmem:s26+$0x30];
	_ =	sdelay $0x3  }
0x7e: {  	[tilespmem:v2+s16+$0x0] =	vst.idx.msk $0xffff, v11  }
0x7f: {  	v10 =	vadd.f32 v12, v34;
	v12 =	vadd.f32 v6, v33;
	v6 =	vld [tilespmem:$0x1FEC0];
	_ =	sdelay $0x4  }
0x80: {  	v31 =	vmov v6;
	v11 =	vadd.s32 v6, v50;
	v6 =	vld [tilespmem:$0x1FDD0];
	_ =	sdelay $0x3  }
0x81: {  	v15 =	vld [tilespmem:s25+$0x10];
	_ =	sdelay $0x1  }
0x82: {  	v57 =	vadd.s32 v28, v40;
	v7 =	vld [tilespmem:s25+$0xFFFFFF10]  }
0x83: {  	v2 =	vld [tilespmem:s26+$0x1B0]  }
0x84: {  	v13 =	vshll.u32 v13, v1;
	[tilespmem:v6+s16+$0x0] =	vst.idx.msk $0xffff, v10  }
0x85: {  	v44 =	vbroadcast v13, $0x0;
	v13 =	vadd.f32 v15, v35;
	v6 =	vld [tilespmem:$0x1FE90]  }
0x86: {  	v28 =	vld [tilespmem:$0x1FE00];
	[tilespmem:v17+s16+$0x0] =	vst.idx.msk $0xffff, v12  }
0x87: {  	v14 =	vadd.f32 v7, v35;
	v7 =	vld [tilespmem:$0x1FE70];
	[tilespmem:v57+s16+$0x0] =	vst.idx.msk $0xffff, v13  }
0x88: {  	v17 =	vadd.f32 v2, v33;
	v2 =	vld [tilespmem:$0x1FDE0]  }
0x89: {  	v0 =	vld [tilespmem:s26+$0xFFFFFE20];
	_ =	sdelay $0x4  }
0x8a: {  	v16 =	vadd.s32 v7, v42;
	v7 =	vadd.f32 v0, v34;
	_ =	sdelay $0x1  }
0x8b: {  	[tilespmem:v2+s16+$0x0] =	vst.idx.msk $0xffff, v7  }
0x8c: {  	v7 =	vld [tilespmem:$0x1FDF0]  }
0x8d: {  	v5 =	vld [tilespmem:s25+$0xFFFFFE90];
	_ =	sdelay $0x4  }
0x8e: {  	v46 =	vadd.s32 v4, v43;
	v4 =	vadd.f32 v5, v35  }
0x8f: {  	v5 =	vld [tilespmem:s25+$0xFFFFFF90]  }
0x90: {  	[tilespmem:v7+s16+$0x0] =	vst.idx.msk $0xffff, v4  }
0x91: {  	v7 =	vld [tilespmem:$0x1FF90]  }
0x92: {  	v58 =	vadd.s32 v22, v41;
	v63 =	vadd.s32 v19, v43;
	v15 =	vld [tilespmem:s26+$0xFFFFFFB0]  }
0x93: {  	v18 =	vmovc v27;
	v53 =	vadd.s32 v30, v45;
	v55 =	vadd.s32 v25, v44;
	v56 =	vadd.s32 v32, v45;
	v12 =	vld [tilespmem:s26+$0x130]  }
0x94: {  	v50 =	vadd.s32 v29, v42;
	v27 =	vmovc v6;
	v10 =	vadd.s32 v6, v52;
	v6 =	vadd.f32 v5, v35;
	v2 =	vld [tilespmem:s26+$0xB0]  }
0x95: {  	s23 =	sshll.u32 s22, $0x1;
	v5 =	vadd.s32 v28, v54;
	v54 =	vadd.s32 v18, v44;
	v52 =	vadd.s32 v20, v45;
	v29 =	vld [tilespmem:$0x1FE30]  }
0x96: {  	s29 =	simm.s32 $0x6E00;
	s24 =	sadd.s32 s7, s23;
	s28 =	simm.s32 $0x10;
	v30 =	vmovc v24;
	v0 =	vadd.s32 v21, v51;
	v13 =	vld [tilespmem:s26+$0xFFFFFE30];
	v4 =	vadd.s32 v26, v39;
	v51 =	vadd.s32 v7, v41  }
.LBB2_3:
0x97: {  	_ =	sdelay $0x1  }
0x98: {  	s31 =	smov.u32 s28;
	[tilespmem:v59+s16+$0x0] =	vst.idx.msk $0xffff, v8  }
0x99: {  	v18 =	vld [tilespmem:s29+$0xFFFFFE80];
	v21 =	vadd.s32 v29, v37;
	[tilespmem:v3+s16+$0x0] =	vst.idx.msk $0xffff, v14;
	s11 =	sadd.s32 $0x2, s31  }
0x9a: {  	[tilespmem:v11+s16+$0x0] =	vst.idx.msk $0xffff, v17;
	v8 =	vld [tilespmem:s29+$0x100];
	v17 =	vmov s11;
	v3 =	vadd.f32 v15, v33  }
0x9b: {  	[tilespmem:v16+s16+$0x0] =	vst.idx.msk $0xffff, v62;
	v20 =	vld [tilespmem:s25+$0xFFFFFF20];
	v16 =	vshrl.u32 v17, $0x3;
	v12 =	vadd.f32 v12, v33  }
0x9c: {  	[tilespmem:v9+s16+$0x0] =	vst.idx.msk $0xffff, v3;
	v9 =	vshll.u32 v16, v1;
	v16 =	vld [tilespmem:s25+$0x110]  }
0x9d: {  	v13 =	vadd.f32 v13, v33;
	[tilespmem:v10+s16+$0x0] =	vst.idx.msk $0xffff, v12;
	v12 =	vld [tilespmem:s25+$0xFFFFFEA0]  }
0x9e: {  	s0 =	sadd.s32 $0x4, s31;
	v22 =	vld [tilespmem:s29+$0xFFFFFF00];
	[tilespmem:v21+s16+$0x0] =	vst.idx.msk $0xffff, v61;
	v3 =	vadd.f32 v2, v33  }
0x9f: {  	v7 =	vld [tilespmem:$0x1FE50];
	v37 =	vmov v39;
	v14 =	vmov s0;
	[tilespmem:v5+s16+$0x0] =	vst.idx.msk $0xffff, v13;
	v39 =	vbroadcast v9, $0x0  }
0xa0: {  	v17 =	vld [tilespmem:s25+$0x90];
	v10 =	vshrl.u32 v14, $0x3;
	[tilespmem:v60+s16+$0x0] =	vst.idx.msk $0xffff, v3  }
0xa1: {  	v26 =	vld [tilespmem:$0x1FF70];
	v3 =	vshll.u32 v10, v1;
	v10 =	vadd.f32 v20, v34;
	v21 =	vadd.s32 v23, v39  }
0xa2: {  	s5 =	sadd.s32 $0x1, s31;
	v14 =	vld [tilespmem:$0x1FF20];
	[tilespmem:v63+s16+$0x0] =	vst.idx.msk $0xffff, v6;
	v12 =	vadd.f32 v12, v34  }
0xa3: {  	v11 =	vmov s5;
	v5 =	vld [tilespmem:s29+$0xFFFFFE00];
	[tilespmem:v4+s16+$0x0] =	vst.idx.msk $0xffff, v10  }
0xa4: {  	s30 =	sadd.s32 $0x7, s28;
	v32 =	vmov s31;
	v11 =	vshrl.u32 v11, $0x3;
	v6 =	vld [tilespmem:$0x1FF40];
	[tilespmem:v0+s16+$0x0] =	vst.idx.msk $0xffff, v12;
	v12 =	vadd.f32 v22, v36  }
0xa5: {  	s2 =	sadd.s32 $0x5, s31;
	s26 =	sadd.s32 $0x6, s31;
	v19 =	vmov s30;
	s31 =	sadd.s32 $0x3, s31;
	v2 =	vshll.u32 v11, v1;
	v13 =	vshrl.u32 v32, $0x3;
	v0 =	vld [tilespmem:s25+$0xFFFFFF30]  }
0xa6: {  	v32 =	vmov s31;
	v4 =	vadd.f32 v18, v36;
	v18 =	vmov s26;
	[tilespmem:v21+s16+$0x0] =	vst.idx.msk $0xffff, v12;
	v21 =	vld [tilespmem:$0x1FFA0]  }
0xa7: {  	v2 =	vbroadcast v2, $0x0;
	v59 =	vshrl.u32 v32, $0x3;
	v32 =	vld [tilespmem:s29+$0x180];
	v18 =	vshrl.u32 v18, $0x3  }
0xa8: {  	v11 =	vshrl.u32 v19, $0x3;
	v20 =	vld [tilespmem:s29+$0x0];
	v18 =	vshll.u32 v18, v1  }
0xa9: {  	v60 =	vld [tilespmem:s25+$0x20];
	v3 =	vbroadcast v3, $0x0;
	v14 =	vadd.s32 v14, v2;
	v18 =	vbroadcast v18, $0x0  }
0xaa: {  	v11 =	vshll.u32 v11, v1;
	v63 =	vshll.u32 v59, v1;
	v9 =	vld [tilespmem:s29+$0x80]  }
0xab: {  	v6 =	vadd.s32 v6, v3;
	v59 =	vadd.s32 v21, v18;
	v21 =	vbroadcast v11, $0x0;
	v11 =	vld [tilespmem:$0x1FF10]  }
0xac: {  	v10 =	vld [tilespmem:s29+$0xFFFFFF80]  }
0xad: {  	v7 =	vadd.s32 v7, v40;
	[tilespmem:v53+s16+$0x0] =	vst.idx.msk $0xffff, v49;
	v16 =	vadd.f32 v16, v35;
	v22 =	vld [tilespmem:s25+$0xFFFFFEB0]  }
0xae: {  	v17 =	vadd.f32 v17, v35;
	v20 =	vadd.f32 v20, v36;
	[tilespmem:v14+s16+$0x0] =	vst.idx.msk $0xffff, v4;
	v14 =	vld [tilespmem:$0x1FE60]  }
0xaf: {  	v49 =	vadd.f32 v32, v36;
	[tilespmem:v58+s16+$0x0] =	vst.idx.msk $0xffff, v16;
	v53 =	vadd.s32 v26, v21;
	v26 =	vld [tilespmem:$0x1FE80]  }
0xb0: {  	v15 =	vmov s2;
	v58 =	vadd.f32 v60, v34;
	[tilespmem:v6+s16+$0x0] =	vst.idx.msk $0xffff, v20;
	v32 =	vadd.s32 v11, v3;
	v11 =	vld [tilespmem:$0x1FFD0]  }
0xb1: {  	v15 =	vshrl.u32 v15, $0x3;
	[tilespmem:v47+s16+$0x0] =	vst.idx.msk $0xffff, v17;
	v12 =	vld [tilespmem:s29+$0x10]  }
0xb2: {  	v15 =	vshll.u32 v15, v1;
	[tilespmem:v7+s16+$0x0] =	vst.idx.msk $0xffff, v58;
	v7 =	vld [tilespmem:s25+$0xA0]  }
0xb3: {  	v16 =	vld [tilespmem:s25+$0x190];
	v6 =	vbroadcast v15, $0x0  }
0xb4: {  	v15 =	vld [tilespmem:s25+$0x120];
	v24 =	vadd.s32 v14, v40  }
0xb5: {  	v14 =	vld [tilespmem:s29+$0xFFFFFE90];
	v60 =	vadd.s32 v26, v42;
	v42 =	vmovc v6;
	v11 =	vadd.s32 v11, v6;
	v6 =	vadd.f32 v22, v33  }
0xb6: {  	[tilespmem:v55+s16+$0x0] =	vst.idx.msk $0xffff, v48;
	v40 =	vmov v3;
	v3 =	vld [tilespmem:$0x1FFF0]  }
0xb7: {  	v5 =	vadd.f32 v5, v36;
	[tilespmem:v38+s16+$0x0] =	vst.idx.msk $0xffff, v6;
	v6 =	vadd.f32 v7, v34;
	v7 =	vld [tilespmem:$0x1FF80]  }
0xb8: {  	v55 =	vld [tilespmem:s25+$0xFFFFFE10]  }
0xb9: {  	v48 =	vmov v5;
	v5 =	vbroadcast v63, $0x0;
	v16 =	vadd.f32 v16, v35  }
0xba: {  	v4 =	vadd.f32 v10, v36;
	v10 =	vld [tilespmem:s25+$0xFFFFFFA0]  }
0xbb: {  	[tilespmem:v56+s16+$0x0] =	vst.idx.msk $0xffff, v16;
	v16 =	vadd.s32 v3, v5;
	v3 =	vld [tilespmem:$0x1FFC0]  }
0xbc: {  	v61 =	vadd.f32 v0, v33;
	v0 =	vadd.f32 v15, v34;
	v58 =	vadd.s32 v7, v18;
	v7 =	vld [tilespmem:$0x1FE40]  }
0xbd: {  	v62 =	vadd.f32 v9, v36;
	v9 =	vadd.f32 v55, v35;
	v47 =	vmov v11;
	v11 =	vld [tilespmem:s25+$0x30]  }
0xbe: {  	[tilespmem:v51+s16+$0x0] =	vst.idx.msk $0xffff, v0;
	v0 =	vld [tilespmem:$0x1FEA0]  }
0xbf: {  	[tilespmem:v54+s16+$0x0] =	vst.idx.msk $0xffff, v9  }
0xc0: {  	[tilespmem:v16+s16+$0x0] =	vst.idx.msk $0xffff, v4  }
0xc1: {  	v10 =	vadd.f32 v10, v34;
	v56 =	vadd.s32 v3, v5;
	v16 =	vld [tilespmem:s29+$0xFFFFFF90];
	v9 =	vadd.s32 v7, v43  }
0xc2: {  	v43 =	vmovc v5;
	v5 =	vld [tilespmem:$0x1FFB0];
	v7 =	vadd.f32 v11, v33;
	v11 =	vadd.s32 v31, v45;
	v45 =	vmov v21  }
0xc3: {  	[tilespmem:v46+s16+$0x0] =	vst.idx.msk $0xffff, v10;
	v46 =	vmov v56;
	v56 =	vadd.s32 v0, v45;
	v0 =	vld [tilespmem:$0x1FED0]  }
0xc4: {  	v13 =	vshll.u32 v13, v1  }
0xc5: {  	v13 =	vbroadcast v13, $0x0;
	_ =	sdelay $0x1  }
0xc6: {  	v57 =	vadd.s32 v30, v44;
	v63 =	vadd.s32 v5, v43;
	v5 =	vadd.s32 v28, v44;
	v44 =	vmovc v13  }
0xc7: {  	v54 =	vadd.s32 v0, v44;
	v0 =	vld [tilespmem:$0x1FE70];
	_ =	sdelay $0x1  }
0xc8: {  	v19 =	vld [tilespmem:$0x1FEF0]  }
0xc9: {  	v17 =	vld [tilespmem:s25+$0x1A0]  }
0xca: {  	v20 =	vld [tilespmem:$0x1FF00]  }
0xcb: {  	[tilespmem:v50+s16+$0x0] =	vst.idx.msk $0xffff, v6;
	v6 =	vadd.f32 v16, v35;
	v16 =	vadd.s32 v0, v42;
	v0 =	vld [tilespmem:$0x1FE10]  }
0xcc: {  	v4 =	vld [tilespmem:s25+$0xFFFFFE20];
	_ =	sdelay $0x1  }
0xcd: {  	v15 =	vadd.f32 v17, v34  }
0xce: {  	v19 =	vadd.s32 v19, v2;
	v55 =	vadd.s32 v25, v13;
	v26 =	vmovc v25;
	v25 =	vadd.f32 v12, v35;
	v12 =	vld [tilespmem:s29+$0xFFFFFF10]  }
0xcf: {  	v20 =	vadd.s32 v20, v2;
	[tilespmem:v52+s16+$0x0] =	vst.idx.msk $0xffff, v15;
	v0 =	vadd.s32 v0, v2;
	v2 =	vld [tilespmem:$0x1FF30]  }
0xd0: {  	v17 =	vld [tilespmem:s25+$0x1B0];
	v4 =	vadd.f32 v4, v34  }
0xd1: {  	v3 =	vld [tilespmem:$0x1FF60]  }
0xd2: {  	[tilespmem:v57+s16+$0x0] =	vst.idx.msk $0xffff, v4;
	v4 =	vld [tilespmem:$0x1FE20]  }
0xd3: {  	[tilespmem:v24+s16+$0x0] =	vst.idx.msk $0xffff, v7;
	v7 =	vld [tilespmem:$0x1FF90]  }
0xd4: {  	p1 =	slt.u32 s28, $0x78;
	v50 =	vadd.s32 v2, v42;
	v2 =	vld [tilespmem:$0x1FEB0]  }
.Ltmp0:
0xd5: {  	v22 =	vadd.f32 v14, v35;
	(pc) =	sbr.rel @p1 .LBB2_3-.Ltmp0, $4  }
0xd6: {  	v14 =	vadd.f32 v12, v35;
	v12 =	vld [tilespmem:s25+$0x130]  }
0xd7: {  	v8 =	vadd.f32 v8, v36;
	v38 =	vmov v19;
	[tilespmem:v20+s16+$0x0] =	vst.idx.msk $0xffff, v22;
	v17 =	vadd.f32 v17, v33;
	v15 =	vld [tilespmem:s25+$0xFFFFFFB0]  }
0xd8: {  	v10 =	vadd.s32 v27, v41;
	v41 =	vmov v18;
	v3 =	vadd.s32 v3, v39;
	[tilespmem:v32+s16+$0x0] =	vst.idx.msk $0xffff, v25;
	v13 =	vld [tilespmem:s25+$0xFFFFFE30]  }
0xd9: {  	s28 =	sadd.s32 $0x8, s28;
	v25 =	vmovc v26;
	v4 =	vadd.s32 v4, v39;
	v51 =	vadd.s32 v7, v41;
	v52 =	vadd.s32 v2, v45;
	v2 =	vld [tilespmem:s25+$0xB0];
	s25 =	smov.u32 s29;
	s29 =	sadd.s32 $0x400, s29  }
0xda: {  	_ =	sdelay $0x3  }
0xdb: {  	[tilespmem:v59+s16+$0x0] =	vst.idx.msk $0xffff, v8  }
0xdc: {  	[tilespmem:v3+s16+$0x0] =	vst.idx.msk $0xffff, v14  }
0xdd: {  	[tilespmem:v53+s16+$0x0] =	vst.idx.msk $0xffff, v49  }
0xde: {  	[tilespmem:v11+s16+$0x0] =	vst.idx.msk $0xffff, v17;
	v3 =	vadd.f32 v15, v33  }
0xdf: {  	[tilespmem:v16+s16+$0x0] =	vst.idx.msk $0xffff, v62;
	v8 =	vadd.s32 v29, v37;
	v7 =	vld [tilespmem:s25+$0x190]  }
0xe0: {  	[tilespmem:v9+s16+$0x0] =	vst.idx.msk $0xffff, v3;
	v3 =	vld [tilespmem:s25+$0x110]  }
0xe1: {  	[tilespmem:v55+s16+$0x0] =	vst.idx.msk $0xffff, v48;
	v11 =	vadd.f32 v12, v33  }
0xe2: {  	[tilespmem:v63+s16+$0x0] =	vst.idx.msk $0xffff, v6  }
0xe3: {  	[tilespmem:v10+s16+$0x0] =	vst.idx.msk $0xffff, v11;
	v2 =	vadd.f32 v2, v33  }
0xe4: {  	[tilespmem:v8+s16+$0x0] =	vst.idx.msk $0xffff, v61;
	v7 =	vadd.f32 v7, v35  }
0xe5: {  	[tilespmem:v60+s16+$0x0] =	vst.idx.msk $0xffff, v2;
	v3 =	vadd.f32 v3, v35  }
0xe6: {  	[tilespmem:v56+s16+$0x0] =	vst.idx.msk $0xffff, v7  }
0xe7: {  	v9 =	vld [tilespmem:s25+$0x90];
	[tilespmem:v58+s16+$0x0] =	vst.idx.msk $0xffff, v3  }
0xe8: {  	v55 =	vld [tilespmem:$0x1FE50]  }
0xe9: {  	v2 =	vld [tilespmem:s25+$0xFFFFFE10]  }
0xea: {  	v8 =	vld [tilespmem:s25+$0xFFFFFEA0]  }
0xeb: {  	v7 =	vld [tilespmem:s25+$0x20]  }
0xec: {  	v6 =	vadd.f32 v9, v35;
	v9 =	vld [tilespmem:s25+$0x1A0]  }
0xed: {  	v10 =	vadd.f32 v13, v33;
	v11 =	vld [tilespmem:s25+$0xFFFFFFA0];
	v3 =	vadd.s32 v55, v40  }
0xee: {  	v2 =	vadd.f32 v2, v35;
	[tilespmem:v47+s16+$0x0] =	vst.idx.msk $0xffff, v6;
	v6 =	vld [tilespmem:s25+$0x120]  }
0xef: {  	[tilespmem:v5+s16+$0x0] =	vst.idx.msk $0xffff, v10;
	v5 =	vadd.f32 v8, v34;
	v8 =	vld [tilespmem:s25+$0xA0]  }
0xf0: {  	[tilespmem:v54+s16+$0x0] =	vst.idx.msk $0xffff, v2;
	v2 =	vld [tilespmem:s25+$0xFFFFFF20];
	v7 =	vadd.f32 v7, v34  }
0xf1: {  	[tilespmem:v0+s16+$0x0] =	vst.idx.msk $0xffff, v5;
	v5 =	vadd.f32 v9, v34  }
0xf2: {  	v0 =	vld [tilespmem:s25+$0xFFFFFE20];
	[tilespmem:v3+s16+$0x0] =	vst.idx.msk $0xffff, v7;
	v7 =	vadd.f32 v11, v34  }
0xf3: {  	[tilespmem:v52+s16+$0x0] =	vst.idx.msk $0xffff, v5;
	v6 =	vadd.f32 v6, v34  }
0xf4: {  	v5 =	vadd.s32 v30, v44;
	v8 =	vadd.f32 v8, v34;
	[tilespmem:v46+s16+$0x0] =	vst.idx.msk $0xffff, v7  }
0xf5: {  	v2 =	vadd.f32 v2, v34;
	v16 =	vld [tilespmem:$0x1FE60];
	[tilespmem:v51+s16+$0x0] =	vst.idx.msk $0xffff, v6  }
0xf6: {  	v3 =	vld [tilespmem:s25+$0xFFFFFEB0];
	[tilespmem:v50+s16+$0x0] =	vst.idx.msk $0xffff, v8  }
0xf7: {  	v0 =	vadd.f32 v0, v34;
	v9 =	vld [tilespmem:s25+$0x30];
	[tilespmem:v4+s16+$0x0] =	vst.idx.msk $0xffff, v2  }
0xf8: {  	v6 =	vadd.s32 v31, v45;
	v45 =	vld [tilespmem:$0x1FE40]  }
0xf9: {  	v7 =	vld [tilespmem:s25+$0x1B0];
	[tilespmem:v5+s16+$0x0] =	vst.idx.msk $0xffff, v0  }
0xfa: {  	v18 =	vmov v29;
	v29 =	vld [tilespmem:$0x1FE80]  }
0xfb: {  	v11 =	vld [tilespmem:s25+$0xFFFFFFB0];
	v10 =	vadd.s32 v16, v40  }
0xfc: {  	v8 =	vld [tilespmem:s25+$0x130]  }
0xfd: {  	v4 =	vld [tilespmem:s25+$0xB0];
	v2 =	vadd.f32 v3, v33;
	v3 =	vadd.s32 v45, v43  }
0xfe: {  	v13 =	vadd.s32 v27, v41;
	v12 =	vld [tilespmem:s25+$0xFFFFFF30];
	v9 =	vadd.f32 v9, v33  }
0xff: {  	v5 =	vld [tilespmem:s25+$0xFFFFFE30];
	[tilespmem:v38+s16+$0x0] =	vst.idx.msk $0xffff, v2;
	v2 =	vadd.f32 v7, v33;
	v0 =	vadd.s32 v29, v42  }
0x100: {  	v7 =	vadd.f32 v11, v33;
	[tilespmem:v10+s16+$0x0] =	vst.idx.msk $0xffff, v9;
	v9 =	vadd.s32 v18, v39  }
0x101: {  	[tilespmem:v6+s16+$0x0] =	vst.idx.msk $0xffff, v2;
	v2 =	vadd.f32 v8, v33;
	v10 =	vadd.s32 v28, v44  }
0x102: {  	[tilespmem:v3+s16+$0x0] =	vst.idx.msk $0xffff, v7;
	v3 =	vadd.f32 v4, v33  }
0x103: {  	[tilespmem:v13+s16+$0x0] =	vst.idx.msk $0xffff, v2;
	v4 =	vadd.f32 v12, v33  }
0x104: {  	s0 =	sshll.u32 s22, $0xA;
	v2 =	vadd.f32 v5, v33;
	[tilespmem:v0+s16+$0x0] =	vst.idx.msk $0xffff, v3  }
0x105: {  	s25 =	sand.u32 $0x3FFFFC00, s0;
	[tilespmem:v9+s16+$0x0] =	vst.idx.msk $0xffff, v4  }
0x106: {  	s31 =	simm.s32 $0x80;
	s0 =	sor.u32 $0x100, s25;
	[tilespmem:v10+s16+$0x0] =	vst.idx.msk $0xffff, v2  }
0x107: {  	[tilespmem:s13], [sflag:$0x1] =	stream.indirect.gather [hbm4b:s3+s12], $0x80, s0, s12, $0xb8;
	[tilespmem:$0x1F480] =	vst v63  }
0x108: {  	s11 =	simm.s32 $0x84;
	v0 =	vmov s31;
	s31 =	simm.s32 $0x87;
	_ =	swait.ge [sflag:s17], $0x4000  }
0x109: {  	v5 =	vmov s11;
	v8 =	vmov s31;
	v50 =	vld [tilespmem:$0x1FF70]  }
0x10a: {  	s2 =	simm.s32 $0x81;
	s26 =	simm.s32 $0x83;
	v5 =	vshrl.u32 v5, $0x3;
	v0 =	vshrl.u32 v0, $0x3;
	v8 =	vshrl.u32 v8, $0x3;
	[sflag:s17] =	ssyncset.done $0x0  }
0x10b: {  	v2 =	vmov s2;
	v4 =	vmov s26;
	s26 =	simm.s32 $0xA600;
	v8 =	vshll.u32 v8, v1;
	[sflag:s17] =	ssyncadd.s32 $0xFFFFC000  }
0x10c: {  	s5 =	simm.s32 $0x82;
	v0 =	vshll.u32 v0, v1;
	v2 =	vshrl.u32 v2, $0x3;
	v39 =	vbroadcast v8, $0x0;
	v9 =	vld [tilespmem:s26+$0x180]  }
0x10d: {  	v3 =	vmov s5;
	v42 =	vbroadcast v0, $0x0;
	v2 =	vshll.u32 v2, v1;
	v54 =	vld [tilespmem:$0x1FF20]  }
0x10e: {  	s29 =	simm.s32 $0x85;
	v43 =	vbroadcast v2, $0x0;
	v2 =	vshll.u32 v5, v1;
	v8 =	vld [tilespmem:s26+$0xFFFFFE00];
	v5 =	vadd.s32 v50, v39  }
0x10f: {  	v6 =	vmov s29;
	v3 =	vshrl.u32 v3, $0x3;
	v4 =	vshrl.u32 v4, $0x3;
	v27 =	vld [tilespmem:$0x1FFF0]  }
0x110: {  	v0 =	vshll.u32 v3, v1;
	v3 =	vshll.u32 v4, v1;
	v10 =	vadd.s32 v25, v42;
	v4 =	vld [tilespmem:s26+$0xFFFFFE80]  }
0x111: {  	v6 =	vshrl.u32 v6, $0x3;
	v40 =	vbroadcast v2, $0x0;
	v11 =	vld [tilespmem:s26+$0xFFFFFF00];
	v2 =	vadd.f32 v9, v36  }
0x112: {  	s30 =	simm.s32 $0x86;
	v44 =	vbroadcast v0, $0x0;
	v0 =	vshll.u32 v6, v1;
	v12 =	vld [tilespmem:s26+$0xFFFFFF80]  }
0x113: {  	v7 =	vmov s30;
	v13 =	vld [tilespmem:s26+$0x0];
	v6 =	vadd.s32 v54, v43;
	v8 =	vadd.f32 v8, v36;
	[tilespmem:v5+s16+$0x0] =	vst.idx.msk $0xffff, v2  }
0x114: {  	v7 =	vshrl.u32 v7, $0x3;
	v53 =	vld [tilespmem:$0x1FF40]  }
0x115: {  	v41 =	vbroadcast v3, $0x0;
	v3 =	vshll.u32 v7, v1;
	v7 =	vadd.s32 v23, v44;
	v14 =	vld [tilespmem:s26+$0x80];
	[tilespmem:v10+s16+$0x0] =	vst.idx.msk $0xffff, v8  }
0x116: {  	v37 =	vbroadcast v0, $0x0;
	v0 =	vadd.f32 v4, v36;
	v24 =	vld [tilespmem:$0x1FE70]  }
0x117: {  	v9 =	vadd.s32 v27, v41;
	v4 =	vld [tilespmem:s26+$0x100]  }
0x118: {  	v38 =	vbroadcast v3, $0x0;
	v3 =	vadd.f32 v11, v36;
	v8 =	vld [tilespmem:s26+$0x190];
	[tilespmem:v6+s16+$0x0] =	vst.idx.msk $0xffff, v0  }
0x119: {  	v58 =	vld [tilespmem:$0x1FFA0];
	v2 =	vadd.s32 v53, v40  }
0x11a: {  	v0 =	vld [tilespmem:s26+$0xFFFFFE10];
	v6 =	vadd.f32 v12, v36;
	[tilespmem:v7+s16+$0x0] =	vst.idx.msk $0xffff, v3  }
0x11b: {  	v56 =	vld [tilespmem:$0x1FEA0];
	v5 =	vadd.s32 v24, v37  }
0x11c: {  	v3 =	vld [tilespmem:s26+$0xFFFFFE90];
	v7 =	vadd.f32 v13, v36;
	[tilespmem:v9+s16+$0x0] =	vst.idx.msk $0xffff, v6  }
0x11d: {  	v51 =	vld [tilespmem:$0x1FED0]  }
0x11e: {  	v12 =	vld [tilespmem:s26+$0xFFFFFF10];
	v9 =	vadd.f32 v14, v36;
	v10 =	vadd.s32 v58, v38;
	[tilespmem:v2+s16+$0x0] =	vst.idx.msk $0xffff, v7  }
0x11f: {  	v48 =	vld [tilespmem:$0x1FF00]  }
0x120: {  	v13 =	vld [tilespmem:s26+$0xFFFFFF90];
	v11 =	vadd.s32 v56, v39;
	[tilespmem:v5+s16+$0x0] =	vst.idx.msk $0xffff, v9  }
0x121: {  	v4 =	vadd.f32 v4, v36;
	v57 =	vld [tilespmem:$0x1FF60]  }
0x122: {  	v6 =	vadd.s32 v51, v42;
	v15 =	vld [tilespmem:s26+$0x10]  }
0x123: {  	v5 =	vadd.f32 v8, v35;
	[tilespmem:v10+s16+$0x0] =	vst.idx.msk $0xffff, v4;
	v10 =	vld [tilespmem:s26+$0x90]  }
0x124: {  	v19 =	vld [tilespmem:$0x1FFB0];
	v2 =	vadd.s32 v48, v43  }
0x125: {  	v0 =	vadd.f32 v0, v35;
	[tilespmem:v11+s16+$0x0] =	vst.idx.msk $0xffff, v5;
	v8 =	vld [tilespmem:s26+$0x110]  }
0x126: {  	v46 =	vld [tilespmem:$0x1FF10];
	v14 =	vadd.s32 v57, v44  }
0x127: {  	v3 =	vadd.f32 v3, v35;
	[tilespmem:v6+s16+$0x0] =	vst.idx.msk $0xffff, v0;
	v6 =	vld [tilespmem:s26+$0x1A0]  }
0x128: {  	v21 =	vld [tilespmem:$0x1FFD0]  }
0x129: {  	v0 =	vadd.f32 v12, v35;
	v4 =	vld [tilespmem:s26+$0xFFFFFE20];
	[tilespmem:v2+s16+$0x0] =	vst.idx.msk $0xffff, v3  }
0x12a: {  	v61 =	vld [tilespmem:$0x1FF80]  }
0x12b: {  	[tilespmem:v14+s16+$0x0] =	vst.idx.msk $0xffff, v0;
	v3 =	vld [tilespmem:s26+$0xFFFFFEA0]  }
0x12c: {  	v60 =	vld [tilespmem:$0x1FEB0]  }
0x12d: {  	v26 =	vmov v31;
	v31 =	vld [tilespmem:$0x1FE10]  }
0x12e: {  	v32 =	vmov v28;
	v28 =	vld [tilespmem:$0x1FEF0]  }
0x12f: {  	v9 =	vadd.s32 v19, v41;
	v22 =	vld [tilespmem:$0x1FE20]  }
0x130: {  	v7 =	vadd.s32 v46, v40;
	v20 =	vld [tilespmem:$0x1FFC0]  }
0x131: {  	v52 =	vmov v30;
	v12 =	vadd.f32 v13, v35;
	v5 =	vadd.s32 v21, v37;
	v63 =	vld [tilespmem:$0x1FF30]  }
0x132: {  	s28 =	simm.s32 $0x0;
	v30 =	vmovc v18;
	v11 =	vadd.f32 v15, v35;
	v62 =	vld [tilespmem:$0x1FF90];
	v2 =	vadd.s32 v61, v38;
	v0 =	vadd.s32 v60, v39  }
.LBB2_5:
0x133: {  	v13 =	vadd.s32 v52, v42  }
0x134: {  	[tilespmem:v9+s16+$0x0] =	vst.idx.msk $0xffff, v12;
	v9 =	vadd.f32 v10, v35  }
0x135: {  	v14 =	vld [tilespmem:s26+$0xFFFFFF20];
	v12 =	vadd.s32 v31, v43;
	[tilespmem:v7+s16+$0x0] =	vst.idx.msk $0xffff, v11;
	v7 =	vadd.f32 v8, v35  }
0x136: {  	v15 =	vld [tilespmem:s26+$0xFFFFFFA0];
	v4 =	vadd.f32 v4, v34;
	[tilespmem:v5+s16+$0x0] =	vst.idx.msk $0xffff, v9  }
0x137: {  	v11 =	vadd.s32 v22, v44;
	v16 =	vld [tilespmem:s26+$0x20];
	v5 =	vadd.f32 v6, v34;
	[tilespmem:v2+s16+$0x0] =	vst.idx.msk $0xffff, v7  }
0x138: {  	v3 =	vadd.f32 v3, v34;
	v9 =	vadd.s32 v20, v41;
	[tilespmem:v13+s16+$0x0] =	vst.idx.msk $0xffff, v4;
	v17 =	vld [tilespmem:s26+$0xA0]  }
0x139: {  	v7 =	vadd.s32 v55, v40;
	v18 =	vld [tilespmem:s26+$0x120];
	[tilespmem:v0+s16+$0x0] =	vst.idx.msk $0xffff, v5  }
0x13a: {  	v4 =	vadd.f32 v14, v34;
	[tilespmem:v12+s16+$0x0] =	vst.idx.msk $0xffff, v3;
	v5 =	vadd.s32 v63, v37;
	v13 =	vld [tilespmem:s26+$0x1B0]  }
0x13b: {  	v59 =	vmov v20;
	v12 =	vadd.s32 v62, v38;
	v3 =	vadd.f32 v15, v34;
	v20 =	vld [tilespmem:s26+$0xFFFFFEB0]  }
0x13c: {  	[tilespmem:v11+s16+$0x0] =	vst.idx.msk $0xffff, v4;
	v4 =	vadd.f32 v16, v34;
	v11 =	vadd.s32 v26, v39  }
0x13d: {  	s0 =	sadd.s32 $0x88, s28;
	v29 =	vmov v19;
	v19 =	vld [tilespmem:s26+$0xFFFFFE30];
	[tilespmem:v9+s16+$0x0] =	vst.idx.msk $0xffff, v3;
	v9 =	vadd.s32 v28, v43;
	v3 =	vadd.f32 v17, v34  }
0x13e: {  	s31 =	sadd.s32 $0x89, s28;
	v49 =	vmov v21;
	v10 =	vmov s0;
	v21 =	vld [tilespmem:s26+$0xFFFFFF30];
	[tilespmem:v7+s16+$0x0] =	vst.idx.msk $0xffff, v4;
	v4 =	vadd.f32 v18, v34  }
0x13f: {  	s2 =	sadd.s32 $0x8A, s28;
	v8 =	vmov s31;
	v10 =	vshrl.u32 v10, $0x3;
	v17 =	vld [tilespmem:s26+$0xFFFFFFB0];
	[tilespmem:v5+s16+$0x0] =	vst.idx.msk $0xffff, v3;
	v3 =	vadd.f32 v13, v33  }
0x140: {  	s5 =	sadd.s32 $0x8B, s28;
	s29 =	sadd.s32 $0x8D, s28;
	v8 =	vshrl.u32 v8, $0x3;
	v6 =	vmov s2;
	[tilespmem:v12+s16+$0x0] =	vst.idx.msk $0xffff, v4;
	v4 =	vadd.f32 v20, v33;
	v12 =	vld [tilespmem:$0x1FE60]  }
0x141: {  	s30 =	sadd.s32 $0x8E, s28;
	v2 =	vmov s5;
	v14 =	vmov s29;
	v16 =	vadd.s32 v32, v42;
	[tilespmem:v11+s16+$0x0] =	vst.idx.msk $0xffff, v3;
	v11 =	vld [tilespmem:$0x1FE80]  }
0x142: {  	v10 =	vshll.u32 v10, v1;
	v8 =	vshll.u32 v8, v1;
	v15 =	vmov s30;
	[tilespmem:v9+s16+$0x0] =	vst.idx.msk $0xffff, v4;
	v9 =	vld [tilespmem:$0x1FE90]  }
0x143: {  	s11 =	sadd.s32 $0x8C, s28;
	v6 =	vshrl.u32 v6, $0x3;
	v2 =	vshrl.u32 v2, $0x3;
	v7 =	vadd.s32 v30, v44;
	v18 =	vld [tilespmem:s26+$0x30]  }
0x144: {  	v0 =	vmov s11;
	v5 =	vadd.f32 v19, v33;
	v13 =	vadd.s32 v45, v41;
	v19 =	vld [tilespmem:s26+$0xB0]  }
0x145: {  	s31 =	sadd.s32 $0x8F, s28;
	v6 =	vshll.u32 v6, v1;
	v20 =	vld [tilespmem:s26+$0x130];
	v3 =	vshrl.u32 v14, $0x3;
	v12 =	vadd.s32 v12, v40  }
0x146: {  	[tilespmem:v16+s16+$0x0] =	vst.idx.msk $0xffff, v5;
	v5 =	vadd.f32 v21, v33;
	v14 =	vmov s31;
	v11 =	vadd.s32 v11, v37  }
0x147: {  	v4 =	vadd.f32 v17, v33;
	v14 =	vshrl.u32 v14, $0x3;
	v9 =	vadd.s32 v9, v38  }
0x148: {  	v42 =	vbroadcast v10, $0x0;
	s26 =	sadd.s32 $0x400, s26;
	[tilespmem:v7+s16+$0x0] =	vst.idx.msk $0xffff, v5;
	v5 =	vadd.f32 v18, v33;
	v14 =	vshll.u32 v14, v1  }
0x149: {  	v2 =	vshll.u32 v2, v1;
	[tilespmem:v13+s16+$0x0] =	vst.idx.msk $0xffff, v4;
	v13 =	vld [tilespmem:s26+$0x180];
	v39 =	vbroadcast v14, $0x0;
	v4 =	vadd.f32 v19, v33  }
0x14a: {  	v0 =	vshrl.u32 v0, $0x3;
	v43 =	vbroadcast v8, $0x0;
	[tilespmem:v12+s16+$0x0] =	vst.idx.msk $0xffff, v5;
	v5 =	vadd.f32 v20, v33;
	v12 =	vld [tilespmem:s26+$0xFFFFFE00]  }
0x14b: {  	v0 =	vshll.u32 v0, v1;
	v44 =	vbroadcast v6, $0x0;
	v8 =	vadd.s32 v50, v39;
	[tilespmem:v11+s16+$0x0] =	vst.idx.msk $0xffff, v4;
	v4 =	vld [tilespmem:s26+$0xFFFFFE80]  }
0x14c: {  	v6 =	vadd.s32 v54, v43;
	v7 =	vshrl.u32 v15, $0x3;
	[tilespmem:v9+s16+$0x0] =	vst.idx.msk $0xffff, v5;
	v5 =	vadd.s32 v25, v42;
	v9 =	vld [tilespmem:s26+$0xFFFFFF00]  }
0x14d: {  	v41 =	vbroadcast v2, $0x0;
	v3 =	vshll.u32 v3, v1;
	v2 =	vshll.u32 v7, v1;
	v10 =	vld [tilespmem:s26+$0xFFFFFF80]  }
0x14e: {  	v7 =	vadd.s32 v23, v44;
	v40 =	vbroadcast v0, $0x0;
	v0 =	vadd.f32 v13, v36;
	v11 =	vld [tilespmem:s26+$0x0]  }
0x14f: {  	v37 =	vbroadcast v3, $0x0;
	v13 =	vadd.s32 v27, v41;
	v14 =	vld [tilespmem:s26+$0x80];
	v12 =	vadd.f32 v12, v36  }
0x150: {  	v38 =	vbroadcast v2, $0x0;
	[tilespmem:v8+s16+$0x0] =	vst.idx.msk $0xffff, v0;
	v15 =	vld [tilespmem:s26+$0x100];
	v3 =	vadd.f32 v4, v36;
	v4 =	vadd.s32 v53, v40  }
0x151: {  	v2 =	vadd.s32 v24, v37;
	[tilespmem:v5+s16+$0x0] =	vst.idx.msk $0xffff, v12;
	v0 =	vadd.f32 v9, v36;
	v5 =	vld [tilespmem:s26+$0x190]  }
0x152: {  	v8 =	vld [tilespmem:s26+$0xFFFFFE10];
	[tilespmem:v6+s16+$0x0] =	vst.idx.msk $0xffff, v3;
	v3 =	vadd.f32 v10, v36;
	v6 =	vadd.s32 v58, v38  }
0x153: {  	[tilespmem:v7+s16+$0x0] =	vst.idx.msk $0xffff, v0;
	v0 =	vadd.f32 v11, v36;
	v11 =	vadd.s32 v56, v39;
	v12 =	vld [tilespmem:s26+$0xFFFFFE90]  }
0x154: {  	v16 =	vadd.s32 v51, v42;
	v17 =	vld [tilespmem:s26+$0xFFFFFF10];
	[tilespmem:v13+s16+$0x0] =	vst.idx.msk $0xffff, v3;
	v3 =	vadd.f32 v14, v36  }
0x155: {  	s28 =	sadd.s32 $0x8, s28;
	v13 =	vadd.s32 v48, v43;
	v14 =	vld [tilespmem:s26+$0xFFFFFF90];
	[tilespmem:v4+s16+$0x0] =	vst.idx.msk $0xffff, v0;
	v0 =	vadd.f32 v15, v36  }
0x156: {  	p1 =	slt.u32 s28, $0x78;
	v15 =	vadd.s32 v57, v44;
	v18 =	vld [tilespmem:s26+$0x10];
	[tilespmem:v2+s16+$0x0] =	vst.idx.msk $0xffff, v3;
	v2 =	vadd.f32 v5, v35  }
.Ltmp1:
0x157: {  	v9 =	vadd.s32 v29, v41;
	v3 =	vadd.f32 v8, v35;
	v10 =	vld [tilespmem:s26+$0x90];
	[tilespmem:v6+s16+$0x0] =	vst.idx.msk $0xffff, v0;
	(pc) =	sbr.rel @p1 .LBB2_5-.Ltmp1, $4  }
0x158: {  	v7 =	vadd.s32 v46, v40;
	v0 =	vadd.f32 v12, v35;
	v8 =	vld [tilespmem:s26+$0x110];
	[tilespmem:v11+s16+$0x0] =	vst.idx.msk $0xffff, v2  }
0x159: {  	v21 =	vmov v49;
	v5 =	vadd.s32 v49, v37;
	[tilespmem:v16+s16+$0x0] =	vst.idx.msk $0xffff, v3;
	v11 =	vadd.f32 v17, v35;
	v6 =	vld [tilespmem:s26+$0x1A0]  }
0x15a: {  	v19 =	vmov v29;
	v2 =	vadd.s32 v61, v38;
	v4 =	vld [tilespmem:s26+$0xFFFFFE20];
	[tilespmem:v13+s16+$0x0] =	vst.idx.msk $0xffff, v0;
	v12 =	vadd.f32 v14, v35  }
0x15b: {  	v20 =	vmov v59;
	[tilespmem:v15+s16+$0x0] =	vst.idx.msk $0xffff, v11;
	v0 =	vadd.s32 v60, v39;
	v3 =	vld [tilespmem:s26+$0xFFFFFEA0];
	v11 =	vadd.f32 v18, v35  }
0x15c: {  	_ =	sdelay $0x3  }
0x15d: {  	v13 =	vadd.s32 v52, v42;
	v14 =	vld [tilespmem:s26+$0xFFFFFF20];
	[tilespmem:v9+s16+$0x0] =	vst.idx.msk $0xffff, v12;
	v9 =	vadd.f32 v10, v35  }
0x15e: {  	v10 =	vadd.s32 v31, v43;
	v12 =	vld [tilespmem:s26+$0xFFFFFFA0];
	[tilespmem:v7+s16+$0x0] =	vst.idx.msk $0xffff, v11;
	v7 =	vadd.f32 v8, v35  }
0x15f: {  	v8 =	vadd.s32 v22, v44;
	v11 =	vld [tilespmem:s26+$0x20];
	[tilespmem:v5+s16+$0x0] =	vst.idx.msk $0xffff, v9;
	v5 =	vadd.f32 v6, v34  }
0x160: {  	v6 =	vadd.s32 v20, v41;
	v4 =	vadd.f32 v4, v34;
	v9 =	vld [tilespmem:s26+$0xA0];
	[tilespmem:v2+s16+$0x0] =	vst.idx.msk $0xffff, v7  }
0x161: {  	v2 =	vadd.f32 v3, v34;
	v3 =	vadd.s32 v55, v40;
	v7 =	vld [tilespmem:s26+$0x120];
	[tilespmem:v0+s16+$0x0] =	vst.idx.msk $0xffff, v5  }
0x162: {  	[tilespmem:v13+s16+$0x0] =	vst.idx.msk $0xffff, v4;
	v0 =	vadd.f32 v14, v34;
	v4 =	vadd.s32 v63, v37;
	v5 =	vld [tilespmem:s26+$0x1B0]  }
0x163: {  	v13 =	vld [tilespmem:s26+$0xFFFFFE30];
	[tilespmem:v10+s16+$0x0] =	vst.idx.msk $0xffff, v2;
	v2 =	vadd.f32 v12, v34;
	v10 =	vadd.s32 v62, v38  }
0x164: {  	v12 =	vld [tilespmem:s26+$0xFFFFFEB0];
	[tilespmem:v8+s16+$0x0] =	vst.idx.msk $0xffff, v0;
	v0 =	vadd.f32 v11, v34;
	v8 =	vadd.s32 v26, v39  }
0x165: {  	v11 =	vadd.s32 v32, v42;
	[tilespmem:v6+s16+$0x0] =	vst.idx.msk $0xffff, v2;
	v2 =	vadd.f32 v9, v34  }
0x166: {  	v6 =	vadd.s32 v28, v43;
	[tilespmem:v3+s16+$0x0] =	vst.idx.msk $0xffff, v0;
	v0 =	vadd.f32 v7, v34  }
0x167: {  	[tilespmem:v4+s16+$0x0] =	vst.idx.msk $0xffff, v2;
	v2 =	vadd.f32 v5, v33  }
0x168: {  	v14 =	vld [tilespmem:s26+$0xFFFFFF30];
	v4 =	vadd.f32 v13, v33;
	[tilespmem:v10+s16+$0x0] =	vst.idx.msk $0xffff, v0  }
0x169: {  	v0 =	vadd.f32 v12, v33;
	v10 =	vld [tilespmem:$0x1FE60];
	[tilespmem:v8+s16+$0x0] =	vst.idx.msk $0xffff, v2  }
0x16a: {  	v9 =	vld [tilespmem:s26+$0xFFFFFFB0];
	[tilespmem:v11+s16+$0x0] =	vst.idx.msk $0xffff, v4  }
0x16b: {  	v4 =	vld [tilespmem:$0x1FE80];
	[tilespmem:v6+s16+$0x0] =	vst.idx.msk $0xffff, v0  }
0x16c: {  	v6 =	vld [tilespmem:$0x1FE90]  }
0x16d: {  	v3 =	vadd.s32 v30, v44;
	v7 =	vld [tilespmem:s26+$0x30]  }
0x16e: {  	v5 =	vadd.s32 v45, v41;
	v13 =	vld [tilespmem:s26+$0xB0]  }
0x16f: {  	v12 =	vld [tilespmem:s26+$0x130];
	v10 =	vadd.s32 v10, v40  }
0x170: {  	v2 =	vadd.f32 v14, v33;
	v4 =	vadd.s32 v4, v37  }
0x171: {  	v0 =	vadd.f32 v9, v33;
	v6 =	vadd.s32 v6, v38  }
0x172: {  	[tilespmem:v3+s16+$0x0] =	vst.idx.msk $0xffff, v2;
	v2 =	vadd.f32 v7, v33  }
0x173: {  	s31 =	simm.s32 $0x107;
	[tilespmem:v5+s16+$0x0] =	vst.idx.msk $0xffff, v0;
	v0 =	vadd.f32 v13, v33  }
0x174: {  	v8 =	vmov s31;
	[tilespmem:v10+s16+$0x0] =	vst.idx.msk $0xffff, v2;
	v2 =	vadd.f32 v12, v33  }
0x175: {  	s0 =	sadd.s32 $0x180, s25;
	s30 =	simm.s32 $0x106;
	s26 =	simm.s32 $0x102;
	v8 =	vshrl.u32 v8, $0x3;
	[tilespmem:v4+s16+$0x0] =	vst.idx.msk $0xffff, v0  }
0x176: {  	s25 =	simm.s32 $0x100;
	s2 =	simm.s32 $0x101;
	s11 =	simm.s32 $0x104;
	v8 =	vshll.u32 v8, v1;
	v3 =	vmov s26;
	v7 =	vmov s30;
	[tilespmem:v6+s16+$0x0] =	vst.idx.msk $0xffff, v2  }
0x177: {  	v39 =	vbroadcast v8, $0x0;
	v5 =	vmov s11;
	v3 =	vshrl.u32 v3, $0x3;
	[tilespmem:s14], [sflag:$0x2] =	stream.indirect.gather [hbm4b:s3+s12], $0x80, s0, s12, $0xb8;
	[tilespmem:$0x1F480] =	vst v63  }
0x178: {  	s28 =	simm.s32 $0x103;
	s29 =	simm.s32 $0x105;
	v7 =	vshrl.u32 v7, $0x3;
	v5 =	vshrl.u32 v5, $0x3;
	v0 =	vmov s25;
	_ =	swait.ge [sflag:s15], $0x4000  }
0x179: {  	v4 =	vmov s28;
	v2 =	vmov s2;
	v6 =	vmov s29;
	[sflag:s15] =	ssyncset.done $0x0  }
0x17a: {  	s25 =	simm.s32 $0x6600;
	v0 =	vshrl.u32 v0, $0x3;
	v4 =	vshrl.u32 v4, $0x3;
	v2 =	vshrl.u32 v2, $0x3;
	[sflag:s15] =	ssyncadd.s32 $0xFFFFC000  }
0x17b: {  	v6 =	vshrl.u32 v6, $0x3;
	v0 =	vshll.u32 v0, v1;
	v2 =	vshll.u32 v2, v1;
	v9 =	vld [tilespmem:s25+$0x180]  }
0x17c: {  	v42 =	vbroadcast v0, $0x0;
	v0 =	vshll.u32 v3, v1;
	v3 =	vshll.u32 v4, v1;
	v8 =	vld [tilespmem:s25+$0xFFFFFE00]  }
0x17d: {  	v43 =	vbroadcast v2, $0x0;
	v2 =	vshll.u32 v5, v1;
	v5 =	vadd.s32 v50, v39;
	v4 =	vld [tilespmem:s25+$0xFFFFFE80]  }
0x17e: {  	v44 =	vbroadcast v0, $0x0;
	v0 =	vshll.u32 v6, v1;
	v10 =	vadd.s32 v25, v42;
	v11 =	vld [tilespmem:s25+$0xFFFFFF00]  }
0x17f: {  	v41 =	vbroadcast v3, $0x0;
	v3 =	vshll.u32 v7, v1;
	v6 =	vadd.s32 v54, v43;
	v12 =	vld [tilespmem:s25+$0xFFFFFF80]  }
0x180: {  	v40 =	vbroadcast v2, $0x0;
	v7 =	vadd.s32 v23, v44;
	v13 =	vld [tilespmem:s25+$0x0];
	v2 =	vadd.f32 v9, v36  }
0x181: {  	v37 =	vbroadcast v0, $0x0;
	v14 =	vld [tilespmem:s25+$0x80];
	v8 =	vadd.f32 v8, v36;
	v9 =	vadd.s32 v27, v41  }
0x182: {  	v38 =	vbroadcast v3, $0x0;
	v15 =	vld [tilespmem:s25+$0x100];
	v0 =	vadd.f32 v4, v36;
	v4 =	vadd.s32 v53, v40;
	[tilespmem:v5+s16+$0x0] =	vst.idx.msk $0xffff, v2  }
0x183: {  	v3 =	vadd.s32 v24, v37;
	[tilespmem:v10+s16+$0x0] =	vst.idx.msk $0xffff, v8;
	v2 =	vadd.f32 v11, v36;
	v5 =	vld [tilespmem:s25+$0x190]  }
0x184: {  	[tilespmem:v6+s16+$0x0] =	vst.idx.msk $0xffff, v0;
	v0 =	vadd.f32 v12, v36;
	v6 =	vadd.s32 v58, v38;
	v8 =	vld [tilespmem:s25+$0xFFFFFE10]  }
0x185: {  	v11 =	vld [tilespmem:s25+$0xFFFFFE90];
	[tilespmem:v7+s16+$0x0] =	vst.idx.msk $0xffff, v2;
	v2 =	vadd.f32 v13, v36;
	v7 =	vadd.s32 v56, v39  }
0x186: {  	v12 =	vadd.s32 v51, v42;
	v13 =	vld [tilespmem:s25+$0xFFFFFF10];
	[tilespmem:v9+s16+$0x0] =	vst.idx.msk $0xffff, v0;
	v0 =	vadd.f32 v14, v36  }
0x187: {  	v14 =	vadd.s32 v48, v43;
	v16 =	vld [tilespmem:s25+$0xFFFFFF90];
	[tilespmem:v4+s16+$0x0] =	vst.idx.msk $0xffff, v2;
	v2 =	vadd.f32 v15, v36  }
0x188: {  	v15 =	vadd.s32 v57, v44;
	v17 =	vld [tilespmem:s25+$0x10];
	[tilespmem:v3+s16+$0x0] =	vst.idx.msk $0xffff, v0;
	v0 =	vadd.f32 v5, v35  }
0x189: {  	v9 =	vadd.s32 v19, v41;
	v3 =	vadd.f32 v8, v35;
	v10 =	vld [tilespmem:s25+$0x90];
	[tilespmem:v6+s16+$0x0] =	vst.idx.msk $0xffff, v2  }
0x18a: {  	v4 =	vadd.s32 v61, v38;
	v2 =	vadd.f32 v11, v35;
	v6 =	vld [tilespmem:s25+$0x110];
	[tilespmem:v7+s16+$0x0] =	vst.idx.msk $0xffff, v0  }
0x18b: {  	v5 =	vadd.s32 v46, v40;
	[tilespmem:v12+s16+$0x0] =	vst.idx.msk $0xffff, v3;
	v11 =	vadd.f32 v13, v35;
	v8 =	vld [tilespmem:s25+$0x1A0]  }
0x18c: {  	v47 =	vmov v55;
	v7 =	vadd.s32 v21, v37;
	[tilespmem:v14+s16+$0x0] =	vst.idx.msk $0xffff, v2;
	v2 =	vadd.s32 v60, v39;
	v3 =	vld [tilespmem:s25+$0xFFFFFE20]  }
0x18d: {  	s26 =	simm.s32 $0x0;
	v19 =	vmov v61;
	v12 =	vadd.f32 v16, v35;
	v0 =	vld [tilespmem:s25+$0xFFFFFEA0];
	[tilespmem:v15+s16+$0x0] =	vst.idx.msk $0xffff, v11;
	v11 =	vadd.f32 v17, v35  }
.LBB2_7:
0x18e: {  	_ = 	snop  }
0x18f: {  	v13 =	vadd.s32 v52, v42  }
0x190: {  	[tilespmem:v9+s16+$0x0] =	vst.idx.msk $0xffff, v12;
	v9 =	vadd.f32 v10, v35  }
0x191: {  	v14 =	vld [tilespmem:s25+$0xFFFFFF20];
	v12 =	vadd.s32 v31, v43;
	[tilespmem:v5+s16+$0x0] =	vst.idx.msk $0xffff, v11;
	v5 =	vadd.f32 v6, v35  }
0x192: {  	v15 =	vld [tilespmem:s25+$0xFFFFFFA0];
	v3 =	vadd.f32 v3, v34;
	[tilespmem:v7+s16+$0x0] =	vst.idx.msk $0xffff, v9  }
0x193: {  	v11 =	vadd.s32 v22, v44;
	v16 =	vld [tilespmem:s25+$0x20];
	v7 =	vadd.f32 v8, v34;
	[tilespmem:v4+s16+$0x0] =	vst.idx.msk $0xffff, v5  }
0x194: {  	v0 =	vadd.f32 v0, v34;
	v9 =	vadd.s32 v20, v41;
	[tilespmem:v13+s16+$0x0] =	vst.idx.msk $0xffff, v3;
	v17 =	vld [tilespmem:s25+$0xA0]  }
0x195: {  	v5 =	vadd.s32 v55, v40;
	v18 =	vld [tilespmem:s25+$0x120];
	[tilespmem:v2+s16+$0x0] =	vst.idx.msk $0xffff, v7  }
0x196: {  	v3 =	vadd.f32 v14, v34;
	[tilespmem:v12+s16+$0x0] =	vst.idx.msk $0xffff, v0;
	v7 =	vadd.s32 v63, v37;
	v13 =	vld [tilespmem:s25+$0x1B0]  }
0x197: {  	v12 =	vadd.s32 v62, v38;
	v0 =	vadd.f32 v15, v34;
	v20 =	vld [tilespmem:s25+$0xFFFFFEB0]  }
0x198: {  	[tilespmem:v11+s16+$0x0] =	vst.idx.msk $0xffff, v3;
	v3 =	vadd.f32 v16, v34;
	v11 =	vadd.s32 v26, v39  }
0x199: {  	s0 =	sadd.s32 $0x108, s26;
	v61 =	vmov v19;
	v19 =	vld [tilespmem:s25+$0xFFFFFE30];
	[tilespmem:v9+s16+$0x0] =	vst.idx.msk $0xffff, v0;
	v9 =	vadd.s32 v28, v43;
	v0 =	vadd.f32 v17, v34  }
0x19a: {  	s2 =	sadd.s32 $0x109, s26;
	v10 =	vmov s0;
	v21 =	vld [tilespmem:s25+$0xFFFFFF30];
	[tilespmem:v5+s16+$0x0] =	vst.idx.msk $0xffff, v3;
	v3 =	vadd.f32 v18, v34  }
0x19b: {  	s5 =	sadd.s32 $0x10A, s26;
	v6 =	vmov s2;
	v10 =	vshrl.u32 v10, $0x3;
	v17 =	vld [tilespmem:s25+$0xFFFFFFB0];
	[tilespmem:v7+s16+$0x0] =	vst.idx.msk $0xffff, v0;
	v0 =	vadd.f32 v13, v33  }
0x19c: {  	s11 =	sadd.s32 $0x10B, s26;
	s29 =	sadd.s32 $0x10D, s26;
	v6 =	vshrl.u32 v6, $0x3;
	v8 =	vmov s5;
	[tilespmem:v12+s16+$0x0] =	vst.idx.msk $0xffff, v3;
	v3 =	vadd.f32 v20, v33;
	v12 =	vld [tilespmem:$0x1FE60]  }
0x19d: {  	s30 =	sadd.s32 $0x10E, s26;
	v4 =	vmov s11;
	v14 =	vmov s29;
	v16 =	vadd.s32 v32, v42;
	[tilespmem:v11+s16+$0x0] =	vst.idx.msk $0xffff, v0;
	v11 =	vld [tilespmem:$0x1FE80]  }
0x19e: {  	v10 =	vshll.u32 v10, v1;
	v6 =	vshll.u32 v6, v1;
	v15 =	vmov s30;
	[tilespmem:v9+s16+$0x0] =	vst.idx.msk $0xffff, v3;
	v9 =	vld [tilespmem:$0x1FE90]  }
0x19f: {  	s28 =	sadd.s32 $0x10C, s26;
	v4 =	vshrl.u32 v4, $0x3;
	v5 =	vshrl.u32 v8, $0x3;
	v8 =	vadd.s32 v30, v44;
	v18 =	vld [tilespmem:s25+$0x30]  }
0x1a0: {  	v2 =	vmov s28;
	v7 =	vadd.f32 v19, v33;
	v13 =	vadd.s32 v45, v41;
	v19 =	vld [tilespmem:s25+$0xB0]  }
0x1a1: {  	s31 =	sadd.s32 $0x10F, s26;
	v4 =	vshll.u32 v4, v1;
	v20 =	vld [tilespmem:s25+$0x130];
	v0 =	vshrl.u32 v14, $0x3;
	v12 =	vadd.s32 v12, v40  }
0x1a2: {  	[tilespmem:v16+s16+$0x0] =	vst.idx.msk $0xffff, v7;
	v7 =	vadd.f32 v21, v33;
	v14 =	vmov s31;
	v11 =	vadd.s32 v11, v37  }
0x1a3: {  	v3 =	vadd.f32 v17, v33;
	v14 =	vshrl.u32 v14, $0x3;
	v9 =	vadd.s32 v9, v38  }
0x1a4: {  	v42 =	vbroadcast v10, $0x0;
	s25 =	sadd.s32 $0x400, s25;
	[tilespmem:v8+s16+$0x0] =	vst.idx.msk $0xffff, v7;
	v7 =	vadd.f32 v18, v33;
	v14 =	vshll.u32 v14, v1  }
0x1a5: {  	v2 =	vshrl.u32 v2, $0x3;
	[tilespmem:v13+s16+$0x0] =	vst.idx.msk $0xffff, v3;
	v13 =	vld [tilespmem:s25+$0x180];
	v39 =	vbroadcast v14, $0x0;
	v3 =	vadd.f32 v19, v33  }
0x1a6: {  	v43 =	vbroadcast v6, $0x0;
	v5 =	vshll.u32 v5, v1;
	[tilespmem:v12+s16+$0x0] =	vst.idx.msk $0xffff, v7;
	v7 =	vadd.f32 v20, v33;
	v12 =	vld [tilespmem:s25+$0xFFFFFE00]  }
0x1a7: {  	v2 =	vshll.u32 v2, v1;
	v44 =	vbroadcast v5, $0x0;
	v6 =	vadd.s32 v50, v39;
	[tilespmem:v11+s16+$0x0] =	vst.idx.msk $0xffff, v3;
	v3 =	vld [tilespmem:s25+$0xFFFFFE80]  }
0x1a8: {  	v5 =	vadd.s32 v54, v43;
	v8 =	vshrl.u32 v15, $0x3;
	[tilespmem:v9+s16+$0x0] =	vst.idx.msk $0xffff, v7;
	v7 =	vadd.s32 v25, v42;
	v9 =	vld [tilespmem:s25+$0xFFFFFF00]  }
0x1a9: {  	v41 =	vbroadcast v4, $0x0;
	v0 =	vshll.u32 v0, v1;
	v4 =	vshll.u32 v8, v1;
	v10 =	vld [tilespmem:s25+$0xFFFFFF80]  }
0x1aa: {  	v8 =	vadd.s32 v23, v44;
	v40 =	vbroadcast v2, $0x0;
	v2 =	vadd.f32 v13, v36;
	v11 =	vld [tilespmem:s25+$0x0]  }
0x1ab: {  	v37 =	vbroadcast v0, $0x0;
	v13 =	vadd.s32 v27, v41;
	v14 =	vld [tilespmem:s25+$0x80];
	v12 =	vadd.f32 v12, v36  }
0x1ac: {  	v38 =	vbroadcast v4, $0x0;
	[tilespmem:v6+s16+$0x0] =	vst.idx.msk $0xffff, v2;
	v15 =	vld [tilespmem:s25+$0x100];
	v0 =	vadd.f32 v3, v36;
	v3 =	vadd.s32 v53, v40  }
0x1ad: {  	v4 =	vadd.s32 v24, v37;
	v6 =	vld [tilespmem:s25+$0x190];
	[tilespmem:v7+s16+$0x0] =	vst.idx.msk $0xffff, v12;
	v2 =	vadd.f32 v9, v36  }
0x1ae: {  	v7 =	vld [tilespmem:s25+$0xFFFFFE10];
	[tilespmem:v5+s16+$0x0] =	vst.idx.msk $0xffff, v0;
	v0 =	vadd.f32 v10, v36;
	v5 =	vadd.s32 v58, v38  }
0x1af: {  	[tilespmem:v8+s16+$0x0] =	vst.idx.msk $0xffff, v2;
	v2 =	vadd.f32 v11, v36;
	v8 =	vadd.s32 v56, v39;
	v12 =	vld [tilespmem:s25+$0xFFFFFE90]  }
0x1b0: {  	v11 =	vadd.s32 v51, v42;
	v16 =	vld [tilespmem:s25+$0xFFFFFF10];
	[tilespmem:v13+s16+$0x0] =	vst.idx.msk $0xffff, v0;
	v0 =	vadd.f32 v14, v36  }
0x1b1: {  	s26 =	sadd.s32 $0x8, s26;
	v13 =	vadd.s32 v48, v43;
	v14 =	vld [tilespmem:s25+$0xFFFFFF90];
	[tilespmem:v3+s16+$0x0] =	vst.idx.msk $0xffff, v2;
	v2 =	vadd.f32 v15, v36  }
0x1b2: {  	p1 =	slt.u32 s26, $0x78;
	v15 =	vadd.s32 v57, v44;
	v17 =	vld [tilespmem:s25+$0x10];
	[tilespmem:v4+s16+$0x0] =	vst.idx.msk $0xffff, v0;
	v0 =	vadd.f32 v6, v35  }
.Ltmp2:
0x1b3: {  	v9 =	vadd.s32 v29, v41;
	v3 =	vadd.f32 v7, v35;
	v10 =	vld [tilespmem:s25+$0x90];
	[tilespmem:v5+s16+$0x0] =	vst.idx.msk $0xffff, v2;
	(pc) =	sbr.rel @p1 .LBB2_7-.Ltmp2, $4  }
0x1b4: {  	v7 =	vadd.s32 v49, v37;
	v2 =	vadd.f32 v12, v35;
	v6 =	vld [tilespmem:s25+$0x110];
	[tilespmem:v8+s16+$0x0] =	vst.idx.msk $0xffff, v0  }
0x1b5: {  	v4 =	vadd.s32 v61, v38;
	[tilespmem:v11+s16+$0x0] =	vst.idx.msk $0xffff, v3;
	v11 =	vadd.f32 v16, v35;
	v8 =	vld [tilespmem:s25+$0x1A0]  }
0x1b6: {  	v19 =	vmov v61;
	v5 =	vadd.s32 v46, v40;
	v3 =	vld [tilespmem:s25+$0xFFFFFE20];
	[tilespmem:v13+s16+$0x0] =	vst.idx.msk $0xffff, v2;
	v12 =	vadd.f32 v14, v35  }
0x1b7: {  	v20 =	vmov v59;
	[tilespmem:v15+s16+$0x0] =	vst.idx.msk $0xffff, v11;
	v2 =	vadd.s32 v60, v39;
	v0 =	vld [tilespmem:s25+$0xFFFFFEA0];
	v11 =	vadd.f32 v17, v35  }
0x1b8: {  	_ =	sdelay $0x3  }
0x1b9: {  	v13 =	vadd.s32 v52, v42;
	v14 =	vld [tilespmem:s25+$0xFFFFFF20];
	[tilespmem:v9+s16+$0x0] =	vst.idx.msk $0xffff, v12;
	v9 =	vadd.f32 v10, v35  }
0x1ba: {  	v10 =	vadd.s32 v31, v43;
	v12 =	vld [tilespmem:s25+$0xFFFFFFA0];
	[tilespmem:v5+s16+$0x0] =	vst.idx.msk $0xffff, v11;
	v5 =	vadd.f32 v6, v35  }
0x1bb: {  	v6 =	vadd.s32 v22, v44;
	v11 =	vld [tilespmem:s25+$0x20];
	[tilespmem:v7+s16+$0x0] =	vst.idx.msk $0xffff, v9;
	v7 =	vadd.f32 v8, v34  }
0x1bc: {  	v8 =	vadd.s32 v20, v41;
	v3 =	vadd.f32 v3, v34;
	v9 =	vld [tilespmem:s25+$0xA0];
	[tilespmem:v4+s16+$0x0] =	vst.idx.msk $0xffff, v5  }
0x1bd: {  	v4 =	vadd.s32 v55, v40;
	v0 =	vadd.f32 v0, v34;
	v5 =	vld [tilespmem:s25+$0x120];
	[tilespmem:v2+s16+$0x0] =	vst.idx.msk $0xffff, v7  }
0x1be: {  	[tilespmem:v13+s16+$0x0] =	vst.idx.msk $0xffff, v3;
	v2 =	vadd.f32 v14, v34;
	v3 =	vadd.s32 v63, v37;
	v7 =	vld [tilespmem:s25+$0x1B0]  }
0x1bf: {  	v13 =	vld [tilespmem:s25+$0xFFFFFE30];
	[tilespmem:v10+s16+$0x0] =	vst.idx.msk $0xffff, v0;
	v0 =	vadd.f32 v12, v34;
	v10 =	vadd.s32 v62, v38  }
0x1c0: {  	v12 =	vld [tilespmem:s25+$0xFFFFFEB0];
	[tilespmem:v6+s16+$0x0] =	vst.idx.msk $0xffff, v2;
	v2 =	vadd.f32 v11, v34;
	v6 =	vadd.s32 v26, v39  }
0x1c1: {  	v11 =	vadd.s32 v32, v42;
	[tilespmem:v8+s16+$0x0] =	vst.idx.msk $0xffff, v0;
	v0 =	vadd.f32 v9, v34  }
0x1c2: {  	v8 =	vadd.s32 v28, v43;
	[tilespmem:v4+s16+$0x0] =	vst.idx.msk $0xffff, v2;
	v2 =	vadd.f32 v5, v34  }
0x1c3: {  	[tilespmem:v3+s16+$0x0] =	vst.idx.msk $0xffff, v0;
	v0 =	vadd.f32 v7, v33  }
0x1c4: {  	v14 =	vld [tilespmem:s25+$0xFFFFFF30];
	v3 =	vadd.f32 v13, v33;
	[tilespmem:v10+s16+$0x0] =	vst.idx.msk $0xffff, v2  }
0x1c5: {  	v2 =	vadd.f32 v12, v33;
	v10 =	vld [tilespmem:$0x1FE60];
	[tilespmem:v6+s16+$0x0] =	vst.idx.msk $0xffff, v0  }
0x1c6: {  	v9 =	vld [tilespmem:s25+$0xFFFFFFB0];
	[tilespmem:v11+s16+$0x0] =	vst.idx.msk $0xffff, v3  }
0x1c7: {  	v3 =	vld [tilespmem:$0x1FE80];
	[tilespmem:v8+s16+$0x0] =	vst.idx.msk $0xffff, v2  }
0x1c8: {  	v6 =	vld [tilespmem:$0x1FE90]  }
0x1c9: {  	v4 =	vadd.s32 v30, v44;
	v5 =	vld [tilespmem:s25+$0x30]  }
0x1ca: {  	v7 =	vadd.s32 v45, v41;
	v13 =	vld [tilespmem:s25+$0xB0]  }
0x1cb: {  	v12 =	vld [tilespmem:s25+$0x130];
	v10 =	vadd.s32 v10, v40  }
0x1cc: {  	v0 =	vadd.f32 v14, v33;
	v3 =	vadd.s32 v3, v37  }
0x1cd: {  	v2 =	vadd.f32 v9, v33;
	v6 =	vadd.s32 v6, v38  }
0x1ce: {  	[tilespmem:v4+s16+$0x0] =	vst.idx.msk $0xffff, v0;
	v0 =	vadd.f32 v5, v33  }
0x1cf: {  	s26 =	sor.u32 $0x1, s23;
	s31 =	simm.s32 $0x180;
	[tilespmem:v7+s16+$0x0] =	vst.idx.msk $0xffff, v2;
	v2 =	vadd.f32 v13, v33  }
0x1d0: {  	s5 =	simm.s32 $0x183;
	s11 =	simm.s32 $0x184;
	s0 =	sshll.u32 s26, $0x9;
	[tilespmem:v10+s16+$0x0] =	vst.idx.msk $0xffff, v0;
	v0 =	vadd.f32 v12, v33  }
0x1d1: {  	s2 =	simm.s32 $0x181;
	s30 =	simm.s32 $0x186;
	s25 =	sand.u32 $0x3FFFFE00, s0;
	v4 =	vmov s5;
	v5 =	vmov s11;
	[tilespmem:v3+s16+$0x0] =	vst.idx.msk $0xffff, v2  }
0x1d2: {  	s11 =	simm.s32 $0x185;
	v7 =	vmov s30;
	v2 =	vmov s2;
	s2 =	simm.s32 $0x182;
	[tilespmem:v6+s16+$0x0] =	vst.idx.msk $0xffff, v0;
	v0 =	vmov s31;
	s31 =	simm.s32 $0x187  }
0x1d3: {  	v4 =	vshrl.u32 v4, $0x3;
	v5 =	vshrl.u32 v5, $0x3;
	v7 =	vshrl.u32 v7, $0x3;
	[tilespmem:s13], [sflag:$0x1] =	stream.indirect.gather [hbm4b:s3+s12], $0x80, s25, s12, $0xb8;
	[tilespmem:$0x1F480] =	vst v63  }
0x1d4: {  	v3 =	vmov s2;
	v6 =	vmov s11;
	v8 =	vmov s31;
	_ =	swait.ge [sflag:s17], $0x4000  }
0x1d5: {  	v2 =	vshrl.u32 v2, $0x3;
	v0 =	vshrl.u32 v0, $0x3;
	v8 =	vshrl.u32 v8, $0x3;
	[sflag:s17] =	ssyncset.done $0x0  }
0x1d6: {  	s28 =	simm.s32 $0xA600;
	v3 =	vshrl.u32 v3, $0x3;
	v6 =	vshrl.u32 v6, $0x3;
	v8 =	vshll.u32 v8, v1;
	[sflag:s17] =	ssyncadd.s32 $0xFFFFC000  }
0x1d7: {  	v2 =	vshll.u32 v2, v1;
	v0 =	vshll.u32 v0, v1;
	v39 =	vbroadcast v8, $0x0;
	v9 =	vld [tilespmem:s28+$0x180]  }
0x1d8: {  	v43 =	vbroadcast v2, $0x0;
	v2 =	vshll.u32 v5, v1;
	v42 =	vbroadcast v0, $0x0;
	v8 =	vld [tilespmem:s28+$0xFFFFFE00]  }
0x1d9: {  	v0 =	vshll.u32 v3, v1;
	v3 =	vshll.u32 v4, v1;
	v4 =	vld [tilespmem:s28+$0xFFFFFE80];
	v5 =	vadd.s32 v50, v39  }
0x1da: {  	v40 =	vbroadcast v2, $0x0;
	v44 =	vbroadcast v0, $0x0;
	v10 =	vadd.s32 v25, v42;
	v11 =	vld [tilespmem:s28+$0xFFFFFF00]  }
0x1db: {  	v0 =	vshll.u32 v6, v1;
	v6 =	vadd.s32 v54, v43;
	v41 =	vbroadcast v3, $0x0;
	v12 =	vld [tilespmem:s28+$0xFFFFFF80]  }
0x1dc: {  	v3 =	vshll.u32 v7, v1;
	v13 =	vld [tilespmem:s28+$0x0];
	v7 =	vadd.s32 v23, v44;
	v2 =	vadd.f32 v9, v36  }
0x1dd: {  	v14 =	vld [tilespmem:s28+$0x80];
	v37 =	vbroadcast v0, $0x0;
	v8 =	vadd.f32 v8, v36;
	v9 =	vadd.s32 v27, v41  }
0x1de: {  	v15 =	vld [tilespmem:s28+$0x100];
	v38 =	vbroadcast v3, $0x0;
	v0 =	vadd.f32 v4, v36;
	v4 =	vadd.s32 v53, v40;
	[tilespmem:v5+s16+$0x0] =	vst.idx.msk $0xffff, v2  }
0x1df: {  	v3 =	vadd.s32 v24, v37;
	[tilespmem:v10+s16+$0x0] =	vst.idx.msk $0xffff, v8;
	v2 =	vadd.f32 v11, v36;
	v5 =	vld [tilespmem:s28+$0x190]  }
0x1e0: {  	[tilespmem:v6+s16+$0x0] =	vst.idx.msk $0xffff, v0;
	v0 =	vadd.f32 v12, v36;
	v6 =	vadd.s32 v58, v38;
	v8 =	vld [tilespmem:s28+$0xFFFFFE10]  }
0x1e1: {  	v11 =	vld [tilespmem:s28+$0xFFFFFE90];
	[tilespmem:v7+s16+$0x0] =	vst.idx.msk $0xffff, v2;
	v2 =	vadd.f32 v13, v36;
	v7 =	vadd.s32 v56, v39  }
0x1e2: {  	v12 =	vadd.s32 v51, v42;
	v13 =	vld [tilespmem:s28+$0xFFFFFF10];
	[tilespmem:v9+s16+$0x0] =	vst.idx.msk $0xffff, v0;
	v0 =	vadd.f32 v14, v36  }
0x1e3: {  	v14 =	vadd.s32 v48, v43;
	v16 =	vld [tilespmem:s28+$0xFFFFFF90];
	[tilespmem:v4+s16+$0x0] =	vst.idx.msk $0xffff, v2;
	v2 =	vadd.f32 v15, v36  }
0x1e4: {  	v15 =	vadd.s32 v57, v44;
	v17 =	vld [tilespmem:s28+$0x10];
	[tilespmem:v3+s16+$0x0] =	vst.idx.msk $0xffff, v0;
	v0 =	vadd.f32 v5, v35  }
0x1e5: {  	v9 =	vadd.s32 v29, v41;
	v3 =	vadd.f32 v8, v35;
	v10 =	vld [tilespmem:s28+$0x90];
	[tilespmem:v6+s16+$0x0] =	vst.idx.msk $0xffff, v2  }
0x1e6: {  	v45 =	vmov v28;
	v4 =	vadd.s32 v19, v38;
	v2 =	vadd.f32 v11, v35;
	v6 =	vld [tilespmem:s28+$0x110];
	[tilespmem:v7+s16+$0x0] =	vst.idx.msk $0xffff, v0  }
0x1e7: {  	v28 =	vmov v24;
	v5 =	vadd.s32 v46, v40;
	[tilespmem:v12+s16+$0x0] =	vst.idx.msk $0xffff, v3;
	v11 =	vadd.f32 v13, v35;
	v8 =	vld [tilespmem:s28+$0x1A0]  }
0x1e8: {  	v24 =	vmov v19;
	v7 =	vadd.s32 v49, v37;
	[tilespmem:v14+s16+$0x0] =	vst.idx.msk $0xffff, v2;
	v2 =	vadd.s32 v60, v39;
	v3 =	vld [tilespmem:s28+$0xFFFFFE20]  }
0x1e9: {  	s29 =	simm.s32 $0x0;
	v19 =	vmov v63;
	v12 =	vadd.f32 v16, v35;
	v0 =	vld [tilespmem:s28+$0xFFFFFEA0];
	[tilespmem:v15+s16+$0x0] =	vst.idx.msk $0xffff, v11;
	v11 =	vadd.f32 v17, v35  }
.LBB2_9:
0x1ea: {  	_ = 	snop  }
0x1eb: {  	v13 =	vadd.s32 v52, v42  }
0x1ec: {  	[tilespmem:v9+s16+$0x0] =	vst.idx.msk $0xffff, v12;
	v9 =	vadd.f32 v10, v35  }
0x1ed: {  	v14 =	vld [tilespmem:s28+$0xFFFFFF20];
	v12 =	vadd.s32 v31, v43;
	[tilespmem:v5+s16+$0x0] =	vst.idx.msk $0xffff, v11;
	v5 =	vadd.f32 v6, v35  }
0x1ee: {  	v15 =	vld [tilespmem:s28+$0xFFFFFFA0];
	v3 =	vadd.f32 v3, v34;
	[tilespmem:v7+s16+$0x0] =	vst.idx.msk $0xffff, v9  }
0x1ef: {  	v11 =	vadd.s32 v22, v44;
	v16 =	vld [tilespmem:s28+$0x20];
	v7 =	vadd.f32 v8, v34;
	[tilespmem:v4+s16+$0x0] =	vst.idx.msk $0xffff, v5  }
0x1f0: {  	v0 =	vadd.f32 v0, v34;
	v9 =	vadd.s32 v20, v41;
	[tilespmem:v13+s16+$0x0] =	vst.idx.msk $0xffff, v3;
	v17 =	vld [tilespmem:s28+$0xA0]  }
0x1f1: {  	v5 =	vadd.s32 v55, v40;
	v18 =	vld [tilespmem:s28+$0x120];
	[tilespmem:v2+s16+$0x0] =	vst.idx.msk $0xffff, v7  }
0x1f2: {  	v3 =	vadd.f32 v14, v34;
	[tilespmem:v12+s16+$0x0] =	vst.idx.msk $0xffff, v0;
	v7 =	vadd.s32 v19, v37;
	v13 =	vld [tilespmem:s28+$0x1B0]  }
0x1f3: {  	v12 =	vadd.s32 v62, v38;
	v0 =	vadd.f32 v15, v34;
	v20 =	vld [tilespmem:s28+$0xFFFFFEB0]  }
0x1f4: {  	v63 =	vmov v19;
	v19 =	vld [tilespmem:s28+$0xFFFFFE30];
	[tilespmem:v11+s16+$0x0] =	vst.idx.msk $0xffff, v3;
	v3 =	vadd.f32 v16, v34;
	v11 =	vadd.s32 v26, v39  }
0x1f5: {  	s0 =	sadd.s32 $0x188, s29;
	v21 =	vld [tilespmem:s28+$0xFFFFFF30];
	[tilespmem:v9+s16+$0x0] =	vst.idx.msk $0xffff, v0;
	v9 =	vadd.s32 v45, v43;
	v0 =	vadd.f32 v17, v34  }
0x1f6: {  	s30 =	sadd.s32 $0x189, s29;
	v10 =	vmov s0;
	[tilespmem:v5+s16+$0x0] =	vst.idx.msk $0xffff, v3;
	v17 =	vld [tilespmem:s28+$0xFFFFFFB0];
	v3 =	vadd.f32 v18, v34  }
0x1f7: {  	s31 =	sadd.s32 $0x18A, s29;
	v6 =	vmov s30;
	v10 =	vshrl.u32 v10, $0x3;
	[tilespmem:v7+s16+$0x0] =	vst.idx.msk $0xffff, v0;
	v0 =	vadd.f32 v13, v33;
	v13 =	vld [tilespmem:$0x1FE40]  }
0x1f8: {  	s2 =	sadd.s32 $0x18B, s29;
	s11 =	sadd.s32 $0x18D, s29;
	v6 =	vshrl.u32 v6, $0x3;
	v8 =	vmov s31;
	[tilespmem:v12+s16+$0x0] =	vst.idx.msk $0xffff, v3;
	v3 =	vadd.f32 v20, v33;
	v12 =	vld [tilespmem:$0x1FE60]  }
0x1f9: {  	s30 =	sadd.s32 $0x18E, s29;
	v4 =	vmov s2;
	v14 =	vmov s11;
	v16 =	vadd.s32 v32, v42;
	[tilespmem:v11+s16+$0x0] =	vst.idx.msk $0xffff, v0;
	v11 =	vld [tilespmem:$0x1FE80]  }
0x1fa: {  	v10 =	vshll.u32 v10, v1;
	v6 =	vshll.u32 v6, v1;
	v15 =	vmov s30;
	[tilespmem:v9+s16+$0x0] =	vst.idx.msk $0xffff, v3;
	v9 =	vld [tilespmem:$0x1FE90]  }
0x1fb: {  	s5 =	sadd.s32 $0x18C, s29;
	v4 =	vshrl.u32 v4, $0x3;
	v5 =	vshrl.u32 v8, $0x3;
	v8 =	vadd.s32 v30, v44;
	v18 =	vld [tilespmem:s28+$0x30]  }
0x1fc: {  	v2 =	vmov s5;
	v7 =	vadd.f32 v19, v33;
	v19 =	vld [tilespmem:s28+$0xB0];
	v13 =	vadd.s32 v13, v41  }
0x1fd: {  	s31 =	sadd.s32 $0x18F, s29;
	v4 =	vshll.u32 v4, v1;
	v20 =	vld [tilespmem:s28+$0x130];
	v0 =	vshrl.u32 v14, $0x3;
	v12 =	vadd.s32 v12, v40  }
0x1fe: {  	[tilespmem:v16+s16+$0x0] =	vst.idx.msk $0xffff, v7;
	v7 =	vadd.f32 v21, v33;
	v14 =	vmov s31;
	v11 =	vadd.s32 v11, v37  }
0x1ff: {  	v3 =	vadd.f32 v17, v33;
	v14 =	vshrl.u32 v14, $0x3;
	v9 =	vadd.s32 v9, v38  }
0x200: {  	v42 =	vbroadcast v10, $0x0;
	s28 =	sadd.s32 $0x400, s28;
	[tilespmem:v8+s16+$0x0] =	vst.idx.msk $0xffff, v7;
	v7 =	vadd.f32 v18, v33;
	v14 =	vshll.u32 v14, v1  }
0x201: {  	v2 =	vshrl.u32 v2, $0x3;
	v39 =	vbroadcast v14, $0x0;
	[tilespmem:v13+s16+$0x0] =	vst.idx.msk $0xffff, v3;
	v3 =	vadd.f32 v19, v33;
	v13 =	vld [tilespmem:s28+$0x180]  }
0x202: {  	v43 =	vbroadcast v6, $0x0;
	v5 =	vshll.u32 v5, v1;
	[tilespmem:v12+s16+$0x0] =	vst.idx.msk $0xffff, v7;
	v7 =	vadd.f32 v20, v33;
	v12 =	vld [tilespmem:s28+$0xFFFFFE00]  }
0x203: {  	v2 =	vshll.u32 v2, v1;
	v44 =	vbroadcast v5, $0x0;
	v6 =	vadd.s32 v50, v39;
	[tilespmem:v11+s16+$0x0] =	vst.idx.msk $0xffff, v3;
	v3 =	vld [tilespmem:s28+$0xFFFFFE80]  }
0x204: {  	v5 =	vadd.s32 v54, v43;
	v8 =	vshrl.u32 v15, $0x3;
	[tilespmem:v9+s16+$0x0] =	vst.idx.msk $0xffff, v7;
	v7 =	vadd.s32 v25, v42;
	v9 =	vld [tilespmem:s28+$0xFFFFFF00]  }
0x205: {  	v0 =	vshll.u32 v0, v1;
	v41 =	vbroadcast v4, $0x0;
	v4 =	vshll.u32 v8, v1;
	v10 =	vld [tilespmem:s28+$0xFFFFFF80]  }
0x206: {  	v8 =	vadd.s32 v23, v44;
	v40 =	vbroadcast v2, $0x0;
	v11 =	vld [tilespmem:s28+$0x0];
	v2 =	vadd.f32 v13, v36  }
0x207: {  	v37 =	vbroadcast v0, $0x0;
	v14 =	vld [tilespmem:s28+$0x80];
	v12 =	vadd.f32 v12, v36;
	v13 =	vadd.s32 v27, v41  }
0x208: {  	v38 =	vbroadcast v4, $0x0;
	v15 =	vld [tilespmem:s28+$0x100];
	v0 =	vadd.f32 v3, v36;
	v3 =	vadd.s32 v53, v40;
	[tilespmem:v6+s16+$0x0] =	vst.idx.msk $0xffff, v2  }
0x209: {  	v4 =	vadd.s32 v28, v37;
	[tilespmem:v7+s16+$0x0] =	vst.idx.msk $0xffff, v12;
	v2 =	vadd.f32 v9, v36;
	v6 =	vld [tilespmem:s28+$0x190]  }
0x20a: {  	v7 =	vld [tilespmem:s28+$0xFFFFFE10];
	[tilespmem:v5+s16+$0x0] =	vst.idx.msk $0xffff, v0;
	v0 =	vadd.f32 v10, v36;
	v5 =	vadd.s32 v58, v38  }
0x20b: {  	[tilespmem:v8+s16+$0x0] =	vst.idx.msk $0xffff, v2;
	v2 =	vadd.f32 v11, v36;
	v8 =	vadd.s32 v56, v39;
	v12 =	vld [tilespmem:s28+$0xFFFFFE90]  }
0x20c: {  	v11 =	vadd.s32 v51, v42;
	v16 =	vld [tilespmem:s28+$0xFFFFFF10];
	[tilespmem:v13+s16+$0x0] =	vst.idx.msk $0xffff, v0;
	v0 =	vadd.f32 v14, v36  }
0x20d: {  	s29 =	sadd.s32 $0x8, s29;
	v13 =	vadd.s32 v48, v43;
	v14 =	vld [tilespmem:s28+$0xFFFFFF90];
	[tilespmem:v3+s16+$0x0] =	vst.idx.msk $0xffff, v2;
	v2 =	vadd.f32 v15, v36  }
0x20e: {  	p1 =	slt.u32 s29, $0x78;
	v15 =	vadd.s32 v57, v44;
	v17 =	vld [tilespmem:s28+$0x10];
	[tilespmem:v4+s16+$0x0] =	vst.idx.msk $0xffff, v0;
	v0 =	vadd.f32 v6, v35  }
.Ltmp3:
0x20f: {  	v9 =	vadd.s32 v29, v41;
	v3 =	vadd.f32 v7, v35;
	v10 =	vld [tilespmem:s28+$0x90];
	[tilespmem:v5+s16+$0x0] =	vst.idx.msk $0xffff, v2;
	(pc) =	sbr.rel @p1 .LBB2_9-.Ltmp3, $4  }
0x210: {  	v7 =	vadd.s32 v49, v37;
	v2 =	vadd.f32 v12, v35;
	v6 =	vld [tilespmem:s28+$0x110];
	[tilespmem:v8+s16+$0x0] =	vst.idx.msk $0xffff, v0  }
0x211: {  	v4 =	vadd.s32 v24, v38;
	[tilespmem:v11+s16+$0x0] =	vst.idx.msk $0xffff, v3;
	v11 =	vadd.f32 v16, v35;
	v8 =	vld [tilespmem:s28+$0x1A0]  }
0x212: {  	v19 =	vmov v63;
	v5 =	vadd.s32 v46, v40;
	v3 =	vld [tilespmem:s28+$0xFFFFFE20];
	[tilespmem:v13+s16+$0x0] =	vst.idx.msk $0xffff, v2;
	v12 =	vadd.f32 v14, v35  }
0x213: {  	v20 =	vmov v59;
	[tilespmem:v15+s16+$0x0] =	vst.idx.msk $0xffff, v11;
	v2 =	vadd.s32 v60, v39;
	v0 =	vld [tilespmem:s28+$0xFFFFFEA0];
	v11 =	vadd.f32 v17, v35  }
0x214: {  	_ =	sdelay $0x2  }
0x215: {  	v21 =	vmov v49  }
0x216: {  	v18 =	vmov v50;
	v13 =	vadd.s32 v52, v42;
	v14 =	vld [tilespmem:s28+$0xFFFFFF20];
	[tilespmem:v9+s16+$0x0] =	vst.idx.msk $0xffff, v12;
	v50 =	vadd.f32 v10, v35  }
0x217: {  	v49 =	vmov v57;
	v51 =	vadd.s32 v31, v43;
	v12 =	vld [tilespmem:s28+$0xFFFFFFA0];
	[tilespmem:v5+s16+$0x0] =	vst.idx.msk $0xffff, v11;
	v52 =	vadd.f32 v6, v35  }
0x218: {  	v24 =	vmov v56;
	v56 =	vadd.s32 v22, v44;
	v11 =	vld [tilespmem:s28+$0x20];
	[tilespmem:v7+s16+$0x0] =	vst.idx.msk $0xffff, v50;
	v57 =	vadd.f32 v8, v34  }
0x219: {  	v59 =	vadd.s32 v20, v41;
	v3 =	vadd.f32 v3, v34;
	v9 =	vld [tilespmem:s28+$0xA0];
	[tilespmem:v4+s16+$0x0] =	vst.idx.msk $0xffff, v52  }
0x21a: {  	v60 =	vadd.s32 v55, v40;
	v0 =	vadd.f32 v0, v34;
	v5 =	vld [tilespmem:s28+$0x120];
	[tilespmem:v2+s16+$0x0] =	vst.idx.msk $0xffff, v57  }
0x21b: {  	[tilespmem:v13+s16+$0x0] =	vst.idx.msk $0xffff, v3;
	v2 =	vadd.f32 v14, v34;
	v3 =	vadd.s32 v19, v37;
	v7 =	vld [tilespmem:s28+$0x1B0]  }
0x21c: {  	v35 =	vadd.s32 v62, v38;
	v13 =	vld [tilespmem:s28+$0xFFFFFE30];
	[tilespmem:v51+s16+$0x0] =	vst.idx.msk $0xffff, v0;
	v0 =	vadd.f32 v12, v34  }
0x21d: {  	v39 =	vadd.s32 v26, v39;
	v36 =	vld [tilespmem:s28+$0xFFFFFEB0];
	[tilespmem:v56+s16+$0x0] =	vst.idx.msk $0xffff, v2;
	v2 =	vadd.f32 v11, v34  }
0x21e: {  	v42 =	vadd.s32 v32, v42;
	[tilespmem:v59+s16+$0x0] =	vst.idx.msk $0xffff, v0;
	v0 =	vadd.f32 v9, v34  }
0x21f: {  	v51 =	vadd.s32 v45, v43;
	[tilespmem:v60+s16+$0x0] =	vst.idx.msk $0xffff, v2;
	v2 =	vadd.f32 v5, v34  }
0x220: {  	v50 =	vld [tilespmem:s28+$0xFFFFFF30];
	[tilespmem:v3+s16+$0x0] =	vst.idx.msk $0xffff, v0;
	v0 =	vadd.f32 v7, v33  }
0x221: {  	v3 =	vadd.f32 v13, v33;
	v57 =	vld [tilespmem:$0x1FE40];
	[tilespmem:v35+s16+$0x0] =	vst.idx.msk $0xffff, v2  }
0x222: {  	v2 =	vadd.f32 v36, v33;
	v10 =	vld [tilespmem:$0x1FE60];
	[tilespmem:v39+s16+$0x0] =	vst.idx.msk $0xffff, v0  }
0x223: {  	v52 =	vld [tilespmem:s28+$0xFFFFFFB0];
	[tilespmem:v42+s16+$0x0] =	vst.idx.msk $0xffff, v3  }
0x224: {  	v3 =	vld [tilespmem:$0x1FE80];
	[tilespmem:v51+s16+$0x0] =	vst.idx.msk $0xffff, v2  }
0x225: {  	v6 =	vld [tilespmem:$0x1FE90]  }
0x226: {  	v55 =	vadd.s32 v30, v44;
	v56 =	vld [tilespmem:s28+$0x30]  }
0x227: {  	v59 =	vld [tilespmem:s28+$0xB0];
	v7 =	vadd.s32 v57, v41  }
0x228: {  	v60 =	vld [tilespmem:s28+$0x130];
	v10 =	vadd.s32 v10, v40  }
0x229: {  	v0 =	vadd.f32 v50, v33;
	v3 =	vadd.s32 v3, v37  }
0x22a: {  	v2 =	vadd.f32 v52, v33;
	v6 =	vadd.s32 v6, v38  }
0x22b: {  	[tilespmem:v55+s16+$0x0] =	vst.idx.msk $0xffff, v0;
	v0 =	vadd.f32 v56, v33  }
0x22c: {  	[tilespmem:v7+s16+$0x0] =	vst.idx.msk $0xffff, v2;
	v2 =	vadd.f32 v59, v33  }
0x22d: {  	[tilespmem:v10+s16+$0x0] =	vst.idx.msk $0xffff, v0;
	v0 =	vadd.f32 v60, v33  }
0x22e: {  	[tilespmem:v3+s16+$0x0] =	vst.idx.msk $0xffff, v2  }
0x22f: {  	s0 =	sadd.s32 $0x80, s25;
	s24 =	sshll.u32 s24, $0x12;
	[tilespmem:v6+s16+$0x0] =	vst.idx.msk $0xffff, v0  }
0x230: {  	[tilespmem:s14], [sflag:$0x2] =	stream.indirect.gather [hbm4b:s3+s12], $0x80, s0, s12, $0xb8;
	[tilespmem:$0x1F480] =	vst v63  }
0x231: {  	s0 =	sor.u32 s8, s24  }
0x232: {  	s0 =	sshrl.u32 s0, $0x3  }
0x233: {  	s29 =	simm.s32 $0x200;
	s24 =	sadd.s32 s4, s0  }
0x234: {  	s30 =	simm.s32 $0xE608;
	s28 =	simm.s32 $0xE400;
	v38 =	vmov v62;
	s31 =	sadd.s32 $0x0, s24  }
.LBB2_11:
0x235: {  	[hbm4b:s31+s1] =	stream.linear.scatter [tilespmem:s28], [sflag:$0x3], $0x200, $0x38;
	[tilespmem:$0x1F480] =	vst v63  }
0x236: {  	s0 =	smov.u32 s29;
	s28 =	smov.u32 s30;
	p1 =	sne.s32 s29, $0x7E00  }
.Ltmp4:
0x237: {  	s29 =	sadd.s32 $0x200, s29;
	(pc) =	sbr.rel @p1 .LBB2_11-.Ltmp4, $2  }
0x238: {  	_ =	sdelay $0x2  }
0x239: {  	s30 =	sadd.s32 $0x208, s30;
	s31 =	sadd.s32 s0, s24  }
0x23a: {  	[hbm4b:s31+s1] =	stream.linear.scatter [tilespmem:s28], [sflag:$0x3], $0x200, $0x38;
	[tilespmem:$0x1F480] =	vst v63  }
0x23b: {  	s0 =	simm.s32 @!p0 $0x4  }
0x23c: {  	_ =	swait.ge @!p0 [sflag:s0], $0x8000  }
0x23d: {  	s2 =	sshll.u32 s26, $0x6;
	[sflag:s0] =	ssyncset.done @!p0 $0x0  }
0x23e: {  	s29 =	sand.u32 $0x3FFFFFC0, s2;
	[sflag:s0] =	ssyncadd.s32 @!p0 $0xFFFF8000  }
0x23f: {  	v36 =	vld [tilespmem:s29+$0x1E800]  }
0x240: {  	v35 =	vld [tilespmem:s29+$0x1E810]  }
0x241: {  	s31 =	simm.s32 $0x0;
	s5 =	simm.s32 $0x4;
	v34 =	vld [tilespmem:s29+$0x1E820]  }
0x242: {  	s24 =	simm.s32 $0x2;
	v0 =	vmov s31;
	s31 =	simm.s32 $0x1;
	v3 =	vmov s5;
	v33 =	vld [tilespmem:s29+$0x1E830];
	_ =	swait.ge [sflag:s15], $0x4000  }
0x243: {  	v6 =	vmov s24;
	v5 =	vmov s31;
	v3 =	vshrl.u32 v3, $0x3;
	s29 =	simm.s32 $0x5;
	[sflag:s15] =	ssyncset.done $0x0  }
0x244: {  	v5 =	vshrl.u32 v5, $0x3;
	v3 =	vshll.u32 v3, v1;
	v4 =	vmov s29;
	s29 =	simm.s32 $0x6600;
	[sflag:s15] =	ssyncadd.s32 $0xFFFFC000  }
0x245: {  	v6 =	vshrl.u32 v6, $0x3;
	v5 =	vshll.u32 v5, v1;
	v44 =	vbroadcast v3, $0x0;
	v7 =	vld [tilespmem:s29+$0x0]  }
0x246: {  	s5 =	simm.s32 $0x3;
	v6 =	vshll.u32 v6, v1;
	v5 =	vbroadcast v5, $0x0  }
0x247: {  	v3 =	vmov s5;
	v37 =	vbroadcast v6, $0x0;
	v6 =	vadd.s32 v53, v44  }
0x248: {  	v3 =	vshrl.u32 v3, $0x3;
	v8 =	vld [tilespmem:s29+$0xFFFFFE80];
	v11 =	vadd.s32 v45, v5  }
0x249: {  	v3 =	vshll.u32 v3, v1;
	v9 =	vld [tilespmem:s29+$0xFFFFFF00];
	[tilespmem:$0x1FD30] =	vst v11  }
0x24a: {  	v10 =	vadd.s32 v54, v5;
	v50 =	vbroadcast v3, $0x0;
	v11 =	vld [tilespmem:s29+$0xFFFFFF80];
	v7 =	vadd.f32 v7, v36  }
0x24b: {  	v12 =	vadd.s32 v23, v37  }
0x24c: {  	v0 =	vshrl.u32 v0, $0x3;
	v15 =	vadd.s32 v27, v50;
	[tilespmem:v6+s18+$0x0] =	vst.idx.msk $0xffff, v7  }
0x24d: {  	v17 =	vshll.u32 v0, v1;
	v0 =	vadd.f32 v8, v36;
	v6 =	vld [tilespmem:s29+$0x10]  }
0x24e: {  	v9 =	vadd.f32 v9, v36  }
0x24f: {  	[tilespmem:v10+s18+$0x0] =	vst.idx.msk $0xffff, v0;
	v0 =	vadd.f32 v11, v36  }
0x250: {  	v3 =	vld [tilespmem:s29+$0xFFFFFE00];
	[tilespmem:v12+s18+$0x0] =	vst.idx.msk $0xffff, v9  }
0x251: {  	s11 =	simm.s32 $0x7;
	v4 =	vshrl.u32 v4, $0x3;
	v13 =	vld [tilespmem:s29+$0x180];
	[tilespmem:v15+s18+$0x0] =	vst.idx.msk $0xffff, v0  }
0x252: {  	v2 =	vmov s11;
	s11 =	simm.s32 $0x6;
	v4 =	vshll.u32 v4, v1;
	v19 =	vadd.f32 v6, v35;
	v6 =	vld [tilespmem:$0x1FED0]  }
0x253: {  	v14 =	vmov s11;
	v4 =	vbroadcast v4, $0x0;
	v16 =	vld [tilespmem:s29+$0x100]  }
0x254: {  	v2 =	vshrl.u32 v2, $0x3;
	v8 =	vshrl.u32 v14, $0x3;
	v14 =	vld [tilespmem:s29+$0x80]  }
0x255: {  	v2 =	vshll.u32 v2, v1;
	v57 =	vbroadcast v17, $0x0;
	v7 =	vld [tilespmem:s29+$0xFFFFFE90];
	v0 =	vadd.s32 v21, v4  }
0x256: {  	v51 =	vmov v54;
	v54 =	vbroadcast v2, $0x0;
	v8 =	vshll.u32 v8, v1;
	v2 =	vld [tilespmem:s29+$0xFFFFFF10];
	[tilespmem:$0x1FD00] =	vst v0  }
0x257: {  	v52 =	vbroadcast v8, $0x0;
	v8 =	vadd.f32 v13, v36;
	v13 =	vld [tilespmem:s29+$0xFFFFFF90];
	v6 =	vadd.s32 v6, v57  }
0x258: {  	[tilespmem:$0x1FD10] =	vst v6;
	v6 =	vld [tilespmem:$0x1FE10]  }
0x259: {  	v30 =	vld [tilespmem:$0x1FEB0];
	_ =	sdelay $0x1  }
0x25a: {  	v17 =	vadd.s32 v49, v37;
	v12 =	vadd.s32 v20, v50  }
0x25b: {  	v55 =	vmov v25;
	v9 =	vadd.s32 v48, v5;
	v15 =	vadd.s32 v18, v54;
	[tilespmem:$0x1FD50] =	vst v12  }
0x25c: {  	v0 =	vmovc v18;
	v18 =	vadd.s32 v25, v57;
	v25 =	vadd.s32 v6, v5;
	v5 =	vadd.s32 v63, v4  }
0x25d: {  	v26 =	vmov v48;
	v48 =	vld [tilespmem:$0x1FE70];
	v2 =	vadd.f32 v2, v35;
	[tilespmem:$0x1FD70] =	vst v5;
	v5 =	vadd.s32 v30, v54  }
0x25e: {  	s28 =	simm.s32 $0x6A00;
	[tilespmem:$0x1FD40] =	vst v5;
	v5 =	vld [tilespmem:$0x1FE20]  }
0x25f: {  	v42 =	vld [tilespmem:s28+$0xFFFFFE80];
	[tilespmem:v17+s18+$0x0] =	vst.idx.msk $0xffff, v2;
	v2 =	vadd.s32 v38, v52  }
0x260: {  	[tilespmem:$0x1FD60] =	vst v2;
	v2 =	vld [tilespmem:$0x1FEE0];
	_ =	sdelay $0x4  }
0x261: {  	v2 =	vadd.s32 v2, v57  }
0x262: {  	v28 =	vmov v24;
	[tilespmem:$0x1FD80] =	vst v2  }
0x263: {  	v41 =	vadd.s32 v5, v37;
	v5 =	vmov v28;
	v28 =	vld [tilespmem:s28+$0x100]  }
0x264: {  	v10 =	vadd.s32 v58, v52;
	_ =	sdelay $0x2  }
0x265: {  	v16 =	vadd.f32 v16, v36  }
0x266: {  	v32 =	vmovc v27;
	s24 =	simm.s32 $0x8;
	s5 =	simm.s32 $0x9;
	v27 =	vmov v49;
	v22 =	vadd.s32 v24, v54;
	v24 =	vadd.s32 v48, v4;
	v49 =	vld [tilespmem:s29+$0xFFFFFF20];
	[tilespmem:$0x1FD20] =	vst v28  }
0x267: {  	s31 =	simm.s32 $0xF;
	v43 =	vmov s24;
	v39 =	vmov s5;
	v11 =	vadd.s32 v46, v44;
	[tilespmem:v10+s18+$0x0] =	vst.idx.msk $0xffff, v16  }
0x268: {  	v40 =	vmov s31;
	v39 =	vshrl.u32 v39, $0x3;
	v12 =	vmovc v46;
	v7 =	vadd.f32 v7, v35;
	v46 =	vld [tilespmem:s29+$0x110]  }
0x269: {  	v62 =	vmovc v21;
	s31 =	simm.s32 $0xA;
	v3 =	vadd.f32 v3, v36;
	v21 =	vadd.s32 v29, v50;
	v14 =	vadd.f32 v14, v36  }
0x26a: {  	v60 =	vmovc v20;
	s24 =	simm.s32 $0xC;
	v20 =	vadd.s32 v61, v52;
	v13 =	vadd.f32 v13, v35;
	v16 =	vmov s31;
	[tilespmem:v9+s18+$0x0] =	vst.idx.msk $0xffff, v7  }
0x26b: {  	v31 =	vmovc v53;
	v53 =	vmovc v61;
	v10 =	vmov s24;
	[tilespmem:v24+s18+$0x0] =	vst.idx.msk $0xffff, v14;
	v9 =	vshrl.u32 v16, $0x3;
	v16 =	vshll.u32 v39, v1;
	v14 =	vld [tilespmem:s29+$0xFFFFFEA0]  }
0x26c: {  	v61 =	vmovc v45;
	[tilespmem:v11+s18+$0x0] =	vst.idx.msk $0xffff, v19;
	v10 =	vshrl.u32 v10, $0x3;
	v9 =	vshll.u32 v9, v1;
	v24 =	vbroadcast v16, $0x0  }
0x26d: {  	v45 =	vld [tilespmem:s28+$0xFFFFFF00];
	[tilespmem:v15+s18+$0x0] =	vst.idx.msk $0xffff, v8;
	v39 =	vbroadcast v9, $0x0;
	v9 =	vshll.u32 v10, v1;
	v15 =	vadd.f32 v46, v35  }
0x26e: {  	v56 =	vld [tilespmem:s28+$0x0];
	[tilespmem:v21+s18+$0x0] =	vst.idx.msk $0xffff, v13;
	v16 =	vshrl.u32 v40, $0x3;
	v28 =	vadd.s32 v51, v24;
	v40 =	vbroadcast v9, $0x0  }
0x26f: {  	v10 =	vadd.f32 v49, v34;
	v21 =	vadd.s32 v23, v39;
	[tilespmem:v20+s18+$0x0] =	vst.idx.msk $0xffff, v15;
	v20 =	vld [tilespmem:s29+$0x190]  }
0x270: {  	[tilespmem:v18+s18+$0x0] =	vst.idx.msk $0xffff, v3;
	v8 =	vadd.s32 v31, v40;
	v14 =	vadd.f32 v14, v34  }
0x271: {  	v2 =	vmov v38;
	v38 =	vadd.s32 v61, v24;
	v61 =	vadd.f32 v42, v36;
	[tilespmem:v41+s18+$0x0] =	vst.idx.msk $0xffff, v10  }
0x272: {  	v3 =	vadd.f32 v45, v36;
	[tilespmem:v25+s18+$0x0] =	vst.idx.msk $0xffff, v14  }
0x273: {  	v25 =	vadd.f32 v56, v36;
	[tilespmem:v28+s18+$0x0] =	vst.idx.msk $0xffff, v61  }
0x274: {  	[tilespmem:v21+s18+$0x0] =	vst.idx.msk $0xffff, v3;
	v3 =	vadd.f32 v20, v35  }
0x275: {  	v13 =	vshrl.u32 v43, $0x3;
	v43 =	vld [tilespmem:s28+$0x180];
	[tilespmem:v8+s18+$0x0] =	vst.idx.msk $0xffff, v25  }
0x276: {  	v11 =	vld [tilespmem:s29+$0x90];
	[tilespmem:v22+s18+$0x0] =	vst.idx.msk $0xffff, v3  }
0x277: {  	v19 =	vmov v2;
	v2 =	vmov v63;
	v63 =	vmov v6;
	v6 =	vld [tilespmem:$0x1FD00]  }
0x278: {  	v9 =	vld [tilespmem:s28+$0xFFFFFE00]  }
0x279: {  	v14 =	vld [tilespmem:s29+$0x20]  }
0x27a: {  	v17 =	vadd.s32 v47, v44;
	s24 =	simm.s32 $0xB;
	s31 =	simm.s32 $0xE  }
0x27b: {  	v59 =	vmovc v58;
	v58 =	vmov s24;
	v16 =	vshll.u32 v16, v1;
	v15 =	vmov s31  }
0x27c: {  	v41 =	vshrl.u32 v58, $0x3;
	v23 =	vmovc v53;
	v53 =	vld [tilespmem:s28+$0xFFFFFF80];
	v11 =	vadd.f32 v11, v35;
	v15 =	vshrl.u32 v15, $0x3  }
0x27d: {  	v51 =	vmovc v48;
	v48 =	vadd.f32 v9, v36;
	v9 =	vshll.u32 v15, v1;
	v15 =	vshll.u32 v41, v1  }
0x27e: {  	v49 =	vadd.f32 v43, v36;
	v43 =	vbroadcast v15, $0x0;
	v3 =	vadd.f32 v14, v34  }
0x27f: {  	v45 =	vbroadcast v16, $0x0;
	[tilespmem:v6+s18+$0x0] =	vst.idx.msk $0xffff, v11  }
0x280: {  	v41 =	vbroadcast v9, $0x0;
	v9 =	vadd.s32 v32, v43;
	v32 =	vld [tilespmem:$0x1FE60];
	[tilespmem:v17+s18+$0x0] =	vst.idx.msk $0xffff, v3  }
0x281: {  	v14 =	vadd.f32 v53, v36;
	v53 =	vadd.s32 v0, v45;
	v0 =	vld [tilespmem:$0x1FD10]  }
0x282: {  	v18 =	vld [tilespmem:s29+$0xFFFFFE10];
	_ =	sdelay $0x4  }
0x283: {  	v22 =	vadd.s32 v12, v40;
	v12 =	vadd.f32 v18, v35  }
0x284: {  	[tilespmem:v9+s18+$0x0] =	vst.idx.msk $0xffff, v14  }
0x285: {  	v8 =	vld [tilespmem:s29+$0xFFFFFEB0];
	[tilespmem:v0+s18+$0x0] =	vst.idx.msk $0xffff, v12  }
0x286: {  	v0 =	vld [tilespmem:$0x1FD20];
	_ =	sdelay $0x4  }
0x287: {  	v12 =	vadd.f32 v8, v33;
	v8 =	vadd.f32 v0, v36;
	v0 =	vld [tilespmem:$0x1FE80];
	_ =	sdelay $0x4  }
0x288: {  	v46 =	vadd.s32 v60, v43;
	v60 =	vadd.s32 v0, v4;
	v0 =	vld [tilespmem:$0x1FD30];
	_ =	sdelay $0x7  }
0x289: {  	[tilespmem:v0+s18+$0x0] =	vst.idx.msk $0xffff, v12  }
0x28a: {  	v0 =	vld [tilespmem:$0x1FD40]  }
0x28b: {  	v11 =	vld [tilespmem:s29+$0x1A0];
	_ =	sdelay $0x4  }
0x28c: {  	v11 =	vadd.f32 v11, v34;
	_ =	sdelay $0x1  }
0x28d: {  	[tilespmem:v0+s18+$0x0] =	vst.idx.msk $0xffff, v11  }
0x28e: {  	v0 =	vld [tilespmem:$0x1FD50]  }
0x28f: {  	v16 =	vld [tilespmem:s29+$0xFFFFFFA0];
	_ =	sdelay $0x3  }
0x290: {  	v13 =	vshll.u32 v13, v1  }
0x291: {  	s5 =	simm.s32 $0xD;
	v18 =	vadd.s32 v32, v44;
	v44 =	vbroadcast v13, $0x0;
	v13 =	vadd.f32 v16, v34  }
0x292: {  	v7 =	vmov s5  }
0x293: {  	v7 =	vshrl.u32 v7, $0x3;
	[tilespmem:v0+s18+$0x0] =	vst.idx.msk $0xffff, v13  }
0x294: {  	v7 =	vshll.u32 v7, v1;
	v6 =	vld [tilespmem:$0x1FD60]  }
0x295: {  	v42 =	vbroadcast v7, $0x0;
	v7 =	vld [tilespmem:s29+$0x120];
	_ =	sdelay $0x4  }
0x296: {  	v7 =	vadd.f32 v7, v34;
	_ =	sdelay $0x1  }
0x297: {  	v3 =	vadd.s32 v27, v39;
	v27 =	vld [tilespmem:$0x1FE40];
	[tilespmem:v6+s18+$0x0] =	vst.idx.msk $0xffff, v7  }
0x298: {  	v56 =	vadd.s32 v5, v45;
	v5 =	vld [tilespmem:$0x1FD70]  }
0x299: {  	v9 =	vld [tilespmem:s29+$0xA0]  }
0x29a: {  	v10 =	vld [tilespmem:s28+$0x80];
	_ =	sdelay $0x3  }
0x29b: {  	v15 =	vld [tilespmem:s28+$0x10];
	v16 =	vadd.f32 v9, v34  }
0x29c: {  	v47 =	vadd.s32 v62, v42;
	v62 =	vadd.f32 v10, v36;
	v10 =	vld [tilespmem:s29+$0x30]  }
0x29d: {  	v6 =	vld [tilespmem:$0x1FEC0];
	[tilespmem:v5+s18+$0x0] =	vst.idx.msk $0xffff, v16  }
0x29e: {  	v5 =	vld [tilespmem:$0x1FE90]  }
0x29f: {  	v12 =	vld [tilespmem:s28+$0xFFFFFF10];
	_ =	sdelay $0x1  }
0x2a0: {  	v17 =	vld [tilespmem:s28+$0xFFFFFE90];
	v13 =	vadd.f32 v10, v33  }
0x2a1: {  	v4 =	vadd.f32 v15, v35  }
0x2a2: {  	v25 =	vadd.s32 v26, v24;
	v26 =	vmov v5;
	v10 =	vadd.s32 v5, v52;
	v5 =	vld [tilespmem:$0x1FE00];
	[tilespmem:v18+s18+$0x0] =	vst.idx.msk $0xffff, v13  }
0x2a3: {  	v14 =	vadd.f32 v12, v35;
	v12 =	vld [tilespmem:$0x1FED0];
	[tilespmem:v22+s18+$0x0] =	vst.idx.msk $0xffff, v4  }
0x2a4: {  	v9 =	vadd.s32 v27, v50;
	v50 =	vadd.s32 v2, v42;
	v2 =	vld [tilespmem:$0x1FD80]  }
0x2a5: {  	v20 =	vadd.f32 v17, v35;
	v17 =	vld [tilespmem:s29+$0xFFFFFE20];
	_ =	sdelay $0x3  }
0x2a6: {  	v15 =	vld [tilespmem:s28+$0xFFFFFF90]  }
0x2a7: {  	v58 =	vld [tilespmem:s29+$0xFFFFFF30];
	v13 =	vadd.f32 v17, v34  }
0x2a8: {  	[tilespmem:v25+s18+$0x0] =	vst.idx.msk $0xffff, v20  }
0x2a9: {  	v7 =	vld [tilespmem:s29+$0x1B0];
	[tilespmem:v2+s18+$0x0] =	vst.idx.msk $0xffff, v13  }
0x2aa: {  	v20 =	vld [tilespmem:$0x1FE20]  }
0x2ab: {  	v63 =	vadd.s32 v63, v24;
	v28 =	vmovc v6;
	v11 =	vadd.s32 v6, v54;
	v6 =	vadd.f32 v15, v35;
	v15 =	vld [tilespmem:s29+$0xFFFFFFB0]  }
0x2ac: {  	v61 =	vadd.f32 v58, v33;
	v16 =	vadd.s32 v51, v42;
	v54 =	vadd.s32 v12, v44;
	v12 =	vld [tilespmem:s29+$0x130]  }
0x2ad: {  	v59 =	vadd.s32 v59, v41;
	v58 =	vadd.s32 v23, v41;
	v55 =	vadd.s32 v55, v44;
	v2 =	vld [tilespmem:s29+$0xB0]  }
0x2ae: {  	v0 =	vadd.s32 v29, v43;
	v51 =	vadd.s32 v19, v41;
	v17 =	vadd.f32 v7, v33;
	v13 =	vld [tilespmem:s29+$0xFFFFFE30]  }
0x2af: {  	s30 =	simm.s32 $0x6E00;
	s24 =	sadd.s32 s7, s26;
	s26 =	simm.s32 $0x10;
	v52 =	vadd.s32 v30, v45;
	v5 =	vadd.s32 v5, v57;
	v31 =	vld [tilespmem:$0x1FE30];
	v4 =	vadd.s32 v20, v39  }
.LBB2_13:
0x2b0: {  	_ = 	snop  }
0x2b1: {  	[tilespmem:v16+s18+$0x0] =	vst.idx.msk $0xffff, v62  }
0x2b2: {  	v7 =	vld [tilespmem:$0x1FEE0];
	s2 =	smov.u32 s26;
	[tilespmem:v59+s18+$0x0] =	vst.idx.msk $0xffff, v8  }
0x2b3: {  	[tilespmem:v3+s18+$0x0] =	vst.idx.msk $0xffff, v14;
	s5 =	sadd.s32 $0x2, s2;
	v8 =	vld [tilespmem:s30+$0x100];
	v13 =	vadd.f32 v13, v33  }
0x2b4: {  	v19 =	vmov s2;
	[tilespmem:v11+s18+$0x0] =	vst.idx.msk $0xffff, v17;
	v21 =	vld [tilespmem:s28+$0xFFFFFF20];
	v17 =	vmov s5;
	v3 =	vadd.f32 v15, v33  }
0x2b5: {  	v16 =	vshrl.u32 v17, $0x3;
	v12 =	vadd.f32 v12, v33;
	[tilespmem:v5+s18+$0x0] =	vst.idx.msk $0xffff, v13;
	v13 =	vshrl.u32 v19, $0x3;
	v19 =	vld [tilespmem:$0x1FF50]  }
0x2b6: {  	[tilespmem:v9+s18+$0x0] =	vst.idx.msk $0xffff, v3;
	v9 =	vshll.u32 v16, v1;
	v16 =	vld [tilespmem:s28+$0x110]  }
0x2b7: {  	v22 =	vadd.s32 v31, v37;
	[tilespmem:v10+s18+$0x0] =	vst.idx.msk $0xffff, v12;
	v12 =	vld [tilespmem:s28+$0xFFFFFEA0]  }
0x2b8: {  	v37 =	vmov v39;
	s11 =	sadd.s32 $0x4, s2;
	v23 =	vld [tilespmem:s30+$0xFFFFFF00];
	v39 =	vbroadcast v9, $0x0  }
0x2b9: {  	v14 =	vmov s11;
	v3 =	vadd.f32 v2, v33  }
0x2ba: {  	v18 =	vld [tilespmem:s30+$0xFFFFFE80];
	v10 =	vshrl.u32 v14, $0x3;
	v19 =	vadd.s32 v19, v39  }
0x2bb: {  	v17 =	vld [tilespmem:s28+$0x90];
	[tilespmem:v60+s18+$0x0] =	vst.idx.msk $0xffff, v3;
	v3 =	vshll.u32 v10, v1;
	v10 =	vadd.f32 v21, v34  }
0x2bc: {  	v24 =	vld [tilespmem:s30+$0x180];
	[tilespmem:v22+s18+$0x0] =	vst.idx.msk $0xffff, v61;
	v12 =	vadd.f32 v12, v34  }
0x2bd: {  	v57 =	vadd.s32 v7, v44;
	v7 =	vld [tilespmem:$0x1FE50];
	v23 =	vadd.f32 v23, v36;
	[tilespmem:v4+s18+$0x0] =	vst.idx.msk $0xffff, v10  }
0x2be: {  	s0 =	sadd.s32 $0x7, s26;
	s29 =	sadd.s32 $0x6, s2;
	[tilespmem:v63+s18+$0x0] =	vst.idx.msk $0xffff, v12;
	v12 =	vld [tilespmem:s28+$0xFFFFFF30]  }
0x2bf: {  	v30 =	vmovc v20;
	v20 =	vmov s0;
	s0 =	sadd.s32 $0x1, s2;
	v4 =	vadd.f32 v18, v36;
	v18 =	vmov s29;
	[tilespmem:v19+s18+$0x0] =	vst.idx.msk $0xffff, v23;
	v23 =	vld [tilespmem:$0x1FFA0]  }
0x2c0: {  	v11 =	vmov s0;
	v14 =	vld [tilespmem:$0x1FF20];
	v18 =	vshrl.u32 v18, $0x3  }
0x2c1: {  	v11 =	vshrl.u32 v11, $0x3;
	v5 =	vld [tilespmem:s30+$0xFFFFFE00];
	v18 =	vshll.u32 v18, v1  }
0x2c2: {  	v2 =	vshll.u32 v11, v1;
	v11 =	vshrl.u32 v20, $0x3;
	[tilespmem:v0+s18+$0x0] =	vst.idx.msk $0xffff, v6;
	v0 =	vld [tilespmem:$0x1FF40];
	v18 =	vbroadcast v18, $0x0  }
0x2c3: {  	v6 =	vshll.u32 v11, v1;
	v11 =	vld [tilespmem:s28+$0x20]  }
0x2c4: {  	v59 =	vadd.s32 v23, v18;
	v23 =	vld [tilespmem:$0x1FF10]  }
0x2c5: {  	s31 =	sadd.s32 $0x5, s2;
	s2 =	sadd.s32 $0x3, s2;
	[tilespmem:v53+s18+$0x0] =	vst.idx.msk $0xffff, v49;
	v2 =	vbroadcast v2, $0x0;
	v21 =	vld [tilespmem:s30+$0x0];
	v16 =	vadd.f32 v16, v35  }
0x2c6: {  	v15 =	vmov s31;
	v22 =	vmov s2;
	[tilespmem:v55+s18+$0x0] =	vst.idx.msk $0xffff, v48;
	v3 =	vbroadcast v3, $0x0;
	v10 =	vld [tilespmem:s30+$0xFFFFFF80]  }
0x2c7: {  	v22 =	vshrl.u32 v22, $0x3;
	v14 =	vadd.s32 v14, v2;
	v5 =	vadd.f32 v5, v36;
	[tilespmem:v58+s18+$0x0] =	vst.idx.msk $0xffff, v16;
	v16 =	vld [tilespmem:s28+$0x190]  }
0x2c8: {  	v22 =	vshll.u32 v22, v1;
	v55 =	vld [tilespmem:s28+$0xFFFFFE10];
	v7 =	vadd.s32 v7, v40;
	v0 =	vadd.s32 v0, v3  }
0x2c9: {  	v48 =	vmovc v5;
	v5 =	vbroadcast v22, $0x0;
	v22 =	vadd.s32 v32, v40;
	v40 =	vmovc v3;
	v23 =	vadd.s32 v23, v3;
	v3 =	vld [tilespmem:$0x1FFF0]  }
0x2ca: {  	v15 =	vshrl.u32 v15, $0x3;
	v9 =	vld [tilespmem:s30+$0x80]  }
0x2cb: {  	v15 =	vshll.u32 v15, v1;
	v21 =	vadd.f32 v21, v36;
	v25 =	vld [tilespmem:s28+$0xFFFFFEB0]  }
0x2cc: {  	[tilespmem:v14+s18+$0x0] =	vst.idx.msk $0xffff, v4;
	v4 =	vadd.f32 v10, v36;
	v10 =	vld [tilespmem:s28+$0xFFFFFFA0];
	v16 =	vadd.f32 v16, v35  }
0x2cd: {  	v17 =	vadd.f32 v17, v35;
	[tilespmem:v0+s18+$0x0] =	vst.idx.msk $0xffff, v21;
	v0 =	vbroadcast v15, $0x0;
	v15 =	vld [tilespmem:s28+$0x120]  }
0x2ce: {  	v11 =	vadd.f32 v11, v34;
	[tilespmem:v56+s18+$0x0] =	vst.idx.msk $0xffff, v16;
	v16 =	vadd.s32 v3, v5;
	v3 =	vld [tilespmem:$0x1FFC0]  }
0x2cf: {  	[tilespmem:v47+s18+$0x0] =	vst.idx.msk $0xffff, v17;
	v19 =	vld [tilespmem:s30+$0x10]  }
0x2d0: {  	[tilespmem:v7+s18+$0x0] =	vst.idx.msk $0xffff, v11;
	v7 =	vld [tilespmem:s28+$0xA0]  }
0x2d1: {  	v62 =	vadd.f32 v9, v36;
	v9 =	vadd.f32 v55, v35;
	v11 =	vld [tilespmem:s28+$0x30]  }
0x2d2: {  	v17 =	vld [tilespmem:s28+$0x1A0]  }
0x2d3: {  	[tilespmem:v54+s18+$0x0] =	vst.idx.msk $0xffff, v9;
	v9 =	vadd.s32 v27, v43;
	v43 =	vmov v5;
	v56 =	vadd.s32 v3, v5;
	v5 =	vld [tilespmem:$0x1FEA0]  }
0x2d4: {  	v49 =	vadd.f32 v24, v36;
	v24 =	vld [tilespmem:$0x1FFD0]  }
0x2d5: {  	v6 =	vbroadcast v6, $0x0;
	v61 =	vadd.f32 v12, v33;
	v10 =	vadd.f32 v10, v34  }
0x2d6: {  	v12 =	vadd.f32 v15, v34;
	v7 =	vadd.f32 v7, v34;
	[tilespmem:v16+s18+$0x0] =	vst.idx.msk $0xffff, v4  }
0x2d7: {  	v15 =	vadd.f32 v17, v34;
	v17 =	vadd.f32 v11, v33;
	v11 =	vadd.s32 v28, v45;
	v45 =	vmovc v6;
	v16 =	vld [tilespmem:s30+$0xFFFFFF90]  }
0x2d8: {  	[tilespmem:v46+s18+$0x0] =	vst.idx.msk $0xffff, v10;
	v46 =	vmov v56;
	v56 =	vadd.s32 v5, v45;
	v5 =	vld [tilespmem:$0x1FE00]  }
0x2d9: {  	v24 =	vadd.s32 v24, v0;
	[tilespmem:v50+s18+$0x0] =	vst.idx.msk $0xffff, v7;
	v7 =	vld [tilespmem:$0x1FED0]  }
0x2da: {  	v13 =	vshll.u32 v13, v1;
	v47 =	vmov v24;
	v24 =	vld [tilespmem:$0x1FE80]  }
0x2db: {  	v13 =	vbroadcast v13, $0x0;
	_ =	sdelay $0x1  }
0x2dc: {  	v63 =	vld [tilespmem:$0x1FF70];
	v5 =	vadd.s32 v5, v44;
	v44 =	vmov v13  }
0x2dd: {  	v54 =	vadd.s32 v7, v44;
	v7 =	vld [tilespmem:$0x1FE70]  }
0x2de: {  	v60 =	vadd.s32 v24, v42;
	v42 =	vmov v0;
	v0 =	vld [tilespmem:$0x1FFE0];
	_ =	sdelay $0x1  }
0x2df: {  	v20 =	vld [tilespmem:$0x1FEF0]  }
0x2e0: {  	v21 =	vld [tilespmem:$0x1FF00]  }
0x2e1: {  	v53 =	vadd.s32 v63, v6;
	v6 =	vadd.f32 v16, v35;
	v16 =	vadd.s32 v7, v42;
	v7 =	vld [tilespmem:$0x1FE10]  }
0x2e2: {  	v14 =	vld [tilespmem:s30+$0xFFFFFE90];
	v55 =	vadd.s32 v0, v13;
	v0 =	vadd.f32 v25, v33  }
0x2e3: {  	v24 =	vld [tilespmem:s30+$0xFFFFFF10];
	[tilespmem:v52+s18+$0x0] =	vst.idx.msk $0xffff, v15  }
0x2e4: {  	v20 =	vadd.s32 v20, v2;
	[tilespmem:v38+s18+$0x0] =	vst.idx.msk $0xffff, v0;
	v0 =	vld [tilespmem:$0x1FF80]  }
0x2e5: {  	v38 =	vmov v20;
	v20 =	vld [tilespmem:s28+$0x1B0]  }
0x2e6: {  	v21 =	vadd.s32 v21, v2;
	v63 =	vadd.s32 v7, v2;
	v2 =	vld [tilespmem:$0x1FF30]  }
0x2e7: {  	v4 =	vld [tilespmem:s28+$0xFFFFFE20]  }
0x2e8: {  	v3 =	vld [tilespmem:$0x1FF60]  }
0x2e9: {  	v58 =	vadd.s32 v0, v18;
	v0 =	vld [tilespmem:$0x1FFB0]  }
0x2ea: {  	v19 =	vadd.f32 v19, v35;
	[tilespmem:v51+s18+$0x0] =	vst.idx.msk $0xffff, v12;
	v7 =	vld [tilespmem:$0x1FF90]  }
0x2eb: {  	p0 =	slt.u32 s26, $0x78;
	[tilespmem:v22+s18+$0x0] =	vst.idx.msk $0xffff, v17;
	v25 =	vadd.f32 v14, v35;
	v50 =	vadd.s32 v2, v42;
	v2 =	vld [tilespmem:$0x1FEB0]  }
.Ltmp5:
0x2ec: {  	[tilespmem:v23+s18+$0x0] =	vst.idx.msk $0xffff, v19;
	v4 =	vadd.f32 v4, v34;
	(pc) =	sbr.rel @p0 .LBB2_13-.Ltmp5, $4  }
0x2ed: {  	v8 =	vadd.f32 v8, v36;
	v12 =	vld [tilespmem:s28+$0x130];
	[tilespmem:v21+s18+$0x0] =	vst.idx.msk $0xffff, v25  }
0x2ee: {  	v14 =	vadd.f32 v24, v35;
	v10 =	vadd.s32 v26, v41;
	v15 =	vld [tilespmem:s28+$0xFFFFFFB0];
	[tilespmem:v57+s18+$0x0] =	vst.idx.msk $0xffff, v4  }
0x2ef: {  	v41 =	vmovc v18;
	v17 =	vadd.f32 v20, v33;
	v3 =	vadd.s32 v3, v39;
	v0 =	vadd.s32 v0, v43;
	v13 =	vld [tilespmem:s28+$0xFFFFFE30]  }
0x2f0: {  	s26 =	sadd.s32 $0x8, s26;
	v20 =	vmovc v30;
	v4 =	vadd.s32 v30, v39;
	v51 =	vadd.s32 v7, v41;
	v52 =	vadd.s32 v2, v45;
	v2 =	vld [tilespmem:s28+$0xB0];
	s28 =	smov.u32 s30;
	s30 =	sadd.s32 $0x400, s30  }
0x2f1: {  	_ =	sdelay $0x3  }
0x2f2: {  	[tilespmem:v59+s18+$0x0] =	vst.idx.msk $0xffff, v8  }
0x2f3: {  	[tilespmem:v3+s18+$0x0] =	vst.idx.msk $0xffff, v14  }
0x2f4: {  	[tilespmem:v53+s18+$0x0] =	vst.idx.msk $0xffff, v49  }
0x2f5: {  	[tilespmem:v11+s18+$0x0] =	vst.idx.msk $0xffff, v17;
	v3 =	vadd.f32 v15, v33  }
0x2f6: {  	[tilespmem:v16+s18+$0x0] =	vst.idx.msk $0xffff, v62;
	v8 =	vadd.s32 v31, v37;
	v7 =	vld [tilespmem:s28+$0x190]  }
0x2f7: {  	[tilespmem:v9+s18+$0x0] =	vst.idx.msk $0xffff, v3;
	v3 =	vld [tilespmem:s28+$0x110]  }
0x2f8: {  	[tilespmem:v55+s18+$0x0] =	vst.idx.msk $0xffff, v48;
	v11 =	vadd.f32 v12, v33  }
0x2f9: {  	[tilespmem:v0+s18+$0x0] =	vst.idx.msk $0xffff, v6  }
0x2fa: {  	[tilespmem:v10+s18+$0x0] =	vst.idx.msk $0xffff, v11;
	v2 =	vadd.f32 v2, v33  }
0x2fb: {  	[tilespmem:v8+s18+$0x0] =	vst.idx.msk $0xffff, v61;
	v7 =	vadd.f32 v7, v35  }
0x2fc: {  	[tilespmem:v60+s18+$0x0] =	vst.idx.msk $0xffff, v2;
	v3 =	vadd.f32 v3, v35  }
0x2fd: {  	v9 =	vld [tilespmem:s28+$0x90];
	[tilespmem:v56+s18+$0x0] =	vst.idx.msk $0xffff, v7  }
0x2fe: {  	v2 =	vld [tilespmem:s28+$0xFFFFFE10];
	[tilespmem:v58+s18+$0x0] =	vst.idx.msk $0xffff, v3  }
0x2ff: {  	v59 =	vld [tilespmem:$0x1FE50]  }
0x300: {  	v8 =	vld [tilespmem:s28+$0xFFFFFEA0]  }
0x301: {  	v6 =	vld [tilespmem:s28+$0x1A0]  }
0x302: {  	v7 =	vld [tilespmem:s28+$0x20];
	v0 =	vadd.f32 v9, v35  }
0x303: {  	v9 =	vadd.f32 v13, v33  }
0x304: {  	v2 =	vadd.f32 v2, v35;
	[tilespmem:v47+s18+$0x0] =	vst.idx.msk $0xffff, v0;
	v3 =	vadd.s32 v59, v40  }
0x305: {  	[tilespmem:v5+s18+$0x0] =	vst.idx.msk $0xffff, v9;
	v5 =	vadd.f32 v8, v34  }
0x306: {  	[tilespmem:v54+s18+$0x0] =	vst.idx.msk $0xffff, v2;
	v6 =	vadd.f32 v6, v34  }
0x307: {  	v7 =	vadd.f32 v7, v34;
	[tilespmem:v63+s18+$0x0] =	vst.idx.msk $0xffff, v5  }
0x308: {  	v0 =	vld [tilespmem:s28+$0x120];
	[tilespmem:v52+s18+$0x0] =	vst.idx.msk $0xffff, v6  }
0x309: {  	v8 =	vld [tilespmem:s28+$0xA0];
	[tilespmem:v3+s18+$0x0] =	vst.idx.msk $0xffff, v7  }
0x30a: {  	v62 =	vld [tilespmem:$0x1FEE0]  }
0x30b: {  	v2 =	vld [tilespmem:s28+$0xFFFFFF20]  }
0x30c: {  	v10 =	vld [tilespmem:s28+$0xFFFFFFA0]  }
0x30d: {  	v5 =	vld [tilespmem:s28+$0xFFFFFE20]  }
0x30e: {  	v0 =	vadd.f32 v0, v34;
	v3 =	vld [tilespmem:s28+$0xFFFFFEB0]  }
0x30f: {  	v8 =	vadd.f32 v8, v34;
	v9 =	vld [tilespmem:s28+$0x30];
	v6 =	vadd.s32 v62, v44  }
0x310: {  	v2 =	vadd.f32 v2, v34;
	[tilespmem:v51+s18+$0x0] =	vst.idx.msk $0xffff, v0  }
0x311: {  	v7 =	vadd.f32 v10, v34;
	v10 =	vadd.s32 v32, v40;
	[tilespmem:v50+s18+$0x0] =	vst.idx.msk $0xffff, v8  }
0x312: {  	v5 =	vadd.f32 v5, v34;
	[tilespmem:v4+s18+$0x0] =	vst.idx.msk $0xffff, v2  }
0x313: {  	[tilespmem:v46+s18+$0x0] =	vst.idx.msk $0xffff, v7;
	v7 =	vld [tilespmem:s28+$0x1B0];
	v2 =	vadd.f32 v3, v33  }
0x314: {  	v8 =	vld [tilespmem:s28+$0x130];
	v9 =	vadd.f32 v9, v33;
	[tilespmem:v6+s18+$0x0] =	vst.idx.msk $0xffff, v5  }
0x315: {  	v48 =	vld [tilespmem:$0x1FE80];
	[tilespmem:v38+s18+$0x0] =	vst.idx.msk $0xffff, v2  }
0x316: {  	v11 =	vld [tilespmem:s28+$0xFFFFFFB0];
	[tilespmem:v10+s18+$0x0] =	vst.idx.msk $0xffff, v9  }
0x317: {  	v13 =	vadd.s32 v26, v41;
	v0 =	vadd.s32 v28, v45;
	v50 =	vmov v26;
	v26 =	vld [tilespmem:$0x1FE00]  }
0x318: {  	v12 =	vld [tilespmem:s28+$0xFFFFFF30];
	v3 =	vadd.s32 v27, v43  }
0x319: {  	v4 =	vld [tilespmem:s28+$0xB0]  }
0x31a: {  	v2 =	vadd.f32 v7, v33;
	v6 =	vld [tilespmem:s28+$0xFFFFFE30];
	v9 =	vadd.s32 v31, v39  }
0x31b: {  	v7 =	vadd.f32 v11, v33;
	v5 =	vadd.s32 v48, v42  }
0x31c: {  	[tilespmem:v0+s18+$0x0] =	vst.idx.msk $0xffff, v2;
	v0 =	vadd.f32 v8, v33;
	v10 =	vadd.s32 v26, v44  }
0x31d: {  	[tilespmem:v3+s18+$0x0] =	vst.idx.msk $0xffff, v7;
	v3 =	vadd.f32 v12, v33  }
0x31e: {  	v2 =	vadd.f32 v4, v33;
	[tilespmem:v13+s18+$0x0] =	vst.idx.msk $0xffff, v0  }
0x31f: {  	v0 =	vadd.f32 v6, v33;
	[tilespmem:v9+s18+$0x0] =	vst.idx.msk $0xffff, v3  }
0x320: {  	[tilespmem:v5+s18+$0x0] =	vst.idx.msk $0xffff, v2  }
0x321: {  	s0 =	sadd.s32 $0x100, s25;
	s26 =	simm.s32 $0x83;
	s31 =	simm.s32 $0x87;
	[tilespmem:v10+s18+$0x0] =	vst.idx.msk $0xffff, v0  }
0x322: {  	v8 =	vmov s31;
	[tilespmem:s13], [sflag:$0x1] =	stream.indirect.gather [hbm4b:s3+s12], $0x80, s0, s12, $0xb8;
	[tilespmem:$0x1F480] =	vst v63  }
0x323: {  	v4 =	vmov s26;
	v8 =	vshrl.u32 v8, $0x3;
	_ =	swait.ge [sflag:s17], $0x4000  }
0x324: {  	v18 =	vmov v31;
	s5 =	simm.s32 $0x80;
	s11 =	simm.s32 $0x82;
	v4 =	vshrl.u32 v4, $0x3;
	v8 =	vshll.u32 v8, v1;
	v31 =	vld [tilespmem:$0x1FF70]  }
0x325: {  	s2 =	simm.s32 $0x81;
	v3 =	vmov s11;
	v39 =	vbroadcast v8, $0x0;
	v0 =	vmov s5;
	[sflag:s17] =	ssyncset.done $0x0;
	v25 =	vld [tilespmem:$0x1FFE0]  }
0x326: {  	v45 =	vmovc v27;
	s26 =	simm.s32 $0xA600;
	v3 =	vshrl.u32 v3, $0x3;
	v2 =	vmov s2;
	s5 =	simm.s32 $0x84;
	v0 =	vshrl.u32 v0, $0x3;
	v27 =	vld [tilespmem:$0x1FF20];
	[sflag:s17] =	ssyncadd.s32 $0xFFFFC000  }
0x327: {  	v2 =	vshrl.u32 v2, $0x3;
	v5 =	vmov s5;
	v0 =	vshll.u32 v0, v1;
	v9 =	vld [tilespmem:s26+$0x180]  }
0x328: {  	v2 =	vshll.u32 v2, v1;
	v5 =	vshrl.u32 v5, $0x3;
	v42 =	vbroadcast v0, $0x0;
	v8 =	vld [tilespmem:s26+$0xFFFFFE00]  }
0x329: {  	v43 =	vbroadcast v2, $0x0;
	v2 =	vshll.u32 v5, v1;
	v23 =	vld [tilespmem:$0x1FF50];
	v5 =	vadd.s32 v31, v39  }
0x32a: {  	v0 =	vshll.u32 v3, v1;
	v3 =	vshll.u32 v4, v1;
	v4 =	vld [tilespmem:s26+$0xFFFFFE80];
	v10 =	vadd.s32 v25, v42  }
0x32b: {  	s29 =	simm.s32 $0x85;
	v11 =	vld [tilespmem:s26+$0xFFFFFF00]  }
0x32c: {  	s30 =	simm.s32 $0x86;
	v6 =	vmov s29;
	v40 =	vbroadcast v2, $0x0;
	v12 =	vld [tilespmem:s26+$0xFFFFFF80];
	v2 =	vadd.f32 v9, v36  }
0x32d: {  	v7 =	vmov s30;
	v6 =	vshrl.u32 v6, $0x3;
	v8 =	vadd.f32 v8, v36;
	v9 =	vld [tilespmem:$0x1FFF0]  }
0x32e: {  	v44 =	vbroadcast v0, $0x0;
	v0 =	vshll.u32 v6, v1;
	v13 =	vld [tilespmem:s26+$0x0];
	v6 =	vadd.s32 v27, v43;
	[tilespmem:v5+s18+$0x0] =	vst.idx.msk $0xffff, v2  }
0x32f: {  	v7 =	vshrl.u32 v7, $0x3;
	v58 =	vld [tilespmem:$0x1FF40];
	[tilespmem:v10+s18+$0x0] =	vst.idx.msk $0xffff, v8  }
0x330: {  	v41 =	vbroadcast v3, $0x0;
	v3 =	vshll.u32 v7, v1;
	v7 =	vadd.s32 v23, v44;
	v54 =	vld [tilespmem:$0x1FE70]  }
0x331: {  	v14 =	vld [tilespmem:s26+$0x80];
	v37 =	vbroadcast v0, $0x0;
	v0 =	vadd.f32 v4, v36  }
0x332: {  	v4 =	vld [tilespmem:s26+$0x100];
	v9 =	vadd.s32 v9, v41  }
0x333: {  	v38 =	vbroadcast v3, $0x0;
	v3 =	vadd.f32 v11, v36;
	v8 =	vld [tilespmem:s26+$0x190];
	[tilespmem:v6+s18+$0x0] =	vst.idx.msk $0xffff, v0  }
0x334: {  	v53 =	vld [tilespmem:$0x1FFA0];
	v2 =	vadd.s32 v58, v40  }
0x335: {  	v0 =	vld [tilespmem:s26+$0xFFFFFE10];
	v6 =	vadd.f32 v12, v36;
	[tilespmem:v7+s18+$0x0] =	vst.idx.msk $0xffff, v3;
	v5 =	vadd.s32 v54, v37  }
0x336: {  	v52 =	vld [tilespmem:$0x1FEA0]  }
0x337: {  	v3 =	vld [tilespmem:s26+$0xFFFFFE90];
	v7 =	vadd.f32 v13, v36;
	[tilespmem:v9+s18+$0x0] =	vst.idx.msk $0xffff, v6  }
0x338: {  	v9 =	vadd.f32 v14, v36;
	v24 =	vld [tilespmem:$0x1FED0]  }
0x339: {  	v12 =	vld [tilespmem:s26+$0xFFFFFF10];
	v10 =	vadd.s32 v53, v38;
	[tilespmem:v2+s18+$0x0] =	vst.idx.msk $0xffff, v7  }
0x33a: {  	v2 =	vld [tilespmem:$0x1FF00];
	[tilespmem:v5+s18+$0x0] =	vst.idx.msk $0xffff, v9  }
0x33b: {  	v11 =	vadd.s32 v52, v39;
	v63 =	vld [tilespmem:$0x1FF60]  }
0x33c: {  	v4 =	vadd.f32 v4, v36;
	v13 =	vld [tilespmem:s26+$0xFFFFFF90]  }
0x33d: {  	v15 =	vld [tilespmem:s26+$0x10];
	v6 =	vadd.s32 v24, v42  }
0x33e: {  	v5 =	vadd.f32 v8, v35;
	[tilespmem:v10+s18+$0x0] =	vst.idx.msk $0xffff, v4;
	v10 =	vld [tilespmem:s26+$0x90]  }
0x33f: {  	v4 =	vld [tilespmem:$0x1FFB0];
	v2 =	vadd.s32 v2, v43  }
0x340: {  	v0 =	vadd.f32 v0, v35;
	[tilespmem:v11+s18+$0x0] =	vst.idx.msk $0xffff, v5;
	v8 =	vld [tilespmem:s26+$0x110];
	v14 =	vadd.s32 v63, v44  }
0x341: {  	v60 =	vld [tilespmem:$0x1FF10]  }
0x342: {  	v3 =	vadd.f32 v3, v35;
	[tilespmem:v6+s18+$0x0] =	vst.idx.msk $0xffff, v0;
	v6 =	vld [tilespmem:s26+$0x1A0]  }
0x343: {  	v0 =	vadd.f32 v12, v35;
	v51 =	vld [tilespmem:$0x1FFD0]  }
0x344: {  	v9 =	vadd.s32 v4, v41;
	v4 =	vld [tilespmem:s26+$0xFFFFFE20];
	[tilespmem:v2+s18+$0x0] =	vst.idx.msk $0xffff, v3  }
0x345: {  	v47 =	vld [tilespmem:$0x1FF80];
	[tilespmem:v14+s18+$0x0] =	vst.idx.msk $0xffff, v0  }
0x346: {  	v55 =	vld [tilespmem:$0x1FEB0]  }
0x347: {  	v3 =	vld [tilespmem:s26+$0xFFFFFEA0]  }
0x348: {  	v22 =	vld [tilespmem:$0x1FFC0]  }
0x349: {  	v57 =	vld [tilespmem:$0x1FE10]  }
0x34a: {  	v11 =	vadd.f32 v15, v35;
	v12 =	vadd.f32 v13, v35;
	v7 =	vadd.s32 v60, v40;
	v56 =	vld [tilespmem:$0x1FF30]  }
0x34b: {  	v61 =	vmovc v18;
	s28 =	simm.s32 $0x0;
	v5 =	vadd.s32 v51, v37;
	v49 =	vld [tilespmem:$0x1FF90];
	v2 =	vadd.s32 v47, v38;
	v0 =	vadd.s32 v55, v39  }
.LBB2_15:
0x34c: {  	_ = 	snop  }
0x34d: {  	[tilespmem:v9+s18+$0x0] =	vst.idx.msk $0xffff, v12  }
0x34e: {  	v12 =	vadd.s32 v57, v43;
	v15 =	vld [tilespmem:s26+$0xFFFFFFA0];
	v9 =	vadd.f32 v10, v35  }
0x34f: {  	[tilespmem:v7+s18+$0x0] =	vst.idx.msk $0xffff, v11  }
0x350: {  	v7 =	vadd.f32 v8, v35;
	[tilespmem:v5+s18+$0x0] =	vst.idx.msk $0xffff, v9;
	v9 =	vadd.s32 v22, v41  }
0x351: {  	v13 =	vadd.s32 v62, v42;
	v14 =	vld [tilespmem:s26+$0xFFFFFF20];
	v3 =	vadd.f32 v3, v34  }
0x352: {  	v16 =	vld [tilespmem:s26+$0x20];
	v5 =	vadd.f32 v6, v34;
	[tilespmem:v2+s18+$0x0] =	vst.idx.msk $0xffff, v7  }
0x353: {  	v11 =	vadd.s32 v20, v44;
	[tilespmem:v12+s18+$0x0] =	vst.idx.msk $0xffff, v3;
	v17 =	vld [tilespmem:s26+$0xA0];
	v3 =	vadd.f32 v15, v34  }
0x354: {  	v4 =	vadd.f32 v4, v34;
	v18 =	vld [tilespmem:s26+$0x120];
	[tilespmem:v0+s18+$0x0] =	vst.idx.msk $0xffff, v5  }
0x355: {  	s0 =	sadd.s32 $0x88, s28;
	v42 =	vadd.s32 v26, v42;
	v7 =	vadd.s32 v59, v40;
	[tilespmem:v9+s18+$0x0] =	vst.idx.msk $0xffff, v3;
	v9 =	vld [tilespmem:$0x1FEF0]  }
0x356: {  	s31 =	sadd.s32 $0x89, s28;
	v10 =	vmov s0;
	[tilespmem:v13+s18+$0x0] =	vst.idx.msk $0xffff, v4;
	v4 =	vadd.f32 v14, v34;
	v5 =	vadd.s32 v56, v37;
	v13 =	vld [tilespmem:s26+$0x1B0]  }
0x357: {  	v8 =	vmov s31;
	v10 =	vshrl.u32 v10, $0x3;
	v12 =	vadd.s32 v49, v38;
	v19 =	vld [tilespmem:s26+$0xFFFFFE30]  }
0x358: {  	v8 =	vshrl.u32 v8, $0x3;
	v20 =	vld [tilespmem:s26+$0xFFFFFEB0];
	[tilespmem:v11+s18+$0x0] =	vst.idx.msk $0xffff, v4;
	v4 =	vadd.f32 v16, v34;
	v11 =	vadd.s32 v28, v39  }
0x359: {  	s2 =	sadd.s32 $0x8A, s28;
	v10 =	vshll.u32 v10, v1;
	v8 =	vshll.u32 v8, v1;
	v21 =	vld [tilespmem:s26+$0xFFFFFF30];
	v3 =	vadd.f32 v17, v34  }
0x35a: {  	s5 =	sadd.s32 $0x8B, s28;
	v6 =	vmov s2;
	[tilespmem:v7+s18+$0x0] =	vst.idx.msk $0xffff, v4;
	v4 =	vadd.f32 v18, v34;
	v9 =	vadd.s32 v9, v43;
	v43 =	vld [tilespmem:s26+$0xFFFFFFB0]  }
0x35b: {  	s29 =	sadd.s32 $0x8D, s28;
	v2 =	vmov s5;
	v7 =	vadd.s32 v61, v44;
	[tilespmem:v5+s18+$0x0] =	vst.idx.msk $0xffff, v3;
	v3 =	vadd.f32 v13, v33  }
0x35c: {  	s30 =	sadd.s32 $0x8E, s28;
	v14 =	vmov s29;
	v18 =	vld [tilespmem:s26+$0x30];
	v5 =	vadd.f32 v19, v33;
	v13 =	vadd.s32 v45, v41;
	[tilespmem:v12+s18+$0x0] =	vst.idx.msk $0xffff, v4  }
0x35d: {  	v15 =	vmov s30;
	v6 =	vshrl.u32 v6, $0x3;
	v4 =	vadd.f32 v20, v33;
	v19 =	vld [tilespmem:s26+$0xB0];
	[tilespmem:v11+s18+$0x0] =	vst.idx.msk $0xffff, v3  }
0x35e: {  	s11 =	sadd.s32 $0x8C, s28;
	v2 =	vshrl.u32 v2, $0x3;
	v12 =	vadd.s32 v32, v40;
	v20 =	vld [tilespmem:s26+$0x130];
	[tilespmem:v42+s18+$0x0] =	vst.idx.msk $0xffff, v5;
	v5 =	vadd.f32 v21, v33  }
0x35f: {  	s31 =	sadd.s32 $0x8F, s28;
	v0 =	vmov s11;
	v11 =	vadd.s32 v48, v37;
	[tilespmem:v9+s18+$0x0] =	vst.idx.msk $0xffff, v4;
	v4 =	vadd.f32 v43, v33  }
0x360: {  	v3 =	vshrl.u32 v14, $0x3;
	v14 =	vmov s31;
	s26 =	sadd.s32 $0x400, s26;
	[tilespmem:v7+s18+$0x0] =	vst.idx.msk $0xffff, v5;
	v9 =	vadd.s32 v50, v38  }
0x361: {  	v6 =	vshll.u32 v6, v1;
	v14 =	vshrl.u32 v14, $0x3;
	v5 =	vadd.f32 v18, v33;
	[tilespmem:v13+s18+$0x0] =	vst.idx.msk $0xffff, v4;
	v13 =	vld [tilespmem:s26+$0x180]  }
0x362: {  	v2 =	vshll.u32 v2, v1;
	v14 =	vshll.u32 v14, v1;
	v4 =	vadd.f32 v19, v33  }
0x363: {  	v0 =	vshrl.u32 v0, $0x3;
	v39 =	vbroadcast v14, $0x0;
	[tilespmem:v12+s18+$0x0] =	vst.idx.msk $0xffff, v5;
	v5 =	vadd.f32 v20, v33;
	v12 =	vld [tilespmem:s26+$0xFFFFFE00]  }
0x364: {  	v0 =	vshll.u32 v0, v1;
	v44 =	vbroadcast v6, $0x0;
	v43 =	vbroadcast v8, $0x0;
	[tilespmem:v11+s18+$0x0] =	vst.idx.msk $0xffff, v4;
	v4 =	vld [tilespmem:s26+$0xFFFFFE80]  }
0x365: {  	v40 =	vbroadcast v0, $0x0;
	v42 =	vbroadcast v10, $0x0;
	v8 =	vadd.s32 v31, v39;
	[tilespmem:v9+s18+$0x0] =	vst.idx.msk $0xffff, v5;
	v9 =	vld [tilespmem:s26+$0xFFFFFF00]  }
0x366: {  	v7 =	vshrl.u32 v15, $0x3;
	v6 =	vadd.s32 v27, v43;
	v0 =	vadd.f32 v13, v36;
	v13 =	vld [tilespmem:$0x1FFF0]  }
0x367: {  	v41 =	vbroadcast v2, $0x0;
	v2 =	vshll.u32 v7, v1;
	v7 =	vadd.s32 v23, v44  }
0x368: {  	v3 =	vshll.u32 v3, v1;
	v11 =	vld [tilespmem:s26+$0x0];
	v5 =	vadd.s32 v25, v42  }
0x369: {  	v37 =	vbroadcast v3, $0x0;
	v10 =	vld [tilespmem:s26+$0xFFFFFF80];
	v3 =	vadd.f32 v4, v36  }
0x36a: {  	v38 =	vbroadcast v2, $0x0;
	v15 =	vld [tilespmem:s26+$0x100];
	v4 =	vadd.s32 v58, v40;
	[tilespmem:v8+s18+$0x0] =	vst.idx.msk $0xffff, v0;
	v0 =	vadd.f32 v9, v36  }
0x36b: {  	v12 =	vadd.f32 v12, v36;
	v14 =	vld [tilespmem:s26+$0x80];
	[tilespmem:v6+s18+$0x0] =	vst.idx.msk $0xffff, v3;
	v13 =	vadd.s32 v13, v41  }
0x36c: {  	v6 =	vadd.s32 v53, v38;
	[tilespmem:v7+s18+$0x0] =	vst.idx.msk $0xffff, v0;
	v7 =	vld [tilespmem:$0x1FF00]  }
0x36d: {  	v2 =	vadd.s32 v54, v37;
	[tilespmem:v5+s18+$0x0] =	vst.idx.msk $0xffff, v12;
	v5 =	vld [tilespmem:s26+$0x190];
	v0 =	vadd.f32 v11, v36  }
0x36e: {  	v8 =	vld [tilespmem:s26+$0xFFFFFE10];
	v3 =	vadd.f32 v10, v36  }
0x36f: {  	v12 =	vld [tilespmem:s26+$0xFFFFFE90];
	v11 =	vadd.s32 v52, v39;
	[tilespmem:v4+s18+$0x0] =	vst.idx.msk $0xffff, v0;
	v0 =	vadd.f32 v15, v36  }
0x370: {  	v16 =	vadd.s32 v24, v42;
	v46 =	vld [tilespmem:s26+$0xFFFFFF10];
	[tilespmem:v13+s18+$0x0] =	vst.idx.msk $0xffff, v3;
	v3 =	vadd.f32 v14, v36  }
0x371: {  	s28 =	sadd.s32 $0x8, s28;
	v18 =	vld [tilespmem:s26+$0x10];
	[tilespmem:v6+s18+$0x0] =	vst.idx.msk $0xffff, v0;
	v13 =	vadd.s32 v7, v43  }
0x372: {  	p0 =	slt.u32 s28, $0x78;
	v15 =	vadd.s32 v63, v44;
	v14 =	vld [tilespmem:s26+$0xFFFFFF90];
	[tilespmem:v2+s18+$0x0] =	vst.idx.msk $0xffff, v3;
	v2 =	vadd.f32 v5, v35  }
.Ltmp6:
0x373: {  	v9 =	vadd.s32 v29, v41;
	v3 =	vadd.f32 v8, v35;
	v8 =	vld [tilespmem:s26+$0x110];
	(pc) =	sbr.rel @p0 .LBB2_15-.Ltmp6, $4  }
0x374: {  	v0 =	vadd.f32 v12, v35;
	v7 =	vadd.s32 v60, v40;
	v10 =	vld [tilespmem:s26+$0x90];
	[tilespmem:v11+s18+$0x0] =	vst.idx.msk $0xffff, v2  }
0x375: {  	v5 =	vadd.s32 v51, v37;
	[tilespmem:v16+s18+$0x0] =	vst.idx.msk $0xffff, v3;
	v11 =	vadd.f32 v46, v35;
	v6 =	vld [tilespmem:s26+$0x1A0]  }
0x376: {  	v2 =	vadd.s32 v47, v38;
	v4 =	vld [tilespmem:s26+$0xFFFFFE20];
	[tilespmem:v13+s18+$0x0] =	vst.idx.msk $0xffff, v0;
	v0 =	vadd.s32 v55, v39  }
0x377: {  	v20 =	vmov v30;
	v12 =	vadd.f32 v14, v35;
	v3 =	vld [tilespmem:s26+$0xFFFFFEA0];
	[tilespmem:v15+s18+$0x0] =	vst.idx.msk $0xffff, v11;
	v11 =	vadd.f32 v18, v35  }
0x378: {  	_ =	sdelay $0x3  }
0x379: {  	v13 =	vadd.s32 v62, v42;
	v14 =	vld [tilespmem:s26+$0xFFFFFF20];
	[tilespmem:v9+s18+$0x0] =	vst.idx.msk $0xffff, v12;
	v9 =	vadd.f32 v10, v35  }
0x37a: {  	v10 =	vadd.s32 v57, v43;
	[tilespmem:v7+s18+$0x0] =	vst.idx.msk $0xffff, v11;
	v7 =	vadd.f32 v8, v35;
	v12 =	vld [tilespmem:s26+$0xFFFFFFA0]  }
0x37b: {  	v8 =	vadd.s32 v20, v44;
	[tilespmem:v5+s18+$0x0] =	vst.idx.msk $0xffff, v9;
	v5 =	vadd.f32 v6, v34  }
0x37c: {  	v4 =	vadd.f32 v4, v34;
	v6 =	vadd.s32 v22, v41;
	[tilespmem:v2+s18+$0x0] =	vst.idx.msk $0xffff, v7  }
0x37d: {  	v2 =	vadd.f32 v3, v34;
	[tilespmem:v0+s18+$0x0] =	vst.idx.msk $0xffff, v5  }
0x37e: {  	[tilespmem:v13+s18+$0x0] =	vst.idx.msk $0xffff, v4;
	v0 =	vadd.f32 v14, v34  }
0x37f: {  	v11 =	vld [tilespmem:s26+$0x20];
	[tilespmem:v10+s18+$0x0] =	vst.idx.msk $0xffff, v2;
	v2 =	vadd.f32 v12, v34  }
0x380: {  	v9 =	vld [tilespmem:s26+$0xA0];
	[tilespmem:v8+s18+$0x0] =	vst.idx.msk $0xffff, v0  }
0x381: {  	v7 =	vld [tilespmem:s26+$0x120];
	[tilespmem:v6+s18+$0x0] =	vst.idx.msk $0xffff, v2  }
0x382: {  	v3 =	vadd.s32 v59, v40;
	v6 =	vld [tilespmem:$0x1FEF0]  }
0x383: {  	v4 =	vadd.s32 v56, v37;
	v5 =	vld [tilespmem:s26+$0x1B0]  }
0x384: {  	v13 =	vld [tilespmem:s26+$0xFFFFFE30];
	v10 =	vadd.s32 v49, v38  }
0x385: {  	v12 =	vld [tilespmem:s26+$0xFFFFFEB0];
	v0 =	vadd.f32 v11, v34;
	v8 =	vadd.s32 v28, v39  }
0x386: {  	v11 =	vadd.s32 v26, v42;
	v14 =	vld [tilespmem:s26+$0xFFFFFF30];
	v2 =	vadd.f32 v9, v34  }
0x387: {  	v9 =	vld [tilespmem:s26+$0xFFFFFFB0];
	[tilespmem:v3+s18+$0x0] =	vst.idx.msk $0xffff, v0;
	v0 =	vadd.f32 v7, v34;
	v6 =	vadd.s32 v6, v43  }
0x388: {  	v3 =	vadd.s32 v61, v44;
	v7 =	vld [tilespmem:s26+$0x30];
	[tilespmem:v4+s18+$0x0] =	vst.idx.msk $0xffff, v2;
	v2 =	vadd.f32 v5, v33  }
0x389: {  	v4 =	vadd.f32 v13, v33;
	v5 =	vadd.s32 v45, v41;
	v13 =	vld [tilespmem:s26+$0xB0];
	[tilespmem:v10+s18+$0x0] =	vst.idx.msk $0xffff, v0  }
0x38a: {  	v0 =	vadd.f32 v12, v33;
	v10 =	vadd.s32 v32, v40;
	v12 =	vld [tilespmem:s26+$0x130];
	[tilespmem:v8+s18+$0x0] =	vst.idx.msk $0xffff, v2  }
0x38b: {  	[tilespmem:v11+s18+$0x0] =	vst.idx.msk $0xffff, v4;
	v2 =	vadd.f32 v14, v33;
	v4 =	vadd.s32 v48, v37  }
0x38c: {  	[tilespmem:v6+s18+$0x0] =	vst.idx.msk $0xffff, v0;
	v0 =	vadd.f32 v9, v33;
	v6 =	vadd.s32 v50, v38  }
0x38d: {  	[tilespmem:v3+s18+$0x0] =	vst.idx.msk $0xffff, v2;
	v2 =	vadd.f32 v7, v33  }
0x38e: {  	[tilespmem:v5+s18+$0x0] =	vst.idx.msk $0xffff, v0;
	v0 =	vadd.f32 v13, v33  }
0x38f: {  	[tilespmem:v10+s18+$0x0] =	vst.idx.msk $0xffff, v2;
	v2 =	vadd.f32 v12, v33  }
0x390: {  	[tilespmem:v4+s18+$0x0] =	vst.idx.msk $0xffff, v0  }
0x391: {  	s0 =	sadd.s32 $0x180, s25;
	s31 =	simm.s32 $0x107;
	[tilespmem:v6+s18+$0x0] =	vst.idx.msk $0xffff, v2  }
0x392: {  	[tilespmem:s14], [sflag:$0x2] =	stream.indirect.gather [hbm4b:s3+s12], $0x80, s0, s12, $0xb8;
	[tilespmem:$0x1F480] =	vst v63  }
0x393: {  	s26 =	simm.s32 $0x102;
	v8 =	vmov s31;
	_ =	swait.ge [sflag:s15], $0x4000  }
0x394: {  	s25 =	simm.s32 $0x100;
	s30 =	simm.s32 $0x106;
	v8 =	vshrl.u32 v8, $0x3;
	v3 =	vmov s26;
	[sflag:s15] =	ssyncset.done $0x0  }
0x395: {  	s5 =	simm.s32 $0x104;
	v8 =	vshll.u32 v8, v1;
	v7 =	vmov s30;
	v0 =	vmov s25;
	s25 =	simm.s32 $0x6600;
	[sflag:s15] =	ssyncadd.s32 $0xFFFFC000  }
0x396: {  	s2 =	simm.s32 $0x101;
	v3 =	vshrl.u32 v3, $0x3;
	v39 =	vbroadcast v8, $0x0;
	v5 =	vmov s5;
	v9 =	vld [tilespmem:s25+$0x180]  }
0x397: {  	s28 =	simm.s32 $0x103;
	s29 =	simm.s32 $0x105;
	v7 =	vshrl.u32 v7, $0x3;
	v5 =	vshrl.u32 v5, $0x3;
	v2 =	vmov s2  }
0x398: {  	v4 =	vmov s28;
	v6 =	vmov s29;
	v2 =	vshrl.u32 v2, $0x3  }
0x399: {  	v0 =	vshrl.u32 v0, $0x3;
	v4 =	vshrl.u32 v4, $0x3;
	v2 =	vshll.u32 v2, v1  }
0x39a: {  	v0 =	vshll.u32 v0, v1;
	v43 =	vbroadcast v2, $0x0;
	v2 =	vshll.u32 v5, v1;
	v8 =	vld [tilespmem:s25+$0xFFFFFE00]  }
0x39b: {  	v42 =	vbroadcast v0, $0x0;
	v40 =	vbroadcast v2, $0x0;
	v2 =	vadd.f32 v9, v36;
	v9 =	vld [tilespmem:$0x1FFF0]  }
0x39c: {  	v0 =	vshll.u32 v3, v1;
	v3 =	vshll.u32 v4, v1;
	v5 =	vadd.s32 v31, v39;
	v4 =	vld [tilespmem:s25+$0xFFFFFE80]  }
0x39d: {  	v6 =	vshrl.u32 v6, $0x3;
	v44 =	vbroadcast v0, $0x0;
	v10 =	vadd.s32 v25, v42;
	v11 =	vld [tilespmem:s25+$0xFFFFFF00]  }
0x39e: {  	v0 =	vshll.u32 v6, v1;
	v41 =	vbroadcast v3, $0x0;
	v6 =	vadd.s32 v27, v43;
	v12 =	vld [tilespmem:s25+$0xFFFFFF80]  }
0x39f: {  	v3 =	vshll.u32 v7, v1;
	v7 =	vadd.s32 v23, v44  }
0x3a0: {  	v8 =	vadd.f32 v8, v36;
	v9 =	vadd.s32 v9, v41  }
0x3a1: {  	v37 =	vbroadcast v0, $0x0;
	v0 =	vadd.f32 v4, v36;
	[tilespmem:v5+s18+$0x0] =	vst.idx.msk $0xffff, v2  }
0x3a2: {  	[tilespmem:v10+s18+$0x0] =	vst.idx.msk $0xffff, v8;
	v2 =	vadd.f32 v11, v36  }
0x3a3: {  	v13 =	vld [tilespmem:s25+$0x0];
	[tilespmem:v6+s18+$0x0] =	vst.idx.msk $0xffff, v0;
	v0 =	vadd.f32 v12, v36  }
0x3a4: {  	v14 =	vld [tilespmem:s25+$0x80];
	[tilespmem:v7+s18+$0x0] =	vst.idx.msk $0xffff, v2  }
0x3a5: {  	v15 =	vld [tilespmem:s25+$0x100];
	[tilespmem:v9+s18+$0x0] =	vst.idx.msk $0xffff, v0  }
0x3a6: {  	v38 =	vbroadcast v3, $0x0;
	v4 =	vadd.s32 v58, v40;
	v9 =	vld [tilespmem:$0x1FF00]  }
0x3a7: {  	v3 =	vadd.s32 v54, v37;
	v5 =	vld [tilespmem:s25+$0x190]  }
0x3a8: {  	v6 =	vadd.s32 v53, v38;
	v8 =	vld [tilespmem:s25+$0xFFFFFE10]  }
0x3a9: {  	v11 =	vld [tilespmem:s25+$0xFFFFFE90];
	v2 =	vadd.f32 v13, v36;
	v7 =	vadd.s32 v52, v39  }
0x3aa: {  	v12 =	vadd.s32 v24, v42;
	v13 =	vld [tilespmem:s25+$0xFFFFFF10];
	v0 =	vadd.f32 v14, v36  }
0x3ab: {  	v16 =	vld [tilespmem:s25+$0xFFFFFF90];
	[tilespmem:v4+s18+$0x0] =	vst.idx.msk $0xffff, v2;
	v2 =	vadd.f32 v15, v36;
	v14 =	vadd.s32 v9, v43  }
0x3ac: {  	v15 =	vadd.s32 v63, v44;
	v17 =	vld [tilespmem:s25+$0x10];
	[tilespmem:v3+s18+$0x0] =	vst.idx.msk $0xffff, v0;
	v0 =	vadd.f32 v5, v35  }
0x3ad: {  	v4 =	vadd.s32 v47, v38;
	v3 =	vadd.f32 v8, v35;
	v10 =	vld [tilespmem:s25+$0x90];
	[tilespmem:v6+s18+$0x0] =	vst.idx.msk $0xffff, v2  }
0x3ae: {  	v5 =	vadd.s32 v60, v40;
	v2 =	vadd.f32 v11, v35;
	v6 =	vld [tilespmem:s25+$0x110];
	[tilespmem:v7+s18+$0x0] =	vst.idx.msk $0xffff, v0  }
0x3af: {  	v11 =	vadd.f32 v13, v35;
	[tilespmem:v12+s18+$0x0] =	vst.idx.msk $0xffff, v3;
	v7 =	vadd.s32 v51, v37;
	v8 =	vld [tilespmem:s25+$0x1A0]  }
0x3b0: {  	v3 =	vld [tilespmem:s25+$0xFFFFFE20];
	v9 =	vadd.s32 v29, v41;
	v12 =	vadd.f32 v16, v35;
	[tilespmem:v14+s18+$0x0] =	vst.idx.msk $0xffff, v2  }
0x3b1: {  	v21 =	vmov v57;
	s26 =	simm.s32 $0x0;
	[tilespmem:v15+s18+$0x0] =	vst.idx.msk $0xffff, v11;
	v11 =	vadd.f32 v17, v35;
	v2 =	vadd.s32 v55, v39;
	v0 =	vld [tilespmem:s25+$0xFFFFFEA0]  }
.LBB2_17:
0x3b2: {  	_ =	sdelay $0x2  }
0x3b3: {  	[tilespmem:v9+s18+$0x0] =	vst.idx.msk $0xffff, v12  }
0x3b4: {  	v12 =	vadd.s32 v21, v43;
	v15 =	vld [tilespmem:s25+$0xFFFFFFA0];
	v9 =	vadd.f32 v10, v35  }
0x3b5: {  	[tilespmem:v5+s18+$0x0] =	vst.idx.msk $0xffff, v11  }
0x3b6: {  	v5 =	vadd.f32 v6, v35;
	[tilespmem:v7+s18+$0x0] =	vst.idx.msk $0xffff, v9;
	v9 =	vadd.s32 v22, v41  }
0x3b7: {  	v13 =	vadd.s32 v62, v42;
	v14 =	vld [tilespmem:s25+$0xFFFFFF20];
	v0 =	vadd.f32 v0, v34  }
0x3b8: {  	s0 =	sadd.s32 $0x108, s26;
	v42 =	vadd.s32 v26, v42;
	v16 =	vld [tilespmem:s25+$0x20];
	v7 =	vadd.f32 v8, v34;
	[tilespmem:v4+s18+$0x0] =	vst.idx.msk $0xffff, v5  }
0x3b9: {  	s2 =	sadd.s32 $0x109, s26;
	v11 =	vadd.s32 v20, v44;
	v10 =	vmov s0;
	[tilespmem:v12+s18+$0x0] =	vst.idx.msk $0xffff, v0;
	v17 =	vld [tilespmem:s25+$0xA0];
	v0 =	vadd.f32 v15, v34  }
0x3ba: {  	s5 =	sadd.s32 $0x10A, s26;
	v6 =	vmov s2;
	v3 =	vadd.f32 v3, v34;
	v10 =	vshrl.u32 v10, $0x3;
	v18 =	vld [tilespmem:s25+$0x120];
	[tilespmem:v2+s18+$0x0] =	vst.idx.msk $0xffff, v7  }
0x3bb: {  	s11 =	sadd.s32 $0x10B, s26;
	v6 =	vshrl.u32 v6, $0x3;
	v8 =	vmov s5;
	v5 =	vadd.s32 v59, v40;
	[tilespmem:v9+s18+$0x0] =	vst.idx.msk $0xffff, v0;
	v9 =	vld [tilespmem:$0x1FEF0]  }
0x3bc: {  	s29 =	sadd.s32 $0x10D, s26;
	v4 =	vmov s11;
	[tilespmem:v13+s18+$0x0] =	vst.idx.msk $0xffff, v3;
	v3 =	vadd.f32 v14, v34;
	v7 =	vadd.s32 v56, v37;
	v13 =	vld [tilespmem:s25+$0x1B0]  }
0x3bd: {  	v14 =	vmov s29;
	v12 =	vadd.s32 v49, v38;
	v10 =	vshll.u32 v10, v1;
	v19 =	vld [tilespmem:s25+$0xFFFFFE30]  }
0x3be: {  	v20 =	vld [tilespmem:s25+$0xFFFFFEB0];
	v4 =	vshrl.u32 v4, $0x3;
	[tilespmem:v11+s18+$0x0] =	vst.idx.msk $0xffff, v3;
	v3 =	vadd.f32 v16, v34;
	v11 =	vadd.s32 v28, v39  }
0x3bf: {  	s30 =	sadd.s32 $0x10E, s26;
	v57 =	vmovc v21;
	v6 =	vshll.u32 v6, v1;
	v4 =	vshll.u32 v4, v1;
	v21 =	vld [tilespmem:s25+$0xFFFFFF30];
	v0 =	vadd.f32 v17, v34  }
0x3c0: {  	v15 =	vmov s30;
	[tilespmem:v5+s18+$0x0] =	vst.idx.msk $0xffff, v3;
	v3 =	vadd.f32 v18, v34;
	v9 =	vadd.s32 v9, v43;
	v43 =	vld [tilespmem:s25+$0xFFFFFFB0]  }
0x3c1: {  	s28 =	sadd.s32 $0x10C, s26;
	v5 =	vshrl.u32 v8, $0x3;
	v8 =	vadd.s32 v61, v44;
	v18 =	vld [tilespmem:s25+$0x30];
	[tilespmem:v7+s18+$0x0] =	vst.idx.msk $0xffff, v0;
	v0 =	vadd.f32 v13, v33  }
0x3c2: {  	v2 =	vmov s28;
	v7 =	vadd.f32 v19, v33;
	v13 =	vadd.s32 v45, v41;
	[tilespmem:v12+s18+$0x0] =	vst.idx.msk $0xffff, v3;
	v19 =	vld [tilespmem:s25+$0xB0]  }
0x3c3: {  	s31 =	sadd.s32 $0x10F, s26;
	v3 =	vadd.f32 v20, v33;
	v12 =	vadd.s32 v32, v40;
	v20 =	vld [tilespmem:s25+$0x130];
	[tilespmem:v11+s18+$0x0] =	vst.idx.msk $0xffff, v0;
	v0 =	vshrl.u32 v14, $0x3  }
0x3c4: {  	[tilespmem:v42+s18+$0x0] =	vst.idx.msk $0xffff, v7;
	v7 =	vadd.f32 v21, v33;
	v11 =	vadd.s32 v48, v37;
	v14 =	vmov s31  }
0x3c5: {  	v14 =	vshrl.u32 v14, $0x3;
	[tilespmem:v9+s18+$0x0] =	vst.idx.msk $0xffff, v3;
	v3 =	vadd.f32 v43, v33;
	v9 =	vadd.s32 v50, v38  }
0x3c6: {  	v2 =	vshrl.u32 v2, $0x3;
	s25 =	sadd.s32 $0x400, s25;
	[tilespmem:v8+s18+$0x0] =	vst.idx.msk $0xffff, v7;
	v7 =	vadd.f32 v18, v33;
	v14 =	vshll.u32 v14, v1  }
0x3c7: {  	v2 =	vshll.u32 v2, v1;
	v39 =	vbroadcast v14, $0x0;
	[tilespmem:v13+s18+$0x0] =	vst.idx.msk $0xffff, v3;
	v3 =	vadd.f32 v19, v33;
	v13 =	vld [tilespmem:s25+$0x180]  }
0x3c8: {  	v5 =	vshll.u32 v5, v1;
	v42 =	vbroadcast v10, $0x0;
	[tilespmem:v12+s18+$0x0] =	vst.idx.msk $0xffff, v7;
	v7 =	vadd.f32 v20, v33;
	v12 =	vld [tilespmem:s25+$0xFFFFFE00]  }
0x3c9: {  	v44 =	vbroadcast v5, $0x0;
	v43 =	vbroadcast v6, $0x0;
	v6 =	vadd.s32 v31, v39;
	[tilespmem:v11+s18+$0x0] =	vst.idx.msk $0xffff, v3;
	v3 =	vld [tilespmem:s25+$0xFFFFFE80]  }
0x3ca: {  	v41 =	vbroadcast v4, $0x0;
	v40 =	vbroadcast v2, $0x0;
	[tilespmem:v9+s18+$0x0] =	vst.idx.msk $0xffff, v7;
	v7 =	vadd.s32 v25, v42;
	v9 =	vld [tilespmem:s25+$0xFFFFFF00]  }
0x3cb: {  	v0 =	vshll.u32 v0, v1;
	v8 =	vshrl.u32 v15, $0x3;
	v5 =	vadd.s32 v27, v43;
	v11 =	vld [tilespmem:s25+$0x0]  }
0x3cc: {  	v4 =	vshll.u32 v8, v1;
	v8 =	vadd.s32 v23, v44;
	v2 =	vadd.f32 v13, v36;
	v13 =	vld [tilespmem:$0x1FFF0]  }
0x3cd: {  	v37 =	vbroadcast v0, $0x0;
	v10 =	vld [tilespmem:s25+$0xFFFFFF80];
	v12 =	vadd.f32 v12, v36  }
0x3ce: {  	v38 =	vbroadcast v4, $0x0;
	v15 =	vld [tilespmem:s25+$0x100];
	v0 =	vadd.f32 v3, v36;
	v3 =	vadd.s32 v58, v40;
	[tilespmem:v6+s18+$0x0] =	vst.idx.msk $0xffff, v2  }
0x3cf: {  	v14 =	vld [tilespmem:s25+$0x80];
	[tilespmem:v7+s18+$0x0] =	vst.idx.msk $0xffff, v12;
	v2 =	vadd.f32 v9, v36  }
0x3d0: {  	v7 =	vld [tilespmem:s25+$0xFFFFFE10];
	[tilespmem:v5+s18+$0x0] =	vst.idx.msk $0xffff, v0;
	v5 =	vadd.s32 v53, v38  }
0x3d1: {  	v9 =	vld [tilespmem:$0x1FF00];
	v13 =	vadd.s32 v13, v41;
	[tilespmem:v8+s18+$0x0] =	vst.idx.msk $0xffff, v2;
	v2 =	vadd.f32 v11, v36  }
0x3d2: {  	v11 =	vadd.s32 v24, v42;
	v16 =	vld [tilespmem:s25+$0xFFFFFF10]  }
0x3d3: {  	v4 =	vadd.s32 v54, v37;
	v6 =	vld [tilespmem:s25+$0x190];
	[tilespmem:v3+s18+$0x0] =	vst.idx.msk $0xffff, v2;
	v2 =	vadd.f32 v15, v36  }
0x3d4: {  	v0 =	vadd.f32 v10, v36;
	v12 =	vld [tilespmem:s25+$0xFFFFFE90];
	v15 =	vadd.s32 v63, v44  }
0x3d5: {  	v8 =	vadd.s32 v52, v39;
	v3 =	vadd.f32 v7, v35;
	[tilespmem:v5+s18+$0x0] =	vst.idx.msk $0xffff, v2  }
0x3d6: {  	s26 =	sadd.s32 $0x8, s26;
	v46 =	vld [tilespmem:s25+$0x10];
	[tilespmem:v13+s18+$0x0] =	vst.idx.msk $0xffff, v0;
	v0 =	vadd.f32 v14, v36;
	v13 =	vadd.s32 v9, v43  }
0x3d7: {  	p0 =	slt.u32 s26, $0x78;
	v14 =	vld [tilespmem:s25+$0xFFFFFF90];
	[tilespmem:v11+s18+$0x0] =	vst.idx.msk $0xffff, v3;
	v11 =	vadd.f32 v16, v35  }
.Ltmp7:
0x3d8: {  	[tilespmem:v4+s18+$0x0] =	vst.idx.msk $0xffff, v0;
	v0 =	vadd.f32 v6, v35;
	v6 =	vld [tilespmem:s25+$0x110];
	(pc) =	sbr.rel @p0 .LBB2_17-.Ltmp7, $4  }
0x3d9: {  	v2 =	vadd.f32 v12, v35;
	v3 =	vld [tilespmem:s25+$0xFFFFFE20];
	[tilespmem:v15+s18+$0x0] =	vst.idx.msk $0xffff, v11  }
0x3da: {  	v5 =	vadd.s32 v60, v40;
	v7 =	vadd.s32 v51, v37;
	v10 =	vld [tilespmem:s25+$0x90];
	[tilespmem:v8+s18+$0x0] =	vst.idx.msk $0xffff, v0  }
0x3db: {  	v21 =	vmov v57;
	v9 =	vadd.s32 v29, v41;
	v4 =	vadd.s32 v47, v38;
	v8 =	vld [tilespmem:s25+$0x1A0];
	[tilespmem:v13+s18+$0x0] =	vst.idx.msk $0xffff, v2  }
0x3dc: {  	v20 =	vmovc v30;
	v11 =	vadd.f32 v46, v35;
	v2 =	vadd.s32 v55, v39;
	v12 =	vadd.f32 v14, v35;
	v0 =	vld [tilespmem:s25+$0xFFFFFEA0]  }
0x3dd: {  	_ =	sdelay $0x3  }
0x3de: {  	v13 =	vadd.s32 v62, v42;
	[tilespmem:v9+s18+$0x0] =	vst.idx.msk $0xffff, v12  }
0x3df: {  	v14 =	vld [tilespmem:s25+$0xFFFFFF20];
	[tilespmem:v5+s18+$0x0] =	vst.idx.msk $0xffff, v11;
	v5 =	vadd.f32 v6, v35  }
0x3e0: {  	v9 =	vadd.f32 v10, v35;
	v10 =	vadd.s32 v21, v43;
	v12 =	vld [tilespmem:s25+$0xFFFFFFA0]  }
0x3e1: {  	v6 =	vadd.s32 v20, v44;
	v3 =	vadd.f32 v3, v34;
	[tilespmem:v4+s18+$0x0] =	vst.idx.msk $0xffff, v5  }
0x3e2: {  	[tilespmem:v7+s18+$0x0] =	vst.idx.msk $0xffff, v9;
	v7 =	vadd.f32 v8, v34;
	v8 =	vadd.s32 v22, v41  }
0x3e3: {  	v11 =	vld [tilespmem:s25+$0x20];
	v0 =	vadd.f32 v0, v34;
	[tilespmem:v13+s18+$0x0] =	vst.idx.msk $0xffff, v3  }
0x3e4: {  	v5 =	vld [tilespmem:s25+$0x120];
	[tilespmem:v2+s18+$0x0] =	vst.idx.msk $0xffff, v7;
	v2 =	vadd.f32 v14, v34  }
0x3e5: {  	v9 =	vld [tilespmem:s25+$0xA0];
	[tilespmem:v10+s18+$0x0] =	vst.idx.msk $0xffff, v0;
	v0 =	vadd.f32 v12, v34  }
0x3e6: {  	v4 =	vadd.s32 v59, v40;
	v13 =	vld [tilespmem:s25+$0xFFFFFE30];
	[tilespmem:v6+s18+$0x0] =	vst.idx.msk $0xffff, v2  }
0x3e7: {  	v3 =	vadd.s32 v56, v37;
	v7 =	vld [tilespmem:s25+$0x1B0];
	[tilespmem:v8+s18+$0x0] =	vst.idx.msk $0xffff, v0  }
0x3e8: {  	v10 =	vadd.s32 v49, v38;
	v8 =	vld [tilespmem:$0x1FEF0]  }
0x3e9: {  	v12 =	vld [tilespmem:s25+$0xFFFFFEB0];
	v2 =	vadd.f32 v11, v34  }
0x3ea: {  	v6 =	vadd.s32 v28, v39;
	v14 =	vld [tilespmem:s25+$0xFFFFFF30];
	v0 =	vadd.f32 v9, v34  }
0x3eb: {  	v11 =	vadd.s32 v26, v42;
	[tilespmem:v4+s18+$0x0] =	vst.idx.msk $0xffff, v2;
	v2 =	vadd.f32 v5, v34  }
0x3ec: {  	v4 =	vadd.s32 v61, v44;
	v5 =	vld [tilespmem:s25+$0x30];
	[tilespmem:v3+s18+$0x0] =	vst.idx.msk $0xffff, v0  }
0x3ed: {  	v9 =	vld [tilespmem:s25+$0xFFFFFFB0];
	v0 =	vadd.f32 v7, v33;
	[tilespmem:v10+s18+$0x0] =	vst.idx.msk $0xffff, v2;
	v8 =	vadd.s32 v8, v43  }
0x3ee: {  	v3 =	vadd.f32 v13, v33;
	v10 =	vadd.s32 v32, v40;
	v2 =	vadd.f32 v12, v33;
	v12 =	vld [tilespmem:s25+$0x130]  }
0x3ef: {  	v7 =	vadd.s32 v45, v41;
	v13 =	vld [tilespmem:s25+$0xB0];
	[tilespmem:v6+s18+$0x0] =	vst.idx.msk $0xffff, v0;
	v0 =	vadd.f32 v14, v33  }
0x3f0: {  	[tilespmem:v11+s18+$0x0] =	vst.idx.msk $0xffff, v3;
	v6 =	vadd.s32 v50, v38  }
0x3f1: {  	v3 =	vadd.s32 v48, v37;
	[tilespmem:v4+s18+$0x0] =	vst.idx.msk $0xffff, v0;
	v0 =	vadd.f32 v5, v33  }
0x3f2: {  	[tilespmem:v8+s18+$0x0] =	vst.idx.msk $0xffff, v2;
	v2 =	vadd.f32 v9, v33  }
0x3f3: {  	[tilespmem:v10+s18+$0x0] =	vst.idx.msk $0xffff, v0;
	v0 =	vadd.f32 v12, v33  }
0x3f4: {  	s0 =	sadd.s32 $0x2, s23;
	p0 =	seq.s32 s22, $0x18;
	[tilespmem:v7+s18+$0x0] =	vst.idx.msk $0xffff, v2;
	v2 =	vadd.f32 v13, v33  }
0x3f5: {  	s28 =	simm.s32 $0x183;
	s0 =	sshll.u32 @!p0 s0, $0x9;
	[tilespmem:v6+s18+$0x0] =	vst.idx.msk $0xffff, v0  }
0x3f6: {  	s2 =	simm.s32 @!p0 $0x6400;
	s23 =	sand.u32 @!p0 $0x3FFFFE00, s0;
	s0 =	simm.s32 @!p0 $0x80;
	[tilespmem:v3+s18+$0x0] =	vst.idx.msk $0xffff, v2  }
0x3f7: {  	[tilespmem:s2], [sflag:$0x1] =	stream.indirect.gather @!p0 [hbm4b:s3+s0], $0x80, s23, s0, $0xb8;
	[tilespmem:$0x1F480] =	vst v63  }
0x3f8: {  	s11 =	simm.s32 $0x180;
	s5 =	simm.s32 $0x184;
	v4 =	vmov s28;
	_ =	swait.ge [sflag:s17], $0x4000  }
0x3f9: {  	s29 =	simm.s32 $0x185;
	s25 =	simm.s32 $0x181;
	v5 =	vmov s5;
	v4 =	vshrl.u32 v4, $0x3;
	[sflag:s17] =	ssyncset.done $0x0  }
0x3fa: {  	s31 =	simm.s32 $0x187;
	v5 =	vshrl.u32 v5, $0x3;
	v0 =	vmov s11;
	v2 =	vmov s25;
	s25 =	simm.s32 $0xA600;
	[sflag:s17] =	ssyncadd.s32 $0xFFFFC000  }
0x3fb: {  	s30 =	simm.s32 $0x186;
	v6 =	vmov s29;
	v8 =	vmov s31;
	v0 =	vshrl.u32 v0, $0x3;
	v9 =	vld [tilespmem:s25+$0x180]  }
0x3fc: {  	v8 =	vshrl.u32 v8, $0x3;
	v6 =	vshrl.u32 v6, $0x3;
	v7 =	vmov s30  }
0x3fd: {  	v0 =	vshll.u32 v0, v1;
	v8 =	vshll.u32 v8, v1;
	v2 =	vshrl.u32 v2, $0x3  }
0x3fe: {  	s26 =	simm.s32 $0x182;
	v39 =	vbroadcast v8, $0x0;
	v42 =	vbroadcast v0, $0x0;
	v2 =	vshll.u32 v2, v1  }
0x3ff: {  	v3 =	vmov s26;
	v43 =	vbroadcast v2, $0x0;
	v2 =	vshll.u32 v5, v1;
	v8 =	vld [tilespmem:s25+$0xFFFFFE00]  }
0x400: {  	v3 =	vshrl.u32 v3, $0x3;
	v40 =	vbroadcast v2, $0x0;
	v2 =	vadd.f32 v9, v36;
	v9 =	vld [tilespmem:$0x1FFF0]  }
0x401: {  	v0 =	vshll.u32 v3, v1;
	v3 =	vshll.u32 v4, v1;
	v5 =	vadd.s32 v31, v39;
	v4 =	vld [tilespmem:s25+$0xFFFFFE80]  }
0x402: {  	v7 =	vshrl.u32 v7, $0x3;
	v10 =	vadd.s32 v25, v42;
	v44 =	vbroadcast v0, $0x0;
	v11 =	vld [tilespmem:s25+$0xFFFFFF00]  }
0x403: {  	v0 =	vshll.u32 v6, v1;
	v41 =	vbroadcast v3, $0x0;
	v6 =	vadd.s32 v27, v43;
	v12 =	vld [tilespmem:s25+$0xFFFFFF80]  }
0x404: {  	v3 =	vshll.u32 v7, v1;
	v7 =	vadd.s32 v23, v44  }
0x405: {  	v8 =	vadd.f32 v8, v36;
	v9 =	vadd.s32 v9, v41  }
0x406: {  	v37 =	vbroadcast v0, $0x0;
	v0 =	vadd.f32 v4, v36;
	[tilespmem:v5+s18+$0x0] =	vst.idx.msk $0xffff, v2  }
0x407: {  	[tilespmem:v10+s18+$0x0] =	vst.idx.msk $0xffff, v8;
	v2 =	vadd.f32 v11, v36  }
0x408: {  	v13 =	vld [tilespmem:s25+$0x0];
	[tilespmem:v6+s18+$0x0] =	vst.idx.msk $0xffff, v0;
	v0 =	vadd.f32 v12, v36  }
0x409: {  	v14 =	vld [tilespmem:s25+$0x80];
	[tilespmem:v7+s18+$0x0] =	vst.idx.msk $0xffff, v2  }
0x40a: {  	v15 =	vld [tilespmem:s25+$0x100];
	[tilespmem:v9+s18+$0x0] =	vst.idx.msk $0xffff, v0  }
0x40b: {  	v38 =	vbroadcast v3, $0x0;
	v4 =	vadd.s32 v58, v40;
	v9 =	vld [tilespmem:$0x1FF00]  }
0x40c: {  	v3 =	vadd.s32 v54, v37;
	v5 =	vld [tilespmem:s25+$0x190]  }
0x40d: {  	v6 =	vadd.s32 v53, v38;
	v8 =	vld [tilespmem:s25+$0xFFFFFE10]  }
0x40e: {  	v11 =	vld [tilespmem:s25+$0xFFFFFE90];
	v2 =	vadd.f32 v13, v36;
	v7 =	vadd.s32 v52, v39  }
0x40f: {  	v12 =	vadd.s32 v24, v42;
	v13 =	vld [tilespmem:s25+$0xFFFFFF10];
	v0 =	vadd.f32 v14, v36  }
0x410: {  	v16 =	vld [tilespmem:s25+$0xFFFFFF90];
	[tilespmem:v4+s18+$0x0] =	vst.idx.msk $0xffff, v2;
	v2 =	vadd.f32 v15, v36;
	v14 =	vadd.s32 v9, v43  }
0x411: {  	v15 =	vadd.s32 v63, v44;
	v17 =	vld [tilespmem:s25+$0x10];
	[tilespmem:v3+s18+$0x0] =	vst.idx.msk $0xffff, v0;
	v0 =	vadd.f32 v5, v35  }
0x412: {  	v4 =	vadd.s32 v47, v38;
	v3 =	vadd.f32 v8, v35;
	v10 =	vld [tilespmem:s25+$0x90];
	[tilespmem:v6+s18+$0x0] =	vst.idx.msk $0xffff, v2  }
0x413: {  	v5 =	vadd.s32 v60, v40;
	v2 =	vadd.f32 v11, v35;
	v6 =	vld [tilespmem:s25+$0x110];
	[tilespmem:v7+s18+$0x0] =	vst.idx.msk $0xffff, v0  }
0x414: {  	v11 =	vadd.f32 v13, v35;
	[tilespmem:v12+s18+$0x0] =	vst.idx.msk $0xffff, v3;
	v7 =	vadd.s32 v51, v37;
	v8 =	vld [tilespmem:s25+$0x1A0]  }
0x415: {  	v3 =	vld [tilespmem:s25+$0xFFFFFE20];
	v9 =	vadd.s32 v29, v41;
	v12 =	vadd.f32 v16, v35;
	[tilespmem:v14+s18+$0x0] =	vst.idx.msk $0xffff, v2  }
0x416: {  	s26 =	simm.s32 $0x0;
	[tilespmem:v15+s18+$0x0] =	vst.idx.msk $0xffff, v11;
	v11 =	vadd.f32 v17, v35;
	v2 =	vadd.s32 v55, v39;
	v0 =	vld [tilespmem:s25+$0xFFFFFEA0]  }
.LBB2_19:
0x417: {  	_ =	sdelay $0x2  }
0x418: {  	[tilespmem:v9+s18+$0x0] =	vst.idx.msk $0xffff, v12  }
0x419: {  	v12 =	vadd.s32 v21, v43;
	v15 =	vld [tilespmem:s25+$0xFFFFFFA0];
	v9 =	vadd.f32 v10, v35  }
0x41a: {  	[tilespmem:v5+s18+$0x0] =	vst.idx.msk $0xffff, v11  }
0x41b: {  	v5 =	vadd.f32 v6, v35;
	[tilespmem:v7+s18+$0x0] =	vst.idx.msk $0xffff, v9;
	v9 =	vadd.s32 v22, v41  }
0x41c: {  	v13 =	vadd.s32 v62, v42;
	v14 =	vld [tilespmem:s25+$0xFFFFFF20];
	v0 =	vadd.f32 v0, v34  }
0x41d: {  	s0 =	sadd.s32 $0x188, s26;
	v42 =	vadd.s32 v26, v42;
	v16 =	vld [tilespmem:s25+$0x20];
	v7 =	vadd.f32 v8, v34;
	[tilespmem:v4+s18+$0x0] =	vst.idx.msk $0xffff, v5  }
0x41e: {  	s2 =	sadd.s32 $0x189, s26;
	v11 =	vadd.s32 v20, v44;
	v10 =	vmov s0;
	[tilespmem:v12+s18+$0x0] =	vst.idx.msk $0xffff, v0;
	v17 =	vld [tilespmem:s25+$0xA0];
	v0 =	vadd.f32 v15, v34  }
0x41f: {  	s5 =	sadd.s32 $0x18A, s26;
	v6 =	vmov s2;
	v3 =	vadd.f32 v3, v34;
	v10 =	vshrl.u32 v10, $0x3;
	v18 =	vld [tilespmem:s25+$0x120];
	[tilespmem:v2+s18+$0x0] =	vst.idx.msk $0xffff, v7  }
0x420: {  	s11 =	sadd.s32 $0x18B, s26;
	v6 =	vshrl.u32 v6, $0x3;
	v8 =	vmov s5;
	v5 =	vadd.s32 v59, v40;
	[tilespmem:v9+s18+$0x0] =	vst.idx.msk $0xffff, v0;
	v9 =	vld [tilespmem:$0x1FEF0]  }
0x421: {  	s29 =	sadd.s32 $0x18D, s26;
	v4 =	vmov s11;
	[tilespmem:v13+s18+$0x0] =	vst.idx.msk $0xffff, v3;
	v3 =	vadd.f32 v14, v34;
	v7 =	vadd.s32 v56, v37;
	v13 =	vld [tilespmem:s25+$0x1B0]  }
0x422: {  	v14 =	vmov s29;
	v12 =	vadd.s32 v49, v38;
	v10 =	vshll.u32 v10, v1;
	v19 =	vld [tilespmem:s25+$0xFFFFFE30]  }
0x423: {  	v20 =	vld [tilespmem:s25+$0xFFFFFEB0];
	v4 =	vshrl.u32 v4, $0x3;
	[tilespmem:v11+s18+$0x0] =	vst.idx.msk $0xffff, v3;
	v3 =	vadd.f32 v16, v34;
	v11 =	vadd.s32 v28, v39  }
0x424: {  	s30 =	sadd.s32 $0x18E, s26;
	v6 =	vshll.u32 v6, v1;
	v4 =	vshll.u32 v4, v1;
	v21 =	vld [tilespmem:s25+$0xFFFFFF30];
	v0 =	vadd.f32 v17, v34  }
0x425: {  	v15 =	vmov s30;
	[tilespmem:v5+s18+$0x0] =	vst.idx.msk $0xffff, v3;
	v3 =	vadd.f32 v18, v34;
	v9 =	vadd.s32 v9, v43;
	v43 =	vld [tilespmem:s25+$0xFFFFFFB0]  }
0x426: {  	s28 =	sadd.s32 $0x18C, s26;
	v5 =	vshrl.u32 v8, $0x3;
	v8 =	vadd.s32 v61, v44;
	v18 =	vld [tilespmem:s25+$0x30];
	[tilespmem:v7+s18+$0x0] =	vst.idx.msk $0xffff, v0;
	v0 =	vadd.f32 v13, v33  }
0x427: {  	v2 =	vmov s28;
	v7 =	vadd.f32 v19, v33;
	v13 =	vadd.s32 v45, v41;
	[tilespmem:v12+s18+$0x0] =	vst.idx.msk $0xffff, v3;
	v19 =	vld [tilespmem:s25+$0xB0]  }
0x428: {  	s31 =	sadd.s32 $0x18F, s26;
	v3 =	vadd.f32 v20, v33;
	v12 =	vadd.s32 v32, v40;
	v20 =	vld [tilespmem:s25+$0x130];
	[tilespmem:v11+s18+$0x0] =	vst.idx.msk $0xffff, v0;
	v0 =	vshrl.u32 v14, $0x3  }
0x429: {  	[tilespmem:v42+s18+$0x0] =	vst.idx.msk $0xffff, v7;
	v7 =	vadd.f32 v21, v33;
	v11 =	vadd.s32 v48, v37;
	v14 =	vmov s31  }
0x42a: {  	v14 =	vshrl.u32 v14, $0x3;
	[tilespmem:v9+s18+$0x0] =	vst.idx.msk $0xffff, v3;
	v3 =	vadd.f32 v43, v33;
	v9 =	vadd.s32 v50, v38  }
0x42b: {  	v2 =	vshrl.u32 v2, $0x3;
	s25 =	sadd.s32 $0x400, s25;
	[tilespmem:v8+s18+$0x0] =	vst.idx.msk $0xffff, v7;
	v7 =	vadd.f32 v18, v33;
	v14 =	vshll.u32 v14, v1  }
0x42c: {  	v2 =	vshll.u32 v2, v1;
	v39 =	vbroadcast v14, $0x0;
	[tilespmem:v13+s18+$0x0] =	vst.idx.msk $0xffff, v3;
	v3 =	vadd.f32 v19, v33;
	v13 =	vld [tilespmem:s25+$0x180]  }
0x42d: {  	v5 =	vshll.u32 v5, v1;
	v42 =	vbroadcast v10, $0x0;
	[tilespmem:v12+s18+$0x0] =	vst.idx.msk $0xffff, v7;
	v7 =	vadd.f32 v20, v33;
	v12 =	vld [tilespmem:s25+$0xFFFFFE00]  }
0x42e: {  	v44 =	vbroadcast v5, $0x0;
	v43 =	vbroadcast v6, $0x0;
	v6 =	vadd.s32 v31, v39;
	[tilespmem:v11+s18+$0x0] =	vst.idx.msk $0xffff, v3;
	v3 =	vld [tilespmem:s25+$0xFFFFFE80]  }
0x42f: {  	v41 =	vbroadcast v4, $0x0;
	v40 =	vbroadcast v2, $0x0;
	[tilespmem:v9+s18+$0x0] =	vst.idx.msk $0xffff, v7;
	v7 =	vadd.s32 v25, v42;
	v9 =	vld [tilespmem:s25+$0xFFFFFF00]  }
0x430: {  	v0 =	vshll.u32 v0, v1;
	v8 =	vshrl.u32 v15, $0x3;
	v5 =	vadd.s32 v27, v43;
	v11 =	vld [tilespmem:s25+$0x0]  }
0x431: {  	v4 =	vshll.u32 v8, v1;
	v8 =	vadd.s32 v23, v44;
	v2 =	vadd.f32 v13, v36;
	v13 =	vld [tilespmem:$0x1FFF0]  }
0x432: {  	v37 =	vbroadcast v0, $0x0;
	v10 =	vld [tilespmem:s25+$0xFFFFFF80];
	v12 =	vadd.f32 v12, v36  }
0x433: {  	v38 =	vbroadcast v4, $0x0;
	v15 =	vld [tilespmem:s25+$0x100];
	v0 =	vadd.f32 v3, v36;
	v3 =	vadd.s32 v58, v40;
	[tilespmem:v6+s18+$0x0] =	vst.idx.msk $0xffff, v2  }
0x434: {  	v14 =	vld [tilespmem:s25+$0x80];
	[tilespmem:v7+s18+$0x0] =	vst.idx.msk $0xffff, v12;
	v2 =	vadd.f32 v9, v36  }
0x435: {  	v7 =	vld [tilespmem:s25+$0xFFFFFE10];
	[tilespmem:v5+s18+$0x0] =	vst.idx.msk $0xffff, v0;
	v5 =	vadd.s32 v53, v38  }
0x436: {  	v9 =	vld [tilespmem:$0x1FF00];
	v13 =	vadd.s32 v13, v41;
	[tilespmem:v8+s18+$0x0] =	vst.idx.msk $0xffff, v2;
	v2 =	vadd.f32 v11, v36  }
0x437: {  	v11 =	vadd.s32 v24, v42;
	v16 =	vld [tilespmem:s25+$0xFFFFFF10]  }
0x438: {  	v4 =	vadd.s32 v54, v37;
	v6 =	vld [tilespmem:s25+$0x190];
	[tilespmem:v3+s18+$0x0] =	vst.idx.msk $0xffff, v2;
	v2 =	vadd.f32 v15, v36  }
0x439: {  	v0 =	vadd.f32 v10, v36;
	v12 =	vld [tilespmem:s25+$0xFFFFFE90];
	v15 =	vadd.s32 v63, v44  }
0x43a: {  	v8 =	vadd.s32 v52, v39;
	v3 =	vadd.f32 v7, v35;
	[tilespmem:v5+s18+$0x0] =	vst.idx.msk $0xffff, v2  }
0x43b: {  	s26 =	sadd.s32 $0x8, s26;
	v46 =	vld [tilespmem:s25+$0x10];
	[tilespmem:v13+s18+$0x0] =	vst.idx.msk $0xffff, v0;
	v0 =	vadd.f32 v14, v36;
	v13 =	vadd.s32 v9, v43  }
0x43c: {  	p1 =	slt.u32 s26, $0x78;
	v14 =	vld [tilespmem:s25+$0xFFFFFF90];
	[tilespmem:v11+s18+$0x0] =	vst.idx.msk $0xffff, v3;
	v11 =	vadd.f32 v16, v35  }
.Ltmp8:
0x43d: {  	[tilespmem:v4+s18+$0x0] =	vst.idx.msk $0xffff, v0;
	v0 =	vadd.f32 v6, v35;
	v6 =	vld [tilespmem:s25+$0x110];
	(pc) =	sbr.rel @p1 .LBB2_19-.Ltmp8, $4  }
0x43e: {  	v2 =	vadd.f32 v12, v35;
	v3 =	vld [tilespmem:s25+$0xFFFFFE20];
	[tilespmem:v15+s18+$0x0] =	vst.idx.msk $0xffff, v11  }
0x43f: {  	v5 =	vadd.s32 v60, v40;
	v7 =	vadd.s32 v51, v37;
	v10 =	vld [tilespmem:s25+$0x90];
	[tilespmem:v8+s18+$0x0] =	vst.idx.msk $0xffff, v0  }
0x440: {  	v21 =	vmov v57;
	v9 =	vadd.s32 v29, v41;
	v4 =	vadd.s32 v47, v38;
	v8 =	vld [tilespmem:s25+$0x1A0];
	[tilespmem:v13+s18+$0x0] =	vst.idx.msk $0xffff, v2  }
0x441: {  	v20 =	vmovc v30;
	v11 =	vadd.f32 v46, v35;
	v2 =	vadd.s32 v55, v39;
	v12 =	vadd.f32 v14, v35;
	v0 =	vld [tilespmem:s25+$0xFFFFFEA0]  }
0x442: {  	_ =	sdelay $0x1  }
0x443: {  	v30 =	vmov v31;
	v31 =	vld [tilespmem:$0x1FFF0]  }
0x444: {  	v57 =	vld [tilespmem:$0x1FF00]  }
0x445: {  	v13 =	vadd.s32 v62, v42;
	v14 =	vld [tilespmem:s25+$0xFFFFFF20];
	[tilespmem:v9+s18+$0x0] =	vst.idx.msk $0xffff, v12;
	v54 =	vadd.f32 v10, v35  }
0x446: {  	v55 =	vadd.s32 v21, v43;
	[tilespmem:v5+s18+$0x0] =	vst.idx.msk $0xffff, v11;
	v12 =	vld [tilespmem:s25+$0xFFFFFFA0];
	v35 =	vadd.f32 v6, v35  }
0x447: {  	v36 =	vadd.s32 v20, v44;
	v46 =	vadd.f32 v8, v34;
	[tilespmem:v7+s18+$0x0] =	vst.idx.msk $0xffff, v54  }
0x448: {  	v52 =	vadd.s32 v22, v41;
	v3 =	vadd.f32 v3, v34;
	[tilespmem:v4+s18+$0x0] =	vst.idx.msk $0xffff, v35  }
0x449: {  	v11 =	vld [tilespmem:s25+$0x20];
	v0 =	vadd.f32 v0, v34;
	[tilespmem:v2+s18+$0x0] =	vst.idx.msk $0xffff, v46  }
0x44a: {  	v9 =	vld [tilespmem:s25+$0xA0];
	[tilespmem:v13+s18+$0x0] =	vst.idx.msk $0xffff, v3;
	v2 =	vadd.f32 v14, v34  }
0x44b: {  	v5 =	vld [tilespmem:s25+$0x120];
	[tilespmem:v55+s18+$0x0] =	vst.idx.msk $0xffff, v0;
	v0 =	vadd.f32 v12, v34  }
0x44c: {  	v54 =	vadd.s32 v59, v40;
	v7 =	vld [tilespmem:s25+$0x1B0];
	[tilespmem:v36+s18+$0x0] =	vst.idx.msk $0xffff, v2  }
0x44d: {  	v3 =	vadd.s32 v56, v37;
	v13 =	vld [tilespmem:s25+$0xFFFFFE30];
	[tilespmem:v52+s18+$0x0] =	vst.idx.msk $0xffff, v0  }
0x44e: {  	v35 =	vadd.s32 v28, v39;
	v55 =	vadd.s32 v49, v38;
	v28 =	vld [tilespmem:$0x1FEF0]  }
0x44f: {  	v21 =	vmov v22;
	v22 =	vmov v56;
	v56 =	vld [tilespmem:s25+$0xFFFFFEB0];
	v2 =	vadd.f32 v11, v34  }
0x450: {  	v39 =	vld [tilespmem:s25+$0xFFFFFF30];
	v0 =	vadd.f32 v9, v34  }
0x451: {  	v36 =	vadd.s32 v26, v42;
	[tilespmem:v54+s18+$0x0] =	vst.idx.msk $0xffff, v2;
	v2 =	vadd.f32 v5, v34  }
0x452: {  	v59 =	vmov v49;
	v46 =	vadd.s32 v61, v44;
	v49 =	vld [tilespmem:s25+$0x30];
	[tilespmem:v3+s18+$0x0] =	vst.idx.msk $0xffff, v0  }
0x453: {  	v0 =	vadd.f32 v7, v33;
	[tilespmem:v55+s18+$0x0] =	vst.idx.msk $0xffff, v2;
	v42 =	vadd.s32 v28, v43;
	v43 =	vld [tilespmem:s25+$0xFFFFFFB0]  }
0x454: {  	v3 =	vadd.f32 v13, v33;
	v2 =	vadd.f32 v56, v33;
	v55 =	vadd.s32 v32, v40;
	v56 =	vld [tilespmem:s25+$0x130]  }
0x455: {  	v52 =	vadd.s32 v45, v41;
	v54 =	vld [tilespmem:s25+$0xB0];
	[tilespmem:v35+s18+$0x0] =	vst.idx.msk $0xffff, v0;
	v0 =	vadd.f32 v39, v33  }
0x456: {  	v61 =	vadd.s32 v50, v38;
	[tilespmem:v36+s18+$0x0] =	vst.idx.msk $0xffff, v3  }
0x457: {  	v3 =	vadd.s32 v48, v37;
	[tilespmem:v46+s18+$0x0] =	vst.idx.msk $0xffff, v0;
	v0 =	vadd.f32 v49, v33  }
0x458: {  	[tilespmem:v42+s18+$0x0] =	vst.idx.msk $0xffff, v2;
	v2 =	vadd.f32 v43, v33  }
0x459: {  	[tilespmem:v55+s18+$0x0] =	vst.idx.msk $0xffff, v0;
	v0 =	vadd.f32 v56, v33  }
0x45a: {  	[tilespmem:v52+s18+$0x0] =	vst.idx.msk $0xffff, v2;
	v2 =	vadd.f32 v54, v33  }
0x45b: {  	s0 =	sor.u32 @!p0 $0x80, s23;
	[tilespmem:v61+s18+$0x0] =	vst.idx.msk $0xffff, v0  }
0x45c: {  	s2 =	simm.s32 @!p0 $0x80;
	s5 =	simm.s32 @!p0 $0xA400;
	s31 =	sshll.u32 s24, $0x12;
	[tilespmem:v3+s18+$0x0] =	vst.idx.msk $0xffff, v2  }
0x45d: {  	[tilespmem:s5], [sflag:$0x2] =	stream.indirect.gather @!p0 [hbm4b:s3+s2], $0x80, s0, s2, $0xb8;
	[tilespmem:$0x1F480] =	vst v63  }
0x45e: {  	s0 =	sor.u32 s8, s31  }
0x45f: {  	s0 =	sshrl.u32 s0, $0x3  }
0x460: {  	s24 =	simm.s32 $0x16600;
	s23 =	sadd.s32 s4, s0  }
0x461: {  	v19 =	vmov v29;
	s26 =	simm.s32 $0x16808;
	v40 =	vmov v62;
	s25 =	simm.s32 $0x200;
	v2 =	vmov v28;
	s28 =	sadd.s32 $0x0, s23  }
.LBB2_21:
0x462: {  	[hbm4b:s28+s1] =	stream.linear.scatter [tilespmem:s24], [sflag:$0x4], $0x200, $0x38;
	[tilespmem:$0x1F480] =	vst v63  }
0x463: {  	s0 =	smov.u32 s25;
	s24 =	smov.u32 s26;
	p0 =	sne.s32 s25, $0x7E00  }
.Ltmp9:
0x464: {  	s25 =	sadd.s32 $0x200, s25;
	(pc) =	sbr.rel @p0 .LBB2_21-.Ltmp9, $2  }
0x465: {  	_ =	sdelay $0x2  }
0x466: {  	s26 =	sadd.s32 $0x208, s26;
	s28 =	sadd.s32 s0, s23  }
0x467: {  	s22 =	sadd.s32 $0x1, s22  }
0x468: {  	p0 =	sne.s32 s22, $0x19  }
.Ltmp10:
0x469: {  	_ = 	snop;
	(pc) =	sbr.rel @p0 .LBB2_2-.Ltmp10, $2  }
0x46a: {  	_ =	sdelay $0x2  }
0x46b: {  	[hbm4b:s28+s1] =	stream.linear.scatter [tilespmem:s24], [sflag:$0x4], $0x200, $0x38;
	v61 =	vmov v63;
	v28 =	vmov v60;
	[tilespmem:$0x1F480] =	vst v63  }
0x46c: {  	s21 =	sadd.s32 $0x1, s21  }
0x46d: {  	_ =	swait.ge [sflag:s19], $0x8000;
	p0 =	sne.s32 s21, s9  }
.Ltmp11:
0x46e: {  	[sflag:s19] =	ssyncset.done $0x0;
	(pc) =	sbr.rel @p0 .LBB2_1-.Ltmp11, $4  }
0x46f: {  	[sflag:s19] =	ssyncadd.s32 $0xFFFF8000  }
0x470: {  	_ =	swait.ge [sflag:s20], $0x8000  }
0x471: {  	[sflag:s20] =	ssyncset.done $0x0  }
0x472: {  	[sflag:s20] =	ssyncadd.s32 $0xFFFF8000  }
0x473: {  	_ =	sfence.sel $0x180000  }
0x474: {  	[bflag:$0x0] =	sbarrier.arrive $0xFFFF  }
0x475: {  	_ =	strace $0x90000047  }
0x476: {  	s0 =	stileid.u32;
	[bflag:$0x2] =	sbarrier.arrive $0xFFFF  }
0x477: {  	p0 =	sne.s32 s0, $0x0;
	s0 =	rddreg [dreg:$0x2]  }
0x478: {  	s0 =	sadd.s32 @!p0 $0x100000, s0  }
0x479: {  	[sflag:s0] =	ssyncadd.tile.s32 @!p0 $0x1;
	_ =	shalt  }
.Lfunc_end2:
_tile_overlayer_lowered:
.L_overlay_start_2:
0x47a: {  	(tag) =	ssettag $0x2  }
0x47b: {  	s0 =	rddreg [dreg:$0x0];
	s2 =	stileid.u32  }
0x47c: {  	s1 =	rddreg [dreg:$0x1];
	p0 =	sne.s32 s2, $0x0  }
0x47d: {  	s3 =	rddreg [dreg:$0x2];
	[bflag:$0x3] =	sbarrier.arrive $0xFFFF;
	s2 =	simm.s32 @!p0 $0x1C05  }
0x47e: {  	[timem:s3], [sflag:s2] =	dma.local @!p0 [hbm:s0], s1  }
0x47f: {  	s0 =	simm.s32 @!p0 $0x5  }
0x480: {  	_ =	swait.ge @!p0 [sflag:s0], s1  }
0x481: {  	s1 =	ssub.s32 @!p0 $0x0, s1;
	[sflag:s0] =	ssyncset.done @!p0 $0x0  }
0x482: {  	[sflag:s0] =	ssyncadd.s32 @!p0 s1  }
0x483: {  	[bflag:$0x3] =	sbarrier.arrive $0xFFFF  }
0x484: {  	_ =	shalt  }

</sc_bundles>
